<compile_context>
chip_gen: v7x
topology: tpu7x:2x2x1
jax: 0.10.2.dev20260603
libtpu: 0.0.44.dev20260713+nightly
codegen_flags: <defaults>
</compile_context>

<pallas_src>
import functools

import jax
import jax.numpy as jnp
from jax import lax
from jax.experimental import pallas as pl
from jax.experimental.pallas import tpu as pltpu
from jax.experimental.pallas import tpu_sc as plsc

N = 10000
D = 128
E = 320000
NC = 2
NS = 16
NW = NC * NS
CHR = 125
CHW = 128
NCHUNK = 80
NJ = NCHUNK // 2
NP = 10112
ROWS_T = NP // NS


def _deg_body(dst_hbm, ones_hbm, zeros_hbm, out_hbm,
              i0v, i1v, i2v, i3v, ones_v, acc_sh,
              si0, si1, si2, si3, ss0, ss1, ss2, ss3):
  c = lax.axis_index("c")
  s = lax.axis_index("s")
  wid = s * NC + c
  bufs = (i0v, i1v, i2v, i3v)
  sidx = (si0, si1, si2, si3)
  ssc = (ss0, ss1, ss2, ss3)
  for k in range(4):
    pltpu.async_copy(dst_hbm.at[wid, k], bufs[k], sidx[k])
  pltpu.sync_copy(ones_hbm, ones_v)
  pltpu.sync_copy(zeros_hbm.at[pl.ds(s * ROWS_T, ROWS_T)],
                  acc_sh.at[pl.ds(s * ROWS_T, ROWS_T)])
  plsc.subcore_barrier()

  def body(j, carry):
    i0 = 4 * j
    for k in range(4):
      pltpu.make_async_copy(dst_hbm.at[wid, i0 + k], bufs[k], sidx[k]).wait()
      pltpu.async_copy(ones_v, acc_sh.at[bufs[k].at[0]], ssc[k], add=True)
    for k in range(4):
      pltpu.make_async_copy(ones_v, acc_sh.at[bufs[k].at[0]], ssc[k]).wait()

      @pl.when(j + 1 < NCHUNK // 4)
      def _():
        pltpu.async_copy(dst_hbm.at[wid, i0 + 4 + k], bufs[k], sidx[k])

    return carry

  lax.fori_loop(0, NCHUNK // 4, body, 0)
  plsc.subcore_barrier()
  pltpu.sync_copy(acc_sh.at[pl.ds(s * ROWS_T, ROWS_T)],
                  out_hbm.at[c, pl.ds(s * ROWS_T, ROWS_T)])


@functools.cache
def _deg_kernel():
  mesh = plsc.VectorSubcoreMesh(
      core_axis_name="c", subcore_axis_name="s", num_cores=NC, num_subcores=NS)
  return pl.kernel(
      _deg_body,
      out_type=jax.ShapeDtypeStruct((NC, NP, D), jnp.float32),
      mesh=mesh,
      scratch_types=[
          pltpu.VMEM((1, CHW), jnp.int32),
          pltpu.VMEM((1, CHW), jnp.int32),
          pltpu.VMEM((1, CHW), jnp.int32),
          pltpu.VMEM((1, CHW), jnp.int32),
          pltpu.VMEM((CHW, D), jnp.float32),
          pltpu.VMEM_SHARED((NP, D), jnp.float32),
          pltpu.SemaphoreType.DMA,
          pltpu.SemaphoreType.DMA,
          pltpu.SemaphoreType.DMA,
          pltpu.SemaphoreType.DMA,
          pltpu.SemaphoreType.DMA,
          pltpu.SemaphoreType.DMA,
          pltpu.SemaphoreType.DMA,
          pltpu.SemaphoreType.DMA,
      ],
  )


def _gs_body(idx_hbm, u_hbm, zeros_hbm, out_hbm,
             ia, ib, rows0, rows1, acc_sh, sib, sg0, sg1, ss0, ss1):
  c = lax.axis_index("c")
  s = lax.axis_index("s")
  wid = s * NC + c
  pltpu.sync_copy(idx_hbm.at[wid, 0], ia)
  pltpu.async_copy(u_hbm.at[ia.at[0]], rows0, sg0)
  pltpu.async_copy(idx_hbm.at[wid, 1], ib, sib)
  pltpu.sync_copy(zeros_hbm.at[pl.ds(s * ROWS_T, ROWS_T)],
                  acc_sh.at[pl.ds(s * ROWS_T, ROWS_T)])
  plsc.subcore_barrier()

  def body(j, carry):
    i0 = 2 * j
    pltpu.make_async_copy(idx_hbm.at[wid, i0 + 1], ib, sib).wait()
    pltpu.async_copy(u_hbm.at[ib.at[0]], rows1, sg1)
    pltpu.make_async_copy(u_hbm.at[ia.at[0]], rows0, sg0).wait()
    pltpu.async_copy(rows0, acc_sh.at[ia.at[1]], ss0, add=True)
    pltpu.make_async_copy(u_hbm.at[ib.at[0]], rows1, sg1).wait()
    pltpu.async_copy(rows1, acc_sh.at[ib.at[1]], ss1, add=True)
    pltpu.make_async_copy(rows0, acc_sh.at[ia.at[1]], ss0).wait()

    @pl.when(j + 1 < NJ)
    def _():
      pltpu.sync_copy(idx_hbm.at[wid, i0 + 2], ia)
      pltpu.async_copy(u_hbm.at[ia.at[0]], rows0, sg0)

    pltpu.make_async_copy(rows1, acc_sh.at[ib.at[1]], ss1).wait()

    @pl.when(j + 1 < NJ)
    def _():
      pltpu.async_copy(idx_hbm.at[wid, i0 + 3], ib, sib)

    return carry

  lax.fori_loop(0, NJ, body, 0)
  plsc.subcore_barrier()
  pltpu.sync_copy(acc_sh.at[pl.ds(s * ROWS_T, ROWS_T)],
                  out_hbm.at[c, pl.ds(s * ROWS_T, ROWS_T)])


@functools.cache
def _gs_kernel():
  mesh = plsc.VectorSubcoreMesh(
      core_axis_name="c", subcore_axis_name="s", num_cores=NC, num_subcores=NS)
  return pl.kernel(
      _gs_body,
      out_type=jax.ShapeDtypeStruct((NC, NP, D), jnp.float32),
      mesh=mesh,
      scratch_types=[
          pltpu.VMEM((2, CHW), jnp.int32),
          pltpu.VMEM((2, CHW), jnp.int32),
          pltpu.VMEM((CHW, D), jnp.float32),
          pltpu.VMEM((CHW, D), jnp.float32),
          pltpu.VMEM_SHARED((NP, D), jnp.float32),
          pltpu.SemaphoreType.DMA,
          pltpu.SemaphoreType.DMA,
          pltpu.SemaphoreType.DMA,
          pltpu.SemaphoreType.DMA,
          pltpu.SemaphoreType.DMA,
      ],
  )


def _tc_head_body(degp_ref, x_ref, w_ref, u_ref, dis_ref):
  degp = degp_ref[...]
  deg = jnp.sum(degp[0, :N] + degp[1, :N], axis=1, keepdims=True) / D + 1.0
  dis = lax.rsqrt(deg)
  u_ref[...] = dis * jnp.dot(x_ref[...], w_ref[...],
                             preferred_element_type=jnp.float32)
  dis_ref[...] = dis


_tc_head = pl.pallas_call(
    _tc_head_body,
    out_shape=(jax.ShapeDtypeStruct((N, D), jnp.float32),
               jax.ShapeDtypeStruct((N, 1), jnp.float32)),
)


def _bn_relu(p, u, dis, b, g, be):
  y = jax.nn.relu(dis * (p[0, :N] + p[1, :N] + u) + b)
  m = jnp.mean(y, axis=0, keepdims=True)
  yc = y - m
  v = jnp.mean(yc * yc, axis=0, keepdims=True)
  return g * yc * lax.rsqrt(v + 1e-5) + be


def _tc_mid_body(p_ref, u_ref, dis_ref, b_ref, g_ref, be_ref, w_ref, unext_ref):
  dis = dis_ref[...]
  xbn = _bn_relu(p_ref[...], u_ref[...], dis, b_ref[...], g_ref[...],
                 be_ref[...])
  unext_ref[...] = dis * jnp.dot(xbn, w_ref[...],
                                 preferred_element_type=jnp.float32)


_tc_mid = pl.pallas_call(
    _tc_mid_body,
    out_shape=jax.ShapeDtypeStruct((N, D), jnp.float32),
)


def _tc_tail_body(p_ref, u_ref, dis_ref, b_ref, g_ref, be_ref, out_ref):
  out_ref[...] = _bn_relu(p_ref[...], u_ref[...], dis_ref[...], b_ref[...],
                          g_ref[...], be_ref[...])


_tc_tail = pl.pallas_call(
    _tc_tail_body,
    out_shape=jax.ShapeDtypeStruct((N, D), jnp.float32),
)


def _pack_edges(ei):
  npad = CHW - CHR
  src = ei[0].reshape(NW, NCHUNK, CHR)
  dst = ei[1].reshape(NW, NCHUNK, CHR)
  base = (jnp.arange(NW * NCHUNK, dtype=jnp.int32) * 7).reshape(NW, NCHUNK, 1)
  off = jnp.arange(npad, dtype=jnp.int32).reshape(1, 1, npad)
  pad_src = (base + off) % N
  pad_dst = N + (base + off) % (NP - N)
  src = jnp.concatenate([src, pad_src], axis=2)
  dst = jnp.concatenate([dst, pad_dst], axis=2)
  idx4 = jnp.stack([src, dst], axis=2)
  return idx4, dst.reshape(NW, NCHUNK, 1, CHW)


@jax.jit
def kernel(edge_index, node_attr, edge_attr,
           W1, b1, g1, be1, W2, b2, g2, be2, W3, b3, g3, be3):
  del edge_attr
  idx4, dst4 = _pack_edges(edge_index.astype(jnp.int32))
  zeros_d = jnp.zeros((NP, D), jnp.float32)
  ones_w = jnp.ones((CHW, D), jnp.float32)
  row = lambda a: a.reshape(1, D)

  degp = _deg_kernel()(dst4, ones_w, zeros_d)
  u1, dis = _tc_head(degp, node_attr, W1)
  gs = _gs_kernel()
  p1 = gs(idx4, u1, zeros_d)
  u2 = _tc_mid(p1, u1, dis, row(b1), row(g1), row(be1), W2)
  p2 = gs(idx4, u2, zeros_d)
  u3 = _tc_mid(p2, u2, dis, row(b2), row(g2), row(be2), W3)
  p3 = gs(idx4, u3, zeros_d)
  return _tc_tail(p3, u3, dis, row(b3), row(g3), row(be3))

# --- scband reference (transcript-rebuilt; emitter-appended) ---
"""Pipeline reference for scband-gcnencoder-17463337025613 (READ-ONLY COPY).

The authoritative reference and input builder live on the scoring server;
editing this copy changes nothing except your own understanding.
"""

import jax, jax.numpy as jnp
import numpy as np

DIM = 128
N_NODES = 10000
N_EDGES = 320000
D_EDGE = 16


def gcn_conv(x, edge_index, W, b):
    N = x.shape[0]
    src = edge_index[0]
    dst = edge_index[1]
    loop = jnp.arange(N, dtype=edge_index.dtype)
    src = jnp.concatenate([src, loop])
    dst = jnp.concatenate([dst, loop])
    deg = jnp.zeros((N,), dtype=x.dtype).at[dst].add(1.0)
    deg_inv_sqrt = jnp.where(deg > 0, 1.0 / jnp.sqrt(deg), 0.0)
    norm = deg_inv_sqrt[src] * deg_inv_sqrt[dst]
    h = x @ W
    msg = h[src] * norm[:, None]
    out = jax.ops.segment_sum(msg, dst, num_segments=N)
    return out + b


def batch_norm(x, gamma, beta, eps=1e-5):
    m = jnp.mean(x, axis=0)
    v = jnp.mean((x - m) ** 2, axis=0)
    return gamma * (x - m) / jnp.sqrt(v + eps) + beta


def setup_inputs(seed: int = 0) -> dict:
    key = jax.random.key(seed)
    ks = jax.random.split(key, 12)
    edge_index = jax.random.randint(ks[0], (2, N_EDGES), 0, N_NODES, dtype=jnp.int64)
    node_attr = jax.random.normal(ks[1], (N_NODES, DIM), dtype=jnp.float32)
    edge_attr = jax.random.normal(ks[2], (N_EDGES, D_EDGE), dtype=jnp.float32)
    s = 1.0 / np.sqrt(DIM)
    W1 = jax.random.uniform(ks[3], (DIM, DIM), jnp.float32, -s, s)
    b1 = jnp.zeros((DIM,), jnp.float32)
    W2 = jax.random.uniform(ks[4], (DIM, DIM), jnp.float32, -s, s)
    b2 = jnp.zeros((DIM,), jnp.float32)
    W3 = jax.random.uniform(ks[5], (DIM, DIM), jnp.float32, -s, s)
    b3 = jnp.zeros((DIM,), jnp.float32)
    g1 = jnp.ones((DIM,), jnp.float32); be1 = jnp.zeros((DIM,), jnp.float32)
    g2 = jnp.ones((DIM,), jnp.float32); be2 = jnp.zeros((DIM,), jnp.float32)
    g3 = jnp.ones((DIM,), jnp.float32); be3 = jnp.zeros((DIM,), jnp.float32)
    return {"edge_index": edge_index, "node_attr": node_attr, "edge_attr": edge_attr,
            "W1": W1, "b1": b1, "g1": g1, "be1": be1,
            "W2": W2, "b2": b2, "g2": g2, "be2": be2,
            "W3": W3, "b3": b3, "g3": g3, "be3": be3}


def reference(edge_index, node_attr, edge_attr,
              W1, b1, g1, be1, W2, b2, g2, be2, W3, b3, g3, be3):
    # edge_attr is accepted by the original forward but unused
    x = jax.nn.relu(gcn_conv(node_attr, edge_index, W1, b1))
    x = batch_norm(x, g1, be1)
    x = jax.nn.relu(gcn_conv(x, edge_index, W2, b2))
    x = batch_norm(x, g2, be2)
    x = jax.nn.relu(gcn_conv(x, edge_index, W3, b3))
    x = batch_norm(x, g3, be3)
    return x

if __name__ == "__main__":
    import jax
    _d = setup_inputs()
    print(jax.jit(kernel)(*tuple(_d.values())))

</pallas_src>

<mosaic_0001>
#map = affine_map<(d0, d1) -> (0, 0, 0, 0)>
#map1 = affine_map<(d0, d1) -> (0, 0)>
#map2 = affine_map<(d0, d1) -> (0, 0, 0)>
module attributes {stable_mosaic.version = 14 : i64} {
  func.func @_deg_body(%arg0: i32, %arg1: i32, %arg2: memref<32x80x1x128xi32, #tpu.memory_space<hbm>>, %arg3: memref<128x128xf32, #tpu.memory_space<hbm>>, %arg4: memref<10112x128xf32, #tpu.memory_space<hbm>>, %arg5: memref<2x10112x128xf32, #tpu.memory_space<hbm>>, %arg6: memref<1x128xi32, #tpu.memory_space<vmem>>, %arg7: memref<1x128xi32, #tpu.memory_space<vmem>>, %arg8: memref<1x128xi32, #tpu.memory_space<vmem>>, %arg9: memref<1x128xi32, #tpu.memory_space<vmem>>, %arg10: memref<128x128xf32, #tpu.memory_space<vmem>>, %arg11: memref<10112x128xf32, #tpu.memory_space<vmem_shared>>, %arg12: memref<!tpu.dma_semaphore, #tpu.memory_space<semaphore_mem>>, %arg13: memref<!tpu.dma_semaphore, #tpu.memory_space<semaphore_mem>>, %arg14: memref<!tpu.dma_semaphore, #tpu.memory_space<semaphore_mem>>, %arg15: memref<!tpu.dma_semaphore, #tpu.memory_space<semaphore_mem>>, %arg16: memref<!tpu.dma_semaphore, #tpu.memory_space<semaphore_mem>>, %arg17: memref<!tpu.dma_semaphore, #tpu.memory_space<semaphore_mem>>, %arg18: memref<!tpu.dma_semaphore, #tpu.memory_space<semaphore_mem>>, %arg19: memref<!tpu.dma_semaphore, #tpu.memory_space<semaphore_mem>>) attributes {dimension_semantics = [#tpu.dimension_semantics<core_parallel>, #tpu.dimension_semantics<subcore_parallel>], iteration_bounds = array<i64: 2, 16>, scalar_prefetch = 0 : i64, scratch_operands = 14 : i64, tpu.core_type = #tpu.core_type<sc_vector_subcore>, window_params = [{transform_indices = #map}, {transform_indices = #map1}, {transform_indices = #map1}, {transform_indices = #map2}]} {
    %mul3A = arith.constant 2 : i32
    %mul3A_0 = arith.muli %arg1, %mul3A : i32
    %add3A = arith.addi %mul3A_0, %arg0 : i32
    %dma_start3A = arith.constant 0 : i32
    %dma_start3A_1 = arith.constant 0 : i32
    %dma_start3A_2 = arith.constant 0 : i32
    %dma_start3A_3 = tpu.memref_slice %arg2[%add3A, %dma_start3A, %dma_start3A_1, %dma_start3A_2] : memref<32x80x1x128xi32, #tpu.memory_space<hbm>> -> memref<1x1x1x128xi32, #tpu.memory_space<hbm>>
    %dma_start3A_4 = tpu.memref_squeeze %dma_start3A_3 : memref<1x1x1x128xi32, #tpu.memory_space<hbm>> -> memref<1x128xi32, #tpu.memory_space<hbm>>
    %dma_start3A_5 = arith.constant 0 : i32
    %dma_start3A_6 = arith.constant 0 : i32
    %dma_start3A_7 = tpu.memref_slice %arg2[%add3A, %dma_start3A, %dma_start3A_5, %dma_start3A_6] : memref<32x80x1x128xi32, #tpu.memory_space<hbm>> -> memref<1x1x1x128xi32, #tpu.memory_space<hbm>>
    %dma_start3A_8 = tpu.memref_squeeze %dma_start3A_7 : memref<1x1x1x128xi32, #tpu.memory_space<hbm>> -> memref<1x128xi32, #tpu.memory_space<hbm>>
    tpu.enqueue_dma source(%dma_start3A_8 : memref<1x128xi32, #tpu.memory_space<hbm>>) target(%arg6 : memref<1x128xi32, #tpu.memory_space<vmem>>) target_semaphore(%arg12 : memref<!tpu.dma_semaphore, #tpu.memory_space<semaphore_mem>>)
    %dma_start3A_9 = arith.constant 1 : i32
    %dma_start3A_10 = arith.constant 0 : i32
    %dma_start3A_11 = arith.constant 0 : i32
    %dma_start3A_12 = tpu.memref_slice %arg2[%add3A, %dma_start3A_9, %dma_start3A_10, %dma_start3A_11] : memref<32x80x1x128xi32, #tpu.memory_space<hbm>> -> memref<1x1x1x128xi32, #tpu.memory_space<hbm>>
    %dma_start3A_13 = tpu.memref_squeeze %dma_start3A_12 : memref<1x1x1x128xi32, #tpu.memory_space<hbm>> -> memref<1x128xi32, #tpu.memory_space<hbm>>
    %dma_start3A_14 = arith.constant 0 : i32
    %dma_start3A_15 = arith.constant 0 : i32
    %dma_start3A_16 = tpu.memref_slice %arg2[%add3A, %dma_start3A_9, %dma_start3A_14, %dma_start3A_15] : memref<32x80x1x128xi32, #tpu.memory_space<hbm>> -> memref<1x1x1x128xi32, #tpu.memory_space<hbm>>
    %dma_start3A_17 = tpu.memref_squeeze %dma_start3A_16 : memref<1x1x1x128xi32, #tpu.memory_space<hbm>> -> memref<1x128xi32, #tpu.memory_space<hbm>>
    tpu.enqueue_dma source(%dma_start3A_17 : memref<1x128xi32, #tpu.memory_space<hbm>>) target(%arg7 : memref<1x128xi32, #tpu.memory_space<vmem>>) target_semaphore(%arg13 : memref<!tpu.dma_semaphore, #tpu.memory_space<semaphore_mem>>)
    %dma_start3A_18 = arith.constant 2 : i32
    %dma_start3A_19 = arith.constant 0 : i32
    %dma_start3A_20 = arith.constant 0 : i32
    %dma_start3A_21 = tpu.memref_slice %arg2[%add3A, %dma_start3A_18, %dma_start3A_19, %dma_start3A_20] : memref<32x80x1x128xi32, #tpu.memory_space<hbm>> -> memref<1x1x1x128xi32, #tpu.memory_space<hbm>>
    %dma_start3A_22 = tpu.memref_squeeze %dma_start3A_21 : memref<1x1x1x128xi32, #tpu.memory_space<hbm>> -> memref<1x128xi32, #tpu.memory_space<hbm>>
    %dma_start3A_23 = arith.constant 0 : i32
    %dma_start3A_24 = arith.constant 0 : i32
    %dma_start3A_25 = tpu.memref_slice %arg2[%add3A, %dma_start3A_18, %dma_start3A_23, %dma_start3A_24] : memref<32x80x1x128xi32, #tpu.memory_space<hbm>> -> memref<1x1x1x128xi32, #tpu.memory_space<hbm>>
    %dma_start3A_26 = tpu.memref_squeeze %dma_start3A_25 : memref<1x1x1x128xi32, #tpu.memory_space<hbm>> -> memref<1x128xi32, #tpu.memory_space<hbm>>
    tpu.enqueue_dma source(%dma_start3A_26 : memref<1x128xi32, #tpu.memory_space<hbm>>) target(%arg8 : memref<1x128xi32, #tpu.memory_space<vmem>>) target_semaphore(%arg14 : memref<!tpu.dma_semaphore, #tpu.memory_space<semaphore_mem>>)
    %dma_start3A_27 = arith.constant 3 : i32
    %dma_start3A_28 = arith.constant 0 : i32
    %dma_start3A_29 = arith.constant 0 : i32
    %dma_start3A_30 = tpu.memref_slice %arg2[%add3A, %dma_start3A_27, %dma_start3A_28, %dma_start3A_29] : memref<32x80x1x128xi32, #tpu.memory_space<hbm>> -> memref<1x1x1x128xi32, #tpu.memory_space<hbm>>
    %dma_start3A_31 = tpu.memref_squeeze %dma_start3A_30 : memref<1x1x1x128xi32, #tpu.memory_space<hbm>> -> memref<1x128xi32, #tpu.memory_space<hbm>>
    %dma_start3A_32 = arith.constant 0 : i32
    %dma_start3A_33 = arith.constant 0 : i32
    %dma_start3A_34 = tpu.memref_slice %arg2[%add3A, %dma_start3A_27, %dma_start3A_32, %dma_start3A_33] : memref<32x80x1x128xi32, #tpu.memory_space<hbm>> -> memref<1x1x1x128xi32, #tpu.memory_space<hbm>>
    %dma_start3A_35 = tpu.memref_squeeze %dma_start3A_34 : memref<1x1x1x128xi32, #tpu.memory_space<hbm>> -> memref<1x128xi32, #tpu.memory_space<hbm>>
    tpu.enqueue_dma source(%dma_start3A_35 : memref<1x128xi32, #tpu.memory_space<hbm>>) target(%arg9 : memref<1x128xi32, #tpu.memory_space<vmem>>) target_semaphore(%arg15 : memref<!tpu.dma_semaphore, #tpu.memory_space<semaphore_mem>>)
    "tpu.region"() ({
      %run_scoped3A = tpu.sem_alloc : memref<!tpu.dma_semaphore, #tpu.memory_space<semaphore_mem>>
      tpu.enqueue_dma source(%arg3 : memref<128x128xf32, #tpu.memory_space<hbm>>) target(%arg10 : memref<128x128xf32, #tpu.memory_space<vmem>>) target_semaphore(%run_scoped3A : memref<!tpu.dma_semaphore, #tpu.memory_space<semaphore_mem>>)
      tpu.wait_dma2 semaphore(%run_scoped3A : memref<!tpu.dma_semaphore, #tpu.memory_space<semaphore_mem>>) src(%arg3 : memref<128x128xf32, #tpu.memory_space<hbm>>) dst(%arg10 : memref<128x128xf32, #tpu.memory_space<vmem>>)
      tpu.yield
    }) : () -> ()
    %mul3A_36 = arith.constant 632 : i32
    %mul3A_37 = arith.muli %arg1, %mul3A_36 : i32
    %mul3A_38 = arith.constant 632 : i32
    %mul3A_39 = arith.muli %arg1, %mul3A_38 : i32
    "tpu.region"() ({
      %run_scoped3A = tpu.sem_alloc : memref<!tpu.dma_semaphore, #tpu.memory_space<semaphore_mem>>
      %dma_start3A_50 = arith.constant 0 : i32
      %dma_start3A_51 = tpu.memref_slice %arg11[%mul3A_39, %dma_start3A_50] : memref<10112x128xf32, #tpu.memory_space<vmem_shared>> -> memref<632x128xf32, #tpu.memory_space<vmem_shared>>
      %dma_start3A_52 = arith.constant 0 : i32
      %dma_start3A_53 = tpu.memref_slice %arg4[%mul3A_37, %dma_start3A_52] : memref<10112x128xf32, #tpu.memory_space<hbm>> -> memref<632x128xf32, #tpu.memory_space<hbm>>
      tpu.enqueue_dma source(%dma_start3A_53 : memref<632x128xf32, #tpu.memory_space<hbm>>) target(%dma_start3A_51 : memref<632x128xf32, #tpu.memory_space<vmem_shared>>) target_semaphore(%run_scoped3A : memref<!tpu.dma_semaphore, #tpu.memory_space<semaphore_mem>>)
      %dma_wait3A = arith.constant 0 : i32
      %dma_wait3A_54 = tpu.memref_slice %arg11[%mul3A_39, %dma_wait3A] : memref<10112x128xf32, #tpu.memory_space<vmem_shared>> -> memref<632x128xf32, #tpu.memory_space<vmem_shared>>
      %dma_wait3A_55 = arith.constant 0 : i32
      %dma_wait3A_56 = tpu.memref_slice %arg4[%mul3A_37, %dma_wait3A_55] : memref<10112x128xf32, #tpu.memory_space<hbm>> -> memref<632x128xf32, #tpu.memory_space<hbm>>
      tpu.wait_dma2 semaphore(%run_scoped3A : memref<!tpu.dma_semaphore, #tpu.memory_space<semaphore_mem>>) src(%dma_wait3A_56 : memref<632x128xf32, #tpu.memory_space<hbm>>) dst(%dma_wait3A_54 : memref<632x128xf32, #tpu.memory_space<vmem_shared>>)
      tpu.yield
    }) : () -> ()
    %barrier3A = arith.constant 0 : index
    tpu.barrier barrier_id(%barrier3A)
    %scan3A = arith.constant 0 : i32
    %scan3A_40 = arith.constant 0 : i32
    %scan3A_41 = arith.constant 20 : i32
    %scan3A_42 = arith.addi %scan3A_40, %scan3A_41 : i32
    %scan3A_43 = arith.constant 1 : i32
    scf.for %scan3A_50 = %scan3A_40 to %scan3A_42 step %scan3A_43  : i32 {
      %mul3A_51 = arith.constant 4 : i32
      %mul3A_52 = arith.muli %mul3A_51, %scan3A_50 : i32
      %add3A_53 = arith.constant 0 : i32
      %add3A_54 = arith.addi %mul3A_52, %add3A_53 : i32
      %dma_wait3A = arith.constant 0 : i32
      %dma_wait3A_55 = arith.constant 0 : i32
      %dma_wait3A_56 = tpu.memref_slice %arg2[%add3A, %add3A_54, %dma_wait3A, %dma_wait3A_55] : memref<32x80x1x128xi32, #tpu.memory_space<hbm>> -> memref<1x1x1x128xi32, #tpu.memory_space<hbm>>
      %dma_wait3A_57 = tpu.memref_squeeze %dma_wait3A_56 : memref<1x1x1x128xi32, #tpu.memory_space<hbm>> -> memref<1x128xi32, #tpu.memory_space<hbm>>
      %dma_wait3A_58 = arith.constant 0 : i32
      %dma_wait3A_59 = arith.constant 0 : i32
      %dma_wait3A_60 = tpu.memref_slice %arg2[%add3A, %add3A_54, %dma_wait3A_58, %dma_wait3A_59] : memref<32x80x1x128xi32, #tpu.memory_space<hbm>> -> memref<1x1x1x128xi32, #tpu.memory_space<hbm>>
      %dma_wait3A_61 = tpu.memref_squeeze %dma_wait3A_60 : memref<1x1x1x128xi32, #tpu.memory_space<hbm>> -> memref<1x128xi32, #tpu.memory_space<hbm>>
      tpu.wait_dma2 semaphore(%arg12 : memref<!tpu.dma_semaphore, #tpu.memory_space<semaphore_mem>>) src(%dma_wait3A_61 : memref<1x128xi32, #tpu.memory_space<hbm>>) dst(%arg6 : memref<1x128xi32, #tpu.memory_space<vmem>>)
      %dma_start3A_62 = arith.constant 0 : i32
      %dma_start3A_63 = arith.constant 0 : i32
      %dma_start3A_64 = tpu.memref_slice %arg6[%dma_start3A_62, %dma_start3A_63] : memref<1x128xi32, #tpu.memory_space<vmem>> -> memref<1x128xi32, #tpu.memory_space<vmem>>
      %dma_start3A_65 = tpu.memref_squeeze %dma_start3A_64 : memref<1x128xi32, #tpu.memory_space<vmem>> -> memref<128xi32, #tpu.memory_space<vmem>>
      %dma_start3A_66 = arith.constant 0 : i32
      %dma_start3A_67 = arith.constant 0 : i32
      %dma_start3A_68 = tpu.memref_slice %arg11[%dma_start3A_66, %dma_start3A_67] : memref<10112x128xf32, #tpu.memory_space<vmem_shared>> -> memref<10112x128xf32, #tpu.memory_space<vmem_shared>>
      tpu.enqueue_indirect_dma source(%arg10 : memref<128x128xf32, #tpu.memory_space<vmem>>) target(%dma_start3A_68 : memref<10112x128xf32, #tpu.memory_space<vmem_shared>>) offsets(%dma_start3A_65 : memref<128xi32, #tpu.memory_space<vmem>>) semaphore(%arg16 : memref<!tpu.dma_semaphore, #tpu.memory_space<semaphore_mem>>) {add = true}
      %add3A_69 = arith.constant 1 : i32
      %add3A_70 = arith.addi %mul3A_52, %add3A_69 : i32
      %dma_wait3A_71 = arith.constant 0 : i32
      %dma_wait3A_72 = arith.constant 0 : i32
      %dma_wait3A_73 = tpu.memref_slice %arg2[%add3A, %add3A_70, %dma_wait3A_71, %dma_wait3A_72] : memref<32x80x1x128xi32, #tpu.memory_space<hbm>> -> memref<1x1x1x128xi32, #tpu.memory_space<hbm>>
      %dma_wait3A_74 = tpu.memref_squeeze %dma_wait3A_73 : memref<1x1x1x128xi32, #tpu.memory_space<hbm>> -> memref<1x128xi32, #tpu.memory_space<hbm>>
      %dma_wait3A_75 = arith.constant 0 : i32
      %dma_wait3A_76 = arith.constant 0 : i32
      %dma_wait3A_77 = tpu.memref_slice %arg2[%add3A, %add3A_70, %dma_wait3A_75, %dma_wait3A_76] : memref<32x80x1x128xi32, #tpu.memory_space<hbm>> -> memref<1x1x1x128xi32, #tpu.memory_space<hbm>>
      %dma_wait3A_78 = tpu.memref_squeeze %dma_wait3A_77 : memref<1x1x1x128xi32, #tpu.memory_space<hbm>> -> memref<1x128xi32, #tpu.memory_space<hbm>>
      tpu.wait_dma2 semaphore(%arg13 : memref<!tpu.dma_semaphore, #tpu.memory_space<semaphore_mem>>) src(%dma_wait3A_78 : memref<1x128xi32, #tpu.memory_space<hbm>>) dst(%arg7 : memref<1x128xi32, #tpu.memory_space<vmem>>)
      %dma_start3A_79 = arith.constant 0 : i32
      %dma_start3A_80 = arith.constant 0 : i32
      %dma_start3A_81 = tpu.memref_slice %arg7[%dma_start3A_79, %dma_start3A_80] : memref<1x128xi32, #tpu.memory_space<vmem>> -> memref<1x128xi32, #tpu.memory_space<vmem>>
      %dma_start3A_82 = tpu.memref_squeeze %dma_start3A_81 : memref<1x128xi32, #tpu.memory_space<vmem>> -> memref<128xi32, #tpu.memory_space<vmem>>
      %dma_start3A_83 = arith.constant 0 : i32
      %dma_start3A_84 = arith.constant 0 : i32
      %dma_start3A_85 = tpu.memref_slice %arg11[%dma_start3A_83, %dma_start3A_84] : memref<10112x128xf32, #tpu.memory_space<vmem_shared>> -> memref<10112x128xf32, #tpu.memory_space<vmem_shared>>
      tpu.enqueue_indirect_dma source(%arg10 : memref<128x128xf32, #tpu.memory_space<vmem>>) target(%dma_start3A_85 : memref<10112x128xf32, #tpu.memory_space<vmem_shared>>) offsets(%dma_start3A_82 : memref<128xi32, #tpu.memory_space<vmem>>) semaphore(%arg17 : memref<!tpu.dma_semaphore, #tpu.memory_space<semaphore_mem>>) {add = true}
      %add3A_86 = arith.constant 2 : i32
      %add3A_87 = arith.addi %mul3A_52, %add3A_86 : i32
      %dma_wait3A_88 = arith.constant 0 : i32
      %dma_wait3A_89 = arith.constant 0 : i32
      %dma_wait3A_90 = tpu.memref_slice %arg2[%add3A, %add3A_87, %dma_wait3A_88, %dma_wait3A_89] : memref<32x80x1x128xi32, #tpu.memory_space<hbm>> -> memref<1x1x1x128xi32, #tpu.memory_space<hbm>>
      %dma_wait3A_91 = tpu.memref_squeeze %dma_wait3A_90 : memref<1x1x1x128xi32, #tpu.memory_space<hbm>> -> memref<1x128xi32, #tpu.memory_space<hbm>>
      %dma_wait3A_92 = arith.constant 0 : i32
      %dma_wait3A_93 = arith.constant 0 : i32
      %dma_wait3A_94 = tpu.memref_slice %arg2[%add3A, %add3A_87, %dma_wait3A_92, %dma_wait3A_93] : memref<32x80x1x128xi32, #tpu.memory_space<hbm>> -> memref<1x1x1x128xi32, #tpu.memory_space<hbm>>
      %dma_wait3A_95 = tpu.memref_squeeze %dma_wait3A_94 : memref<1x1x1x128xi32, #tpu.memory_space<hbm>> -> memref<1x128xi32, #tpu.memory_space<hbm>>
      tpu.wait_dma2 semaphore(%arg14 : memref<!tpu.dma_semaphore, #tpu.memory_space<semaphore_mem>>) src(%dma_wait3A_95 : memref<1x128xi32, #tpu.memory_space<hbm>>) dst(%arg8 : memref<1x128xi32, #tpu.memory_space<vmem>>)
      %dma_start3A_96 = arith.constant 0 : i32
      %dma_start3A_97 = arith.constant 0 : i32
      %dma_start3A_98 = tpu.memref_slice %arg8[%dma_start3A_96, %dma_start3A_97] : memref<1x128xi32, #tpu.memory_space<vmem>> -> memref<1x128xi32, #tpu.memory_space<vmem>>
      %dma_start3A_99 = tpu.memref_squeeze %dma_start3A_98 : memref<1x128xi32, #tpu.memory_space<vmem>> -> memref<128xi32, #tpu.memory_space<vmem>>
      %dma_start3A_100 = arith.constant 0 : i32
      %dma_start3A_101 = arith.constant 0 : i32
      %dma_start3A_102 = tpu.memref_slice %arg11[%dma_start3A_100, %dma_start3A_101] : memref<10112x128xf32, #tpu.memory_space<vmem_shared>> -> memref<10112x128xf32, #tpu.memory_space<vmem_shared>>
      tpu.enqueue_indirect_dma source(%arg10 : memref<128x128xf32, #tpu.memory_space<vmem>>) target(%dma_start3A_102 : memref<10112x128xf32, #tpu.memory_space<vmem_shared>>) offsets(%dma_start3A_99 : memref<128xi32, #tpu.memory_space<vmem>>) semaphore(%arg18 : memref<!tpu.dma_semaphore, #tpu.memory_space<semaphore_mem>>) {add = true}
      %add3A_103 = arith.constant 3 : i32
      %add3A_104 = arith.addi %mul3A_52, %add3A_103 : i32
      %dma_wait3A_105 = arith.constant 0 : i32
      %dma_wait3A_106 = arith.constant 0 : i32
      %dma_wait3A_107 = tpu.memref_slice %arg2[%add3A, %add3A_104, %dma_wait3A_105, %dma_wait3A_106] : memref<32x80x1x128xi32, #tpu.memory_space<hbm>> -> memref<1x1x1x128xi32, #tpu.memory_space<hbm>>
      %dma_wait3A_108 = tpu.memref_squeeze %dma_wait3A_107 : memref<1x1x1x128xi32, #tpu.memory_space<hbm>> -> memref<1x128xi32, #tpu.memory_space<hbm>>
      %dma_wait3A_109 = arith.constant 0 : i32
      %dma_wait3A_110 = arith.constant 0 : i32
      %dma_wait3A_111 = tpu.memref_slice %arg2[%add3A, %add3A_104, %dma_wait3A_109, %dma_wait3A_110] : memref<32x80x1x128xi32, #tpu.memory_space<hbm>> -> memref<1x1x1x128xi32, #tpu.memory_space<hbm>>
      %dma_wait3A_112 = tpu.memref_squeeze %dma_wait3A_111 : memref<1x1x1x128xi32, #tpu.memory_space<hbm>> -> memref<1x128xi32, #tpu.memory_space<hbm>>
      tpu.wait_dma2 semaphore(%arg15 : memref<!tpu.dma_semaphore, #tpu.memory_space<semaphore_mem>>) src(%dma_wait3A_112 : memref<1x128xi32, #tpu.memory_space<hbm>>) dst(%arg9 : memref<1x128xi32, #tpu.memory_space<vmem>>)
      %dma_start3A_113 = arith.constant 0 : i32
      %dma_start3A_114 = arith.constant 0 : i32
      %dma_start3A_115 = tpu.memref_slice %arg9[%dma_start3A_113, %dma_start3A_114] : memref<1x128xi32, #tpu.memory_space<vmem>> -> memref<1x128xi32, #tpu.memory_space<vmem>>
      %dma_start3A_116 = tpu.memref_squeeze %dma_start3A_115 : memref<1x128xi32, #tpu.memory_space<vmem>> -> memref<128xi32, #tpu.memory_space<vmem>>
      %dma_start3A_117 = arith.constant 0 : i32
      %dma_start3A_118 = arith.constant 0 : i32
      %dma_start3A_119 = tpu.memref_slice %arg11[%dma_start3A_117, %dma_start3A_118] : memref<10112x128xf32, #tpu.memory_space<vmem_shared>> -> memref<10112x128xf32, #tpu.memory_space<vmem_shared>>
      tpu.enqueue_indirect_dma source(%arg10 : memref<128x128xf32, #tpu.memory_space<vmem>>) target(%dma_start3A_119 : memref<10112x128xf32, #tpu.memory_space<vmem_shared>>) offsets(%dma_start3A_116 : memref<128xi32, #tpu.memory_space<vmem>>) semaphore(%arg19 : memref<!tpu.dma_semaphore, #tpu.memory_space<semaphore_mem>>) {add = true}
      %dma_wait3A_120 = arith.constant 0 : i32
      %dma_wait3A_121 = arith.constant 0 : i32
      %dma_wait3A_122 = tpu.memref_slice %arg6[%dma_wait3A_120, %dma_wait3A_121] : memref<1x128xi32, #tpu.memory_space<vmem>> -> memref<1x128xi32, #tpu.memory_space<vmem>>
      %dma_wait3A_123 = tpu.memref_squeeze %dma_wait3A_122 : memref<1x128xi32, #tpu.memory_space<vmem>> -> memref<128xi32, #tpu.memory_space<vmem>>
      %dma_wait3A_124 = arith.constant 0 : i32
      %dma_wait3A_125 = arith.constant 0 : i32
      %dma_wait3A_126 = tpu.memref_slice %arg11[%dma_wait3A_124, %dma_wait3A_125] : memref<10112x128xf32, #tpu.memory_space<vmem_shared>> -> memref<10112x128xf32, #tpu.memory_space<vmem_shared>>
      tpu.wait_indirect_dma semaphore(%arg16 : memref<!tpu.dma_semaphore, #tpu.memory_space<semaphore_mem>>) src(%arg10 : memref<128x128xf32, #tpu.memory_space<vmem>>) dst(%dma_wait3A_126 : memref<10112x128xf32, #tpu.memory_space<vmem_shared>>)
      %add3A_127 = arith.constant 1 : i32
      %add3A_128 = arith.addi %scan3A_50, %add3A_127 : i32
      %lt3A = arith.constant 20 : i32
      %lt3A_129 = arith.cmpi slt, %add3A_128, %lt3A : i32
      %convert_element_type3A = arith.extui %lt3A_129 : i1 to i32
      %cond3A = arith.constant 0 : i32
      %cond3A_130 = arith.cmpi ne, %convert_element_type3A, %cond3A : i32
      scf.if %cond3A_130 {
        %add3A_173 = arith.constant 4 : i32
        %add3A_174 = arith.addi %mul3A_52, %add3A_173 : i32
        %add3A_175 = arith.constant 0 : i32
        %add3A_176 = arith.addi %add3A_174, %add3A_175 : i32
        %dma_start3A_177 = arith.constant 0 : i32
        %dma_start3A_178 = arith.constant 0 : i32
        %dma_start3A_179 = tpu.memref_slice %arg2[%add3A, %add3A_176, %dma_start3A_177, %dma_start3A_178] : memref<32x80x1x128xi32, #tpu.memory_space<hbm>> -> memref<1x1x1x128xi32, #tpu.memory_space<hbm>>
        %dma_start3A_180 = tpu.memref_squeeze %dma_start3A_179 : memref<1x1x1x128xi32, #tpu.memory_space<hbm>> -> memref<1x128xi32, #tpu.memory_space<hbm>>
        %dma_start3A_181 = arith.constant 0 : i32
        %dma_start3A_182 = arith.constant 0 : i32
        %dma_start3A_183 = tpu.memref_slice %arg2[%add3A, %add3A_176, %dma_start3A_181, %dma_start3A_182] : memref<32x80x1x128xi32, #tpu.memory_space<hbm>> -> memref<1x1x1x128xi32, #tpu.memory_space<hbm>>
        %dma_start3A_184 = tpu.memref_squeeze %dma_start3A_183 : memref<1x1x1x128xi32, #tpu.memory_space<hbm>> -> memref<1x128xi32, #tpu.memory_space<hbm>>
        tpu.enqueue_dma source(%dma_start3A_184 : memref<1x128xi32, #tpu.memory_space<hbm>>) target(%arg6 : memref<1x128xi32, #tpu.memory_space<vmem>>) target_semaphore(%arg12 : memref<!tpu.dma_semaphore, #tpu.memory_space<semaphore_mem>>)
      } else {
      }
      %dma_wait3A_131 = arith.constant 0 : i32
      %dma_wait3A_132 = arith.constant 0 : i32
      %dma_wait3A_133 = tpu.memref_slice %arg7[%dma_wait3A_131, %dma_wait3A_132] : memref<1x128xi32, #tpu.memory_space<vmem>> -> memref<1x128xi32, #tpu.memory_space<vmem>>
      %dma_wait3A_134 = tpu.memref_squeeze %dma_wait3A_133 : memref<1x128xi32, #tpu.memory_space<vmem>> -> memref<128xi32, #tpu.memory_space<vmem>>
      %dma_wait3A_135 = arith.constant 0 : i32
      %dma_wait3A_136 = arith.constant 0 : i32
      %dma_wait3A_137 = tpu.memref_slice %arg11[%dma_wait3A_135, %dma_wait3A_136] : memref<10112x128xf32, #tpu.memory_space<vmem_shared>> -> memref<10112x128xf32, #tpu.memory_space<vmem_shared>>
      tpu.wait_indirect_dma semaphore(%arg17 : memref<!tpu.dma_semaphore, #tpu.memory_space<semaphore_mem>>) src(%arg10 : memref<128x128xf32, #tpu.memory_space<vmem>>) dst(%dma_wait3A_137 : memref<10112x128xf32, #tpu.memory_space<vmem_shared>>)
      %add3A_138 = arith.constant 1 : i32
      %add3A_139 = arith.addi %scan3A_50, %add3A_138 : i32
      %lt3A_140 = arith.constant 20 : i32
      %lt3A_141 = arith.cmpi slt, %add3A_139, %lt3A_140 : i32
      %convert_element_type3A_142 = arith.extui %lt3A_141 : i1 to i32
      %cond3A_143 = arith.constant 0 : i32
      %cond3A_144 = arith.cmpi ne, %convert_element_type3A_142, %cond3A_143 : i32
      scf.if %cond3A_144 {
        %add3A_173 = arith.constant 4 : i32
        %add3A_174 = arith.addi %mul3A_52, %add3A_173 : i32
        %add3A_175 = arith.constant 1 : i32
        %add3A_176 = arith.addi %add3A_174, %add3A_175 : i32
        %dma_start3A_177 = arith.constant 0 : i32
        %dma_start3A_178 = arith.constant 0 : i32
        %dma_start3A_179 = tpu.memref_slice %arg2[%add3A, %add3A_176, %dma_start3A_177, %dma_start3A_178] : memref<32x80x1x128xi32, #tpu.memory_space<hbm>> -> memref<1x1x1x128xi32, #tpu.memory_space<hbm>>
        %dma_start3A_180 = tpu.memref_squeeze %dma_start3A_179 : memref<1x1x1x128xi32, #tpu.memory_space<hbm>> -> memref<1x128xi32, #tpu.memory_space<hbm>>
        %dma_start3A_181 = arith.constant 0 : i32
        %dma_start3A_182 = arith.constant 0 : i32
        %dma_start3A_183 = tpu.memref_slice %arg2[%add3A, %add3A_176, %dma_start3A_181, %dma_start3A_182] : memref<32x80x1x128xi32, #tpu.memory_space<hbm>> -> memref<1x1x1x128xi32, #tpu.memory_space<hbm>>
        %dma_start3A_184 = tpu.memref_squeeze %dma_start3A_183 : memref<1x1x1x128xi32, #tpu.memory_space<hbm>> -> memref<1x128xi32, #tpu.memory_space<hbm>>
        tpu.enqueue_dma source(%dma_start3A_184 : memref<1x128xi32, #tpu.memory_space<hbm>>) target(%arg7 : memref<1x128xi32, #tpu.memory_space<vmem>>) target_semaphore(%arg13 : memref<!tpu.dma_semaphore, #tpu.memory_space<semaphore_mem>>)
      } else {
      }
      %dma_wait3A_145 = arith.constant 0 : i32
      %dma_wait3A_146 = arith.constant 0 : i32
      %dma_wait3A_147 = tpu.memref_slice %arg8[%dma_wait3A_145, %dma_wait3A_146] : memref<1x128xi32, #tpu.memory_space<vmem>> -> memref<1x128xi32, #tpu.memory_space<vmem>>
      %dma_wait3A_148 = tpu.memref_squeeze %dma_wait3A_147 : memref<1x128xi32, #tpu.memory_space<vmem>> -> memref<128xi32, #tpu.memory_space<vmem>>
      %dma_wait3A_149 = arith.constant 0 : i32
      %dma_wait3A_150 = arith.constant 0 : i32
      %dma_wait3A_151 = tpu.memref_slice %arg11[%dma_wait3A_149, %dma_wait3A_150] : memref<10112x128xf32, #tpu.memory_space<vmem_shared>> -> memref<10112x128xf32, #tpu.memory_space<vmem_shared>>
      tpu.wait_indirect_dma semaphore(%arg18 : memref<!tpu.dma_semaphore, #tpu.memory_space<semaphore_mem>>) src(%arg10 : memref<128x128xf32, #tpu.memory_space<vmem>>) dst(%dma_wait3A_151 : memref<10112x128xf32, #tpu.memory_space<vmem_shared>>)
      %add3A_152 = arith.constant 1 : i32
      %add3A_153 = arith.addi %scan3A_50, %add3A_152 : i32
      %lt3A_154 = arith.constant 20 : i32
      %lt3A_155 = arith.cmpi slt, %add3A_153, %lt3A_154 : i32
      %convert_element_type3A_156 = arith.extui %lt3A_155 : i1 to i32
      %cond3A_157 = arith.constant 0 : i32
      %cond3A_158 = arith.cmpi ne, %convert_element_type3A_156, %cond3A_157 : i32
      scf.if %cond3A_158 {
        %add3A_173 = arith.constant 4 : i32
        %add3A_174 = arith.addi %mul3A_52, %add3A_173 : i32
        %add3A_175 = arith.constant 2 : i32
        %add3A_176 = arith.addi %add3A_174, %add3A_175 : i32
        %dma_start3A_177 = arith.constant 0 : i32
        %dma_start3A_178 = arith.constant 0 : i32
        %dma_start3A_179 = tpu.memref_slice %arg2[%add3A, %add3A_176, %dma_start3A_177, %dma_start3A_178] : memref<32x80x1x128xi32, #tpu.memory_space<hbm>> -> memref<1x1x1x128xi32, #tpu.memory_space<hbm>>
        %dma_start3A_180 = tpu.memref_squeeze %dma_start3A_179 : memref<1x1x1x128xi32, #tpu.memory_space<hbm>> -> memref<1x128xi32, #tpu.memory_space<hbm>>
        %dma_start3A_181 = arith.constant 0 : i32
        %dma_start3A_182 = arith.constant 0 : i32
        %dma_start3A_183 = tpu.memref_slice %arg2[%add3A, %add3A_176, %dma_start3A_181, %dma_start3A_182] : memref<32x80x1x128xi32, #tpu.memory_space<hbm>> -> memref<1x1x1x128xi32, #tpu.memory_space<hbm>>
        %dma_start3A_184 = tpu.memref_squeeze %dma_start3A_183 : memref<1x1x1x128xi32, #tpu.memory_space<hbm>> -> memref<1x128xi32, #tpu.memory_space<hbm>>
        tpu.enqueue_dma source(%dma_start3A_184 : memref<1x128xi32, #tpu.memory_space<hbm>>) target(%arg8 : memref<1x128xi32, #tpu.memory_space<vmem>>) target_semaphore(%arg14 : memref<!tpu.dma_semaphore, #tpu.memory_space<semaphore_mem>>)
      } else {
      }
      %dma_wait3A_159 = arith.constant 0 : i32
      %dma_wait3A_160 = arith.constant 0 : i32
      %dma_wait3A_161 = tpu.memref_slice %arg9[%dma_wait3A_159, %dma_wait3A_160] : memref<1x128xi32, #tpu.memory_space<vmem>> -> memref<1x128xi32, #tpu.memory_space<vmem>>
      %dma_wait3A_162 = tpu.memref_squeeze %dma_wait3A_161 : memref<1x128xi32, #tpu.memory_space<vmem>> -> memref<128xi32, #tpu.memory_space<vmem>>
      %dma_wait3A_163 = arith.constant 0 : i32
      %dma_wait3A_164 = arith.constant 0 : i32
      %dma_wait3A_165 = tpu.memref_slice %arg11[%dma_wait3A_163, %dma_wait3A_164] : memref<10112x128xf32, #tpu.memory_space<vmem_shared>> -> memref<10112x128xf32, #tpu.memory_space<vmem_shared>>
      tpu.wait_indirect_dma semaphore(%arg19 : memref<!tpu.dma_semaphore, #tpu.memory_space<semaphore_mem>>) src(%arg10 : memref<128x128xf32, #tpu.memory_space<vmem>>) dst(%dma_wait3A_165 : memref<10112x128xf32, #tpu.memory_space<vmem_shared>>)
      %add3A_166 = arith.constant 1 : i32
      %add3A_167 = arith.addi %scan3A_50, %add3A_166 : i32
      %lt3A_168 = arith.constant 20 : i32
      %lt3A_169 = arith.cmpi slt, %add3A_167, %lt3A_168 : i32
      %convert_element_type3A_170 = arith.extui %lt3A_169 : i1 to i32
      %cond3A_171 = arith.constant 0 : i32
      %cond3A_172 = arith.cmpi ne, %convert_element_type3A_170, %cond3A_171 : i32
      scf.if %cond3A_172 {
        %add3A_173 = arith.constant 4 : i32
        %add3A_174 = arith.addi %mul3A_52, %add3A_173 : i32
        %add3A_175 = arith.constant 3 : i32
        %add3A_176 = arith.addi %add3A_174, %add3A_175 : i32
        %dma_start3A_177 = arith.constant 0 : i32
        %dma_start3A_178 = arith.constant 0 : i32
        %dma_start3A_179 = tpu.memref_slice %arg2[%add3A, %add3A_176, %dma_start3A_177, %dma_start3A_178] : memref<32x80x1x128xi32, #tpu.memory_space<hbm>> -> memref<1x1x1x128xi32, #tpu.memory_space<hbm>>
        %dma_start3A_180 = tpu.memref_squeeze %dma_start3A_179 : memref<1x1x1x128xi32, #tpu.memory_space<hbm>> -> memref<1x128xi32, #tpu.memory_space<hbm>>
        %dma_start3A_181 = arith.constant 0 : i32
        %dma_start3A_182 = arith.constant 0 : i32
        %dma_start3A_183 = tpu.memref_slice %arg2[%add3A, %add3A_176, %dma_start3A_181, %dma_start3A_182] : memref<32x80x1x128xi32, #tpu.memory_space<hbm>> -> memref<1x1x1x128xi32, #tpu.memory_space<hbm>>
        %dma_start3A_184 = tpu.memref_squeeze %dma_start3A_183 : memref<1x1x1x128xi32, #tpu.memory_space<hbm>> -> memref<1x128xi32, #tpu.memory_space<hbm>>
        tpu.enqueue_dma source(%dma_start3A_184 : memref<1x128xi32, #tpu.memory_space<hbm>>) target(%arg9 : memref<1x128xi32, #tpu.memory_space<vmem>>) target_semaphore(%arg15 : memref<!tpu.dma_semaphore, #tpu.memory_space<semaphore_mem>>)
      } else {
      }
    }
    %scan3A_44 = arith.constant 20 : i32
    %barrier3A_45 = arith.constant 0 : index
    tpu.barrier barrier_id(%barrier3A_45)
    %mul3A_46 = arith.constant 632 : i32
    %mul3A_47 = arith.muli %arg1, %mul3A_46 : i32
    %mul3A_48 = arith.constant 632 : i32
    %mul3A_49 = arith.muli %arg1, %mul3A_48 : i32
    "tpu.region"() ({
      %run_scoped3A = tpu.sem_alloc : memref<!tpu.dma_semaphore, #tpu.memory_space<semaphore_mem>>
      %dma_start3A_50 = arith.constant 0 : i32
      %dma_start3A_51 = tpu.memref_slice %arg5[%arg0, %mul3A_49, %dma_start3A_50] : memref<2x10112x128xf32, #tpu.memory_space<hbm>> -> memref<1x632x128xf32, #tpu.memory_space<hbm>>
      %dma_start3A_52 = tpu.memref_squeeze %dma_start3A_51 : memref<1x632x128xf32, #tpu.memory_space<hbm>> -> memref<632x128xf32, #tpu.memory_space<hbm>>
      %dma_start3A_53 = arith.constant 0 : i32
      %dma_start3A_54 = tpu.memref_slice %arg11[%mul3A_47, %dma_start3A_53] : memref<10112x128xf32, #tpu.memory_space<vmem_shared>> -> memref<632x128xf32, #tpu.memory_space<vmem_shared>>
      tpu.enqueue_dma source(%dma_start3A_54 : memref<632x128xf32, #tpu.memory_space<vmem_shared>>) target(%dma_start3A_52 : memref<632x128xf32, #tpu.memory_space<hbm>>) target_semaphore(%run_scoped3A : memref<!tpu.dma_semaphore, #tpu.memory_space<semaphore_mem>>)
      %dma_wait3A = arith.constant 0 : i32
      %dma_wait3A_55 = tpu.memref_slice %arg5[%arg0, %mul3A_49, %dma_wait3A] : memref<2x10112x128xf32, #tpu.memory_space<hbm>> -> memref<1x632x128xf32, #tpu.memory_space<hbm>>
      %dma_wait3A_56 = tpu.memref_squeeze %dma_wait3A_55 : memref<1x632x128xf32, #tpu.memory_space<hbm>> -> memref<632x128xf32, #tpu.memory_space<hbm>>
      %dma_wait3A_57 = arith.constant 0 : i32
      %dma_wait3A_58 = tpu.memref_slice %arg11[%mul3A_47, %dma_wait3A_57] : memref<10112x128xf32, #tpu.memory_space<vmem_shared>> -> memref<632x128xf32, #tpu.memory_space<vmem_shared>>
      tpu.wait_dma2 semaphore(%run_scoped3A : memref<!tpu.dma_semaphore, #tpu.memory_space<semaphore_mem>>) src(%dma_wait3A_58 : memref<632x128xf32, #tpu.memory_space<vmem_shared>>) dst(%dma_wait3A_56 : memref<632x128xf32, #tpu.memory_space<hbm>>)
      tpu.yield
    }) : () -> ()
    return
  }
}

#map = affine_map<(d0, d1) -> (0, 0, 0, 0)>
#map1 = affine_map<(d0, d1) -> (0, 0)>
#map2 = affine_map<(d0, d1) -> (0, 0, 0)>
module attributes {stable_mosaic.version = 14 : i64} {
  func.func @_gs_body(%arg0: i32, %arg1: i32, %arg2: memref<32x80x2x128xi32, #tpu.memory_space<hbm>>, %arg3: memref<10000x128xf32, #tpu.memory_space<hbm>>, %arg4: memref<10112x128xf32, #tpu.memory_space<hbm>>, %arg5: memref<2x10112x128xf32, #tpu.memory_space<hbm>>, %arg6: memref<2x128xi32, #tpu.memory_space<vmem>>, %arg7: memref<2x128xi32, #tpu.memory_space<vmem>>, %arg8: memref<128x128xf32, #tpu.memory_space<vmem>>, %arg9: memref<128x128xf32, #tpu.memory_space<vmem>>, %arg10: memref<10112x128xf32, #tpu.memory_space<vmem_shared>>, %arg11: memref<!tpu.dma_semaphore, #tpu.memory_space<semaphore_mem>>, %arg12: memref<!tpu.dma_semaphore, #tpu.memory_space<semaphore_mem>>, %arg13: memref<!tpu.dma_semaphore, #tpu.memory_space<semaphore_mem>>, %arg14: memref<!tpu.dma_semaphore, #tpu.memory_space<semaphore_mem>>, %arg15: memref<!tpu.dma_semaphore, #tpu.memory_space<semaphore_mem>>) attributes {dimension_semantics = [#tpu.dimension_semantics<core_parallel>, #tpu.dimension_semantics<subcore_parallel>], iteration_bounds = array<i64: 2, 16>, scalar_prefetch = 0 : i64, scratch_operands = 10 : i64, tpu.core_type = #tpu.core_type<sc_vector_subcore>, window_params = [{transform_indices = #map}, {transform_indices = #map1}, {transform_indices = #map1}, {transform_indices = #map2}]} {
    %mul3A = arith.constant 2 : i32
    %mul3A_0 = arith.muli %arg1, %mul3A : i32
    %add3A = arith.addi %mul3A_0, %arg0 : i32
    %run_scoped3A = arith.constant 0 : i32
    "tpu.region"() ({
      %run_scoped3A_30 = tpu.sem_alloc : memref<!tpu.dma_semaphore, #tpu.memory_space<semaphore_mem>>
      %dma_start3A_31 = arith.constant 0 : i32
      %dma_start3A_32 = arith.constant 0 : i32
      %dma_start3A_33 = tpu.memref_slice %arg2[%add3A, %run_scoped3A, %dma_start3A_31, %dma_start3A_32] : memref<32x80x2x128xi32, #tpu.memory_space<hbm>> -> memref<1x1x2x128xi32, #tpu.memory_space<hbm>>
      %dma_start3A_34 = tpu.memref_squeeze %dma_start3A_33 : memref<1x1x2x128xi32, #tpu.memory_space<hbm>> -> memref<2x128xi32, #tpu.memory_space<hbm>>
      %dma_start3A_35 = arith.constant 0 : i32
      %dma_start3A_36 = arith.constant 0 : i32
      %dma_start3A_37 = tpu.memref_slice %arg2[%add3A, %run_scoped3A, %dma_start3A_35, %dma_start3A_36] : memref<32x80x2x128xi32, #tpu.memory_space<hbm>> -> memref<1x1x2x128xi32, #tpu.memory_space<hbm>>
      %dma_start3A_38 = tpu.memref_squeeze %dma_start3A_37 : memref<1x1x2x128xi32, #tpu.memory_space<hbm>> -> memref<2x128xi32, #tpu.memory_space<hbm>>
      tpu.enqueue_dma source(%dma_start3A_38 : memref<2x128xi32, #tpu.memory_space<hbm>>) target(%arg6 : memref<2x128xi32, #tpu.memory_space<vmem>>) target_semaphore(%run_scoped3A_30 : memref<!tpu.dma_semaphore, #tpu.memory_space<semaphore_mem>>)
      %dma_wait3A = arith.constant 0 : i32
      %dma_wait3A_39 = arith.constant 0 : i32
      %dma_wait3A_40 = tpu.memref_slice %arg2[%add3A, %run_scoped3A, %dma_wait3A, %dma_wait3A_39] : memref<32x80x2x128xi32, #tpu.memory_space<hbm>> -> memref<1x1x2x128xi32, #tpu.memory_space<hbm>>
      %dma_wait3A_41 = tpu.memref_squeeze %dma_wait3A_40 : memref<1x1x2x128xi32, #tpu.memory_space<hbm>> -> memref<2x128xi32, #tpu.memory_space<hbm>>
      %dma_wait3A_42 = arith.constant 0 : i32
      %dma_wait3A_43 = arith.constant 0 : i32
      %dma_wait3A_44 = tpu.memref_slice %arg2[%add3A, %run_scoped3A, %dma_wait3A_42, %dma_wait3A_43] : memref<32x80x2x128xi32, #tpu.memory_space<hbm>> -> memref<1x1x2x128xi32, #tpu.memory_space<hbm>>
      %dma_wait3A_45 = tpu.memref_squeeze %dma_wait3A_44 : memref<1x1x2x128xi32, #tpu.memory_space<hbm>> -> memref<2x128xi32, #tpu.memory_space<hbm>>
      tpu.wait_dma2 semaphore(%run_scoped3A_30 : memref<!tpu.dma_semaphore, #tpu.memory_space<semaphore_mem>>) src(%dma_wait3A_45 : memref<2x128xi32, #tpu.memory_space<hbm>>) dst(%arg6 : memref<2x128xi32, #tpu.memory_space<vmem>>)
      tpu.yield
    }) : () -> ()
    %dma_start3A = arith.constant 0 : i32
    %dma_start3A_1 = arith.constant 0 : i32
    %dma_start3A_2 = tpu.memref_slice %arg6[%dma_start3A, %dma_start3A_1] : memref<2x128xi32, #tpu.memory_space<vmem>> -> memref<1x128xi32, #tpu.memory_space<vmem>>
    %dma_start3A_3 = tpu.memref_squeeze %dma_start3A_2 : memref<1x128xi32, #tpu.memory_space<vmem>> -> memref<128xi32, #tpu.memory_space<vmem>>
    %dma_start3A_4 = arith.constant 0 : i32
    %dma_start3A_5 = arith.constant 0 : i32
    %dma_start3A_6 = tpu.memref_slice %arg3[%dma_start3A_4, %dma_start3A_5] : memref<10000x128xf32, #tpu.memory_space<hbm>> -> memref<10000x128xf32, #tpu.memory_space<hbm>>
    tpu.enqueue_indirect_dma source(%dma_start3A_6 : memref<10000x128xf32, #tpu.memory_space<hbm>>) target(%arg8 : memref<128x128xf32, #tpu.memory_space<vmem>>) offsets(%dma_start3A_3 : memref<128xi32, #tpu.memory_space<vmem>>) semaphore(%arg12 : memref<!tpu.dma_semaphore, #tpu.memory_space<semaphore_mem>>)
    %dma_start3A_7 = arith.constant 1 : i32
    %dma_start3A_8 = arith.constant 0 : i32
    %dma_start3A_9 = arith.constant 0 : i32
    %dma_start3A_10 = tpu.memref_slice %arg2[%add3A, %dma_start3A_7, %dma_start3A_8, %dma_start3A_9] : memref<32x80x2x128xi32, #tpu.memory_space<hbm>> -> memref<1x1x2x128xi32, #tpu.memory_space<hbm>>
    %dma_start3A_11 = tpu.memref_squeeze %dma_start3A_10 : memref<1x1x2x128xi32, #tpu.memory_space<hbm>> -> memref<2x128xi32, #tpu.memory_space<hbm>>
    %dma_start3A_12 = arith.constant 0 : i32
    %dma_start3A_13 = arith.constant 0 : i32
    %dma_start3A_14 = tpu.memref_slice %arg2[%add3A, %dma_start3A_7, %dma_start3A_12, %dma_start3A_13] : memref<32x80x2x128xi32, #tpu.memory_space<hbm>> -> memref<1x1x2x128xi32, #tpu.memory_space<hbm>>
    %dma_start3A_15 = tpu.memref_squeeze %dma_start3A_14 : memref<1x1x2x128xi32, #tpu.memory_space<hbm>> -> memref<2x128xi32, #tpu.memory_space<hbm>>
    tpu.enqueue_dma source(%dma_start3A_15 : memref<2x128xi32, #tpu.memory_space<hbm>>) target(%arg7 : memref<2x128xi32, #tpu.memory_space<vmem>>) target_semaphore(%arg11 : memref<!tpu.dma_semaphore, #tpu.memory_space<semaphore_mem>>)
    %mul3A_16 = arith.constant 632 : i32
    %mul3A_17 = arith.muli %arg1, %mul3A_16 : i32
    %mul3A_18 = arith.constant 632 : i32
    %mul3A_19 = arith.muli %arg1, %mul3A_18 : i32
    "tpu.region"() ({
      %run_scoped3A_30 = tpu.sem_alloc : memref<!tpu.dma_semaphore, #tpu.memory_space<semaphore_mem>>
      %dma_start3A_31 = arith.constant 0 : i32
      %dma_start3A_32 = tpu.memref_slice %arg10[%mul3A_19, %dma_start3A_31] : memref<10112x128xf32, #tpu.memory_space<vmem_shared>> -> memref<632x128xf32, #tpu.memory_space<vmem_shared>>
      %dma_start3A_33 = arith.constant 0 : i32
      %dma_start3A_34 = tpu.memref_slice %arg4[%mul3A_17, %dma_start3A_33] : memref<10112x128xf32, #tpu.memory_space<hbm>> -> memref<632x128xf32, #tpu.memory_space<hbm>>
      tpu.enqueue_dma source(%dma_start3A_34 : memref<632x128xf32, #tpu.memory_space<hbm>>) target(%dma_start3A_32 : memref<632x128xf32, #tpu.memory_space<vmem_shared>>) target_semaphore(%run_scoped3A_30 : memref<!tpu.dma_semaphore, #tpu.memory_space<semaphore_mem>>)
      %dma_wait3A = arith.constant 0 : i32
      %dma_wait3A_35 = tpu.memref_slice %arg10[%mul3A_19, %dma_wait3A] : memref<10112x128xf32, #tpu.memory_space<vmem_shared>> -> memref<632x128xf32, #tpu.memory_space<vmem_shared>>
      %dma_wait3A_36 = arith.constant 0 : i32
      %dma_wait3A_37 = tpu.memref_slice %arg4[%mul3A_17, %dma_wait3A_36] : memref<10112x128xf32, #tpu.memory_space<hbm>> -> memref<632x128xf32, #tpu.memory_space<hbm>>
      tpu.wait_dma2 semaphore(%run_scoped3A_30 : memref<!tpu.dma_semaphore, #tpu.memory_space<semaphore_mem>>) src(%dma_wait3A_37 : memref<632x128xf32, #tpu.memory_space<hbm>>) dst(%dma_wait3A_35 : memref<632x128xf32, #tpu.memory_space<vmem_shared>>)
      tpu.yield
    }) : () -> ()
    %barrier3A = arith.constant 0 : index
    tpu.barrier barrier_id(%barrier3A)
    %scan3A = arith.constant 0 : i32
    %scan3A_20 = arith.constant 0 : i32
    %scan3A_21 = arith.constant 40 : i32
    %scan3A_22 = arith.addi %scan3A_20, %scan3A_21 : i32
    %scan3A_23 = arith.constant 1 : i32
    scf.for %scan3A_30 = %scan3A_20 to %scan3A_22 step %scan3A_23  : i32 {
      %mul3A_31 = arith.constant 2 : i32
      %mul3A_32 = arith.muli %mul3A_31, %scan3A_30 : i32
      %add3A_33 = arith.constant 1 : i32
      %add3A_34 = arith.addi %mul3A_32, %add3A_33 : i32
      %dma_wait3A = arith.constant 0 : i32
      %dma_wait3A_35 = arith.constant 0 : i32
      %dma_wait3A_36 = tpu.memref_slice %arg2[%add3A, %add3A_34, %dma_wait3A, %dma_wait3A_35] : memref<32x80x2x128xi32, #tpu.memory_space<hbm>> -> memref<1x1x2x128xi32, #tpu.memory_space<hbm>>
      %dma_wait3A_37 = tpu.memref_squeeze %dma_wait3A_36 : memref<1x1x2x128xi32, #tpu.memory_space<hbm>> -> memref<2x128xi32, #tpu.memory_space<hbm>>
      %dma_wait3A_38 = arith.constant 0 : i32
      %dma_wait3A_39 = arith.constant 0 : i32
      %dma_wait3A_40 = tpu.memref_slice %arg2[%add3A, %add3A_34, %dma_wait3A_38, %dma_wait3A_39] : memref<32x80x2x128xi32, #tpu.memory_space<hbm>> -> memref<1x1x2x128xi32, #tpu.memory_space<hbm>>
      %dma_wait3A_41 = tpu.memref_squeeze %dma_wait3A_40 : memref<1x1x2x128xi32, #tpu.memory_space<hbm>> -> memref<2x128xi32, #tpu.memory_space<hbm>>
      tpu.wait_dma2 semaphore(%arg11 : memref<!tpu.dma_semaphore, #tpu.memory_space<semaphore_mem>>) src(%dma_wait3A_41 : memref<2x128xi32, #tpu.memory_space<hbm>>) dst(%arg7 : memref<2x128xi32, #tpu.memory_space<vmem>>)
      %dma_start3A_42 = arith.constant 0 : i32
      %dma_start3A_43 = arith.constant 0 : i32
      %dma_start3A_44 = tpu.memref_slice %arg7[%dma_start3A_42, %dma_start3A_43] : memref<2x128xi32, #tpu.memory_space<vmem>> -> memref<1x128xi32, #tpu.memory_space<vmem>>
      %dma_start3A_45 = tpu.memref_squeeze %dma_start3A_44 : memref<1x128xi32, #tpu.memory_space<vmem>> -> memref<128xi32, #tpu.memory_space<vmem>>
      %dma_start3A_46 = arith.constant 0 : i32
      %dma_start3A_47 = arith.constant 0 : i32
      %dma_start3A_48 = tpu.memref_slice %arg3[%dma_start3A_46, %dma_start3A_47] : memref<10000x128xf32, #tpu.memory_space<hbm>> -> memref<10000x128xf32, #tpu.memory_space<hbm>>
      tpu.enqueue_indirect_dma source(%dma_start3A_48 : memref<10000x128xf32, #tpu.memory_space<hbm>>) target(%arg9 : memref<128x128xf32, #tpu.memory_space<vmem>>) offsets(%dma_start3A_45 : memref<128xi32, #tpu.memory_space<vmem>>) semaphore(%arg13 : memref<!tpu.dma_semaphore, #tpu.memory_space<semaphore_mem>>)
      %dma_wait3A_49 = arith.constant 0 : i32
      %dma_wait3A_50 = arith.constant 0 : i32
      %dma_wait3A_51 = tpu.memref_slice %arg6[%dma_wait3A_49, %dma_wait3A_50] : memref<2x128xi32, #tpu.memory_space<vmem>> -> memref<1x128xi32, #tpu.memory_space<vmem>>
      %dma_wait3A_52 = tpu.memref_squeeze %dma_wait3A_51 : memref<1x128xi32, #tpu.memory_space<vmem>> -> memref<128xi32, #tpu.memory_space<vmem>>
      %dma_wait3A_53 = arith.constant 0 : i32
      %dma_wait3A_54 = arith.constant 0 : i32
      %dma_wait3A_55 = tpu.memref_slice %arg3[%dma_wait3A_53, %dma_wait3A_54] : memref<10000x128xf32, #tpu.memory_space<hbm>> -> memref<10000x128xf32, #tpu.memory_space<hbm>>
      tpu.wait_indirect_dma semaphore(%arg12 : memref<!tpu.dma_semaphore, #tpu.memory_space<semaphore_mem>>) src(%dma_wait3A_55 : memref<10000x128xf32, #tpu.memory_space<hbm>>) dst(%arg8 : memref<128x128xf32, #tpu.memory_space<vmem>>)
      %dma_start3A_56 = arith.constant 1 : i32
      %dma_start3A_57 = arith.constant 0 : i32
      %dma_start3A_58 = tpu.memref_slice %arg6[%dma_start3A_56, %dma_start3A_57] : memref<2x128xi32, #tpu.memory_space<vmem>> -> memref<1x128xi32, #tpu.memory_space<vmem>>
      %dma_start3A_59 = tpu.memref_squeeze %dma_start3A_58 : memref<1x128xi32, #tpu.memory_space<vmem>> -> memref<128xi32, #tpu.memory_space<vmem>>
      %dma_start3A_60 = arith.constant 0 : i32
      %dma_start3A_61 = arith.constant 0 : i32
      %dma_start3A_62 = tpu.memref_slice %arg10[%dma_start3A_60, %dma_start3A_61] : memref<10112x128xf32, #tpu.memory_space<vmem_shared>> -> memref<10112x128xf32, #tpu.memory_space<vmem_shared>>
      tpu.enqueue_indirect_dma source(%arg8 : memref<128x128xf32, #tpu.memory_space<vmem>>) target(%dma_start3A_62 : memref<10112x128xf32, #tpu.memory_space<vmem_shared>>) offsets(%dma_start3A_59 : memref<128xi32, #tpu.memory_space<vmem>>) semaphore(%arg14 : memref<!tpu.dma_semaphore, #tpu.memory_space<semaphore_mem>>) {add = true}
      %dma_wait3A_63 = arith.constant 0 : i32
      %dma_wait3A_64 = arith.constant 0 : i32
      %dma_wait3A_65 = tpu.memref_slice %arg7[%dma_wait3A_63, %dma_wait3A_64] : memref<2x128xi32, #tpu.memory_space<vmem>> -> memref<1x128xi32, #tpu.memory_space<vmem>>
      %dma_wait3A_66 = tpu.memref_squeeze %dma_wait3A_65 : memref<1x128xi32, #tpu.memory_space<vmem>> -> memref<128xi32, #tpu.memory_space<vmem>>
      %dma_wait3A_67 = arith.constant 0 : i32
      %dma_wait3A_68 = arith.constant 0 : i32
      %dma_wait3A_69 = tpu.memref_slice %arg3[%dma_wait3A_67, %dma_wait3A_68] : memref<10000x128xf32, #tpu.memory_space<hbm>> -> memref<10000x128xf32, #tpu.memory_space<hbm>>
      tpu.wait_indirect_dma semaphore(%arg13 : memref<!tpu.dma_semaphore, #tpu.memory_space<semaphore_mem>>) src(%dma_wait3A_69 : memref<10000x128xf32, #tpu.memory_space<hbm>>) dst(%arg9 : memref<128x128xf32, #tpu.memory_space<vmem>>)
      %dma_start3A_70 = arith.constant 1 : i32
      %dma_start3A_71 = arith.constant 0 : i32
      %dma_start3A_72 = tpu.memref_slice %arg7[%dma_start3A_70, %dma_start3A_71] : memref<2x128xi32, #tpu.memory_space<vmem>> -> memref<1x128xi32, #tpu.memory_space<vmem>>
      %dma_start3A_73 = tpu.memref_squeeze %dma_start3A_72 : memref<1x128xi32, #tpu.memory_space<vmem>> -> memref<128xi32, #tpu.memory_space<vmem>>
      %dma_start3A_74 = arith.constant 0 : i32
      %dma_start3A_75 = arith.constant 0 : i32
      %dma_start3A_76 = tpu.memref_slice %arg10[%dma_start3A_74, %dma_start3A_75] : memref<10112x128xf32, #tpu.memory_space<vmem_shared>> -> memref<10112x128xf32, #tpu.memory_space<vmem_shared>>
      tpu.enqueue_indirect_dma source(%arg9 : memref<128x128xf32, #tpu.memory_space<vmem>>) target(%dma_start3A_76 : memref<10112x128xf32, #tpu.memory_space<vmem_shared>>) offsets(%dma_start3A_73 : memref<128xi32, #tpu.memory_space<vmem>>) semaphore(%arg15 : memref<!tpu.dma_semaphore, #tpu.memory_space<semaphore_mem>>) {add = true}
      %dma_wait3A_77 = arith.constant 1 : i32
      %dma_wait3A_78 = arith.constant 0 : i32
      %dma_wait3A_79 = tpu.memref_slice %arg6[%dma_wait3A_77, %dma_wait3A_78] : memref<2x128xi32, #tpu.memory_space<vmem>> -> memref<1x128xi32, #tpu.memory_space<vmem>>
      %dma_wait3A_80 = tpu.memref_squeeze %dma_wait3A_79 : memref<1x128xi32, #tpu.memory_space<vmem>> -> memref<128xi32, #tpu.memory_space<vmem>>
      %dma_wait3A_81 = arith.constant 0 : i32
      %dma_wait3A_82 = arith.constant 0 : i32
      %dma_wait3A_83 = tpu.memref_slice %arg10[%dma_wait3A_81, %dma_wait3A_82] : memref<10112x128xf32, #tpu.memory_space<vmem_shared>> -> memref<10112x128xf32, #tpu.memory_space<vmem_shared>>
      tpu.wait_indirect_dma semaphore(%arg14 : memref<!tpu.dma_semaphore, #tpu.memory_space<semaphore_mem>>) src(%arg8 : memref<128x128xf32, #tpu.memory_space<vmem>>) dst(%dma_wait3A_83 : memref<10112x128xf32, #tpu.memory_space<vmem_shared>>)
      %add3A_84 = arith.constant 1 : i32
      %add3A_85 = arith.addi %scan3A_30, %add3A_84 : i32
      %lt3A = arith.constant 40 : i32
      %lt3A_86 = arith.cmpi slt, %add3A_85, %lt3A : i32
      %convert_element_type3A = arith.extui %lt3A_86 : i1 to i32
      %cond3A = arith.constant 0 : i32
      %cond3A_87 = arith.cmpi ne, %convert_element_type3A, %cond3A : i32
      scf.if %cond3A_87 {
        %add3A_102 = arith.constant 2 : i32
        %add3A_103 = arith.addi %mul3A_32, %add3A_102 : i32
        "tpu.region"() ({
          %run_scoped3A_111 = tpu.sem_alloc : memref<!tpu.dma_semaphore, #tpu.memory_space<semaphore_mem>>
          %dma_start3A_112 = arith.constant 0 : i32
          %dma_start3A_113 = arith.constant 0 : i32
          %dma_start3A_114 = tpu.memref_slice %arg2[%add3A, %add3A_103, %dma_start3A_112, %dma_start3A_113] : memref<32x80x2x128xi32, #tpu.memory_space<hbm>> -> memref<1x1x2x128xi32, #tpu.memory_space<hbm>>
          %dma_start3A_115 = tpu.memref_squeeze %dma_start3A_114 : memref<1x1x2x128xi32, #tpu.memory_space<hbm>> -> memref<2x128xi32, #tpu.memory_space<hbm>>
          %dma_start3A_116 = arith.constant 0 : i32
          %dma_start3A_117 = arith.constant 0 : i32
          %dma_start3A_118 = tpu.memref_slice %arg2[%add3A, %add3A_103, %dma_start3A_116, %dma_start3A_117] : memref<32x80x2x128xi32, #tpu.memory_space<hbm>> -> memref<1x1x2x128xi32, #tpu.memory_space<hbm>>
          %dma_start3A_119 = tpu.memref_squeeze %dma_start3A_118 : memref<1x1x2x128xi32, #tpu.memory_space<hbm>> -> memref<2x128xi32, #tpu.memory_space<hbm>>
          tpu.enqueue_dma source(%dma_start3A_119 : memref<2x128xi32, #tpu.memory_space<hbm>>) target(%arg6 : memref<2x128xi32, #tpu.memory_space<vmem>>) target_semaphore(%run_scoped3A_111 : memref<!tpu.dma_semaphore, #tpu.memory_space<semaphore_mem>>)
          %dma_wait3A_120 = arith.constant 0 : i32
          %dma_wait3A_121 = arith.constant 0 : i32
          %dma_wait3A_122 = tpu.memref_slice %arg2[%add3A, %add3A_103, %dma_wait3A_120, %dma_wait3A_121] : memref<32x80x2x128xi32, #tpu.memory_space<hbm>> -> memref<1x1x2x128xi32, #tpu.memory_space<hbm>>
          %dma_wait3A_123 = tpu.memref_squeeze %dma_wait3A_122 : memref<1x1x2x128xi32, #tpu.memory_space<hbm>> -> memref<2x128xi32, #tpu.memory_space<hbm>>
          %dma_wait3A_124 = arith.constant 0 : i32
          %dma_wait3A_125 = arith.constant 0 : i32
          %dma_wait3A_126 = tpu.memref_slice %arg2[%add3A, %add3A_103, %dma_wait3A_124, %dma_wait3A_125] : memref<32x80x2x128xi32, #tpu.memory_space<hbm>> -> memref<1x1x2x128xi32, #tpu.memory_space<hbm>>
          %dma_wait3A_127 = tpu.memref_squeeze %dma_wait3A_126 : memref<1x1x2x128xi32, #tpu.memory_space<hbm>> -> memref<2x128xi32, #tpu.memory_space<hbm>>
          tpu.wait_dma2 semaphore(%run_scoped3A_111 : memref<!tpu.dma_semaphore, #tpu.memory_space<semaphore_mem>>) src(%dma_wait3A_127 : memref<2x128xi32, #tpu.memory_space<hbm>>) dst(%arg6 : memref<2x128xi32, #tpu.memory_space<vmem>>)
          tpu.yield
        }) : () -> ()
        %dma_start3A_104 = arith.constant 0 : i32
        %dma_start3A_105 = arith.constant 0 : i32
        %dma_start3A_106 = tpu.memref_slice %arg6[%dma_start3A_104, %dma_start3A_105] : memref<2x128xi32, #tpu.memory_space<vmem>> -> memref<1x128xi32, #tpu.memory_space<vmem>>
        %dma_start3A_107 = tpu.memref_squeeze %dma_start3A_106 : memref<1x128xi32, #tpu.memory_space<vmem>> -> memref<128xi32, #tpu.memory_space<vmem>>
        %dma_start3A_108 = arith.constant 0 : i32
        %dma_start3A_109 = arith.constant 0 : i32
        %dma_start3A_110 = tpu.memref_slice %arg3[%dma_start3A_108, %dma_start3A_109] : memref<10000x128xf32, #tpu.memory_space<hbm>> -> memref<10000x128xf32, #tpu.memory_space<hbm>>
        tpu.enqueue_indirect_dma source(%dma_start3A_110 : memref<10000x128xf32, #tpu.memory_space<hbm>>) target(%arg8 : memref<128x128xf32, #tpu.memory_space<vmem>>) offsets(%dma_start3A_107 : memref<128xi32, #tpu.memory_space<vmem>>) semaphore(%arg12 : memref<!tpu.dma_semaphore, #tpu.memory_space<semaphore_mem>>)
      } else {
      }
      %dma_wait3A_88 = arith.constant 1 : i32
      %dma_wait3A_89 = arith.constant 0 : i32
      %dma_wait3A_90 = tpu.memref_slice %arg7[%dma_wait3A_88, %dma_wait3A_89] : memref<2x128xi32, #tpu.memory_space<vmem>> -> memref<1x128xi32, #tpu.memory_space<vmem>>
      %dma_wait3A_91 = tpu.memref_squeeze %dma_wait3A_90 : memref<1x128xi32, #tpu.memory_space<vmem>> -> memref<128xi32, #tpu.memory_space<vmem>>
      %dma_wait3A_92 = arith.constant 0 : i32
      %dma_wait3A_93 = arith.constant 0 : i32
      %dma_wait3A_94 = tpu.memref_slice %arg10[%dma_wait3A_92, %dma_wait3A_93] : memref<10112x128xf32, #tpu.memory_space<vmem_shared>> -> memref<10112x128xf32, #tpu.memory_space<vmem_shared>>
      tpu.wait_indirect_dma semaphore(%arg15 : memref<!tpu.dma_semaphore, #tpu.memory_space<semaphore_mem>>) src(%arg9 : memref<128x128xf32, #tpu.memory_space<vmem>>) dst(%dma_wait3A_94 : memref<10112x128xf32, #tpu.memory_space<vmem_shared>>)
      %add3A_95 = arith.constant 1 : i32
      %add3A_96 = arith.addi %scan3A_30, %add3A_95 : i32
      %lt3A_97 = arith.constant 40 : i32
      %lt3A_98 = arith.cmpi slt, %add3A_96, %lt3A_97 : i32
      %convert_element_type3A_99 = arith.extui %lt3A_98 : i1 to i32
      %cond3A_100 = arith.constant 0 : i32
      %cond3A_101 = arith.cmpi ne, %convert_element_type3A_99, %cond3A_100 : i32
      scf.if %cond3A_101 {
        %add3A_102 = arith.constant 3 : i32
        %add3A_103 = arith.addi %mul3A_32, %add3A_102 : i32
        %dma_start3A_104 = arith.constant 0 : i32
        %dma_start3A_105 = arith.constant 0 : i32
        %dma_start3A_106 = tpu.memref_slice %arg2[%add3A, %add3A_103, %dma_start3A_104, %dma_start3A_105] : memref<32x80x2x128xi32, #tpu.memory_space<hbm>> -> memref<1x1x2x128xi32, #tpu.memory_space<hbm>>
        %dma_start3A_107 = tpu.memref_squeeze %dma_start3A_106 : memref<1x1x2x128xi32, #tpu.memory_space<hbm>> -> memref<2x128xi32, #tpu.memory_space<hbm>>
        %dma_start3A_108 = arith.constant 0 : i32
        %dma_start3A_109 = arith.constant 0 : i32
        %dma_start3A_110 = tpu.memref_slice %arg2[%add3A, %add3A_103, %dma_start3A_108, %dma_start3A_109] : memref<32x80x2x128xi32, #tpu.memory_space<hbm>> -> memref<1x1x2x128xi32, #tpu.memory_space<hbm>>
        %dma_start3A_111 = tpu.memref_squeeze %dma_start3A_110 : memref<1x1x2x128xi32, #tpu.memory_space<hbm>> -> memref<2x128xi32, #tpu.memory_space<hbm>>
        tpu.enqueue_dma source(%dma_start3A_111 : memref<2x128xi32, #tpu.memory_space<hbm>>) target(%arg7 : memref<2x128xi32, #tpu.memory_space<vmem>>) target_semaphore(%arg11 : memref<!tpu.dma_semaphore, #tpu.memory_space<semaphore_mem>>)
      } else {
      }
    }
    %scan3A_24 = arith.constant 40 : i32
    %barrier3A_25 = arith.constant 0 : index
    tpu.barrier barrier_id(%barrier3A_25)
    %mul3A_26 = arith.constant 632 : i32
    %mul3A_27 = arith.muli %arg1, %mul3A_26 : i32
    %mul3A_28 = arith.constant 632 : i32
    %mul3A_29 = arith.muli %arg1, %mul3A_28 : i32
    "tpu.region"() ({
      %run_scoped3A_30 = tpu.sem_alloc : memref<!tpu.dma_semaphore, #tpu.memory_space<semaphore_mem>>
      %dma_start3A_31 = arith.constant 0 : i32
      %dma_start3A_32 = tpu.memref_slice %arg5[%arg0, %mul3A_29, %dma_start3A_31] : memref<2x10112x128xf32, #tpu.memory_space<hbm>> -> memref<1x632x128xf32, #tpu.memory_space<hbm>>
      %dma_start3A_33 = tpu.memref_squeeze %dma_start3A_32 : memref<1x632x128xf32, #tpu.memory_space<hbm>> -> memref<632x128xf32, #tpu.memory_space<hbm>>
      %dma_start3A_34 = arith.constant 0 : i32
      %dma_start3A_35 = tpu.memref_slice %arg10[%mul3A_27, %dma_start3A_34] : memref<10112x128xf32, #tpu.memory_space<vmem_shared>> -> memref<632x128xf32, #tpu.memory_space<vmem_shared>>
      tpu.enqueue_dma source(%dma_start3A_35 : memref<632x128xf32, #tpu.memory_space<vmem_shared>>) target(%dma_start3A_33 : memref<632x128xf32, #tpu.memory_space<hbm>>) target_semaphore(%run_scoped3A_30 : memref<!tpu.dma_semaphore, #tpu.memory_space<semaphore_mem>>)
      %dma_wait3A = arith.constant 0 : i32
      %dma_wait3A_36 = tpu.memref_slice %arg5[%arg0, %mul3A_29, %dma_wait3A] : memref<2x10112x128xf32, #tpu.memory_space<hbm>> -> memref<1x632x128xf32, #tpu.memory_space<hbm>>
      %dma_wait3A_37 = tpu.memref_squeeze %dma_wait3A_36 : memref<1x632x128xf32, #tpu.memory_space<hbm>> -> memref<632x128xf32, #tpu.memory_space<hbm>>
      %dma_wait3A_38 = arith.constant 0 : i32
      %dma_wait3A_39 = tpu.memref_slice %arg10[%mul3A_27, %dma_wait3A_38] : memref<10112x128xf32, #tpu.memory_space<vmem_shared>> -> memref<632x128xf32, #tpu.memory_space<vmem_shared>>
      tpu.wait_dma2 semaphore(%run_scoped3A_30 : memref<!tpu.dma_semaphore, #tpu.memory_space<semaphore_mem>>) src(%dma_wait3A_39 : memref<632x128xf32, #tpu.memory_space<vmem_shared>>) dst(%dma_wait3A_37 : memref<632x128xf32, #tpu.memory_space<hbm>>)
      tpu.yield
    }) : () -> ()
    return
  }
}

#map = affine_map<(d0, d1) -> (0, 0, 0, 0)>
#map1 = affine_map<(d0, d1) -> (0, 0)>
#map2 = affine_map<(d0, d1) -> (0, 0, 0)>
module attributes {stable_mosaic.version = 14 : i64} {
  func.func @_gs_body(%arg0: i32, %arg1: i32, %arg2: memref<32x80x2x128xi32, #tpu.memory_space<hbm>>, %arg3: memref<10000x128xf32, #tpu.memory_space<hbm>>, %arg4: memref<10112x128xf32, #tpu.memory_space<hbm>>, %arg5: memref<2x10112x128xf32, #tpu.memory_space<hbm>>, %arg6: memref<2x128xi32, #tpu.memory_space<vmem>>, %arg7: memref<2x128xi32, #tpu.memory_space<vmem>>, %arg8: memref<128x128xf32, #tpu.memory_space<vmem>>, %arg9: memref<128x128xf32, #tpu.memory_space<vmem>>, %arg10: memref<10112x128xf32, #tpu.memory_space<vmem_shared>>, %arg11: memref<!tpu.dma_semaphore, #tpu.memory_space<semaphore_mem>>, %arg12: memref<!tpu.dma_semaphore, #tpu.memory_space<semaphore_mem>>, %arg13: memref<!tpu.dma_semaphore, #tpu.memory_space<semaphore_mem>>, %arg14: memref<!tpu.dma_semaphore, #tpu.memory_space<semaphore_mem>>, %arg15: memref<!tpu.dma_semaphore, #tpu.memory_space<semaphore_mem>>) attributes {dimension_semantics = [#tpu.dimension_semantics<core_parallel>, #tpu.dimension_semantics<subcore_parallel>], iteration_bounds = array<i64: 2, 16>, scalar_prefetch = 0 : i64, scratch_operands = 10 : i64, tpu.core_type = #tpu.core_type<sc_vector_subcore>, window_params = [{transform_indices = #map}, {transform_indices = #map1}, {transform_indices = #map1}, {transform_indices = #map2}]} {
    %mul3A = arith.constant 2 : i32
    %mul3A_0 = arith.muli %arg1, %mul3A : i32
    %add3A = arith.addi %mul3A_0, %arg0 : i32
    %run_scoped3A = arith.constant 0 : i32
    "tpu.region"() ({
      %run_scoped3A_30 = tpu.sem_alloc : memref<!tpu.dma_semaphore, #tpu.memory_space<semaphore_mem>>
      %dma_start3A_31 = arith.constant 0 : i32
      %dma_start3A_32 = arith.constant 0 : i32
      %dma_start3A_33 = tpu.memref_slice %arg2[%add3A, %run_scoped3A, %dma_start3A_31, %dma_start3A_32] : memref<32x80x2x128xi32, #tpu.memory_space<hbm>> -> memref<1x1x2x128xi32, #tpu.memory_space<hbm>>
      %dma_start3A_34 = tpu.memref_squeeze %dma_start3A_33 : memref<1x1x2x128xi32, #tpu.memory_space<hbm>> -> memref<2x128xi32, #tpu.memory_space<hbm>>
      %dma_start3A_35 = arith.constant 0 : i32
      %dma_start3A_36 = arith.constant 0 : i32
      %dma_start3A_37 = tpu.memref_slice %arg2[%add3A, %run_scoped3A, %dma_start3A_35, %dma_start3A_36] : memref<32x80x2x128xi32, #tpu.memory_space<hbm>> -> memref<1x1x2x128xi32, #tpu.memory_space<hbm>>
      %dma_start3A_38 = tpu.memref_squeeze %dma_start3A_37 : memref<1x1x2x128xi32, #tpu.memory_space<hbm>> -> memref<2x128xi32, #tpu.memory_space<hbm>>
      tpu.enqueue_dma source(%dma_start3A_38 : memref<2x128xi32, #tpu.memory_space<hbm>>) target(%arg6 : memref<2x128xi32, #tpu.memory_space<vmem>>) target_semaphore(%run_scoped3A_30 : memref<!tpu.dma_semaphore, #tpu.memory_space<semaphore_mem>>)
      %dma_wait3A = arith.constant 0 : i32
      %dma_wait3A_39 = arith.constant 0 : i32
      %dma_wait3A_40 = tpu.memref_slice %arg2[%add3A, %run_scoped3A, %dma_wait3A, %dma_wait3A_39] : memref<32x80x2x128xi32, #tpu.memory_space<hbm>> -> memref<1x1x2x128xi32, #tpu.memory_space<hbm>>
      %dma_wait3A_41 = tpu.memref_squeeze %dma_wait3A_40 : memref<1x1x2x128xi32, #tpu.memory_space<hbm>> -> memref<2x128xi32, #tpu.memory_space<hbm>>
      %dma_wait3A_42 = arith.constant 0 : i32
      %dma_wait3A_43 = arith.constant 0 : i32
      %dma_wait3A_44 = tpu.memref_slice %arg2[%add3A, %run_scoped3A, %dma_wait3A_42, %dma_wait3A_43] : memref<32x80x2x128xi32, #tpu.memory_space<hbm>> -> memref<1x1x2x128xi32, #tpu.memory_space<hbm>>
      %dma_wait3A_45 = tpu.memref_squeeze %dma_wait3A_44 : memref<1x1x2x128xi32, #tpu.memory_space<hbm>> -> memref<2x128xi32, #tpu.memory_space<hbm>>
      tpu.wait_dma2 semaphore(%run_scoped3A_30 : memref<!tpu.dma_semaphore, #tpu.memory_space<semaphore_mem>>) src(%dma_wait3A_45 : memref<2x128xi32, #tpu.memory_space<hbm>>) dst(%arg6 : memref<2x128xi32, #tpu.memory_space<vmem>>)
      tpu.yield
    }) : () -> ()
    %dma_start3A = arith.constant 0 : i32
    %dma_start3A_1 = arith.constant 0 : i32
    %dma_start3A_2 = tpu.memref_slice %arg6[%dma_start3A, %dma_start3A_1] : memref<2x128xi32, #tpu.memory_space<vmem>> -> memref<1x128xi32, #tpu.memory_space<vmem>>
    %dma_start3A_3 = tpu.memref_squeeze %dma_start3A_2 : memref<1x128xi32, #tpu.memory_space<vmem>> -> memref<128xi32, #tpu.memory_space<vmem>>
    %dma_start3A_4 = arith.constant 0 : i32
    %dma_start3A_5 = arith.constant 0 : i32
    %dma_start3A_6 = tpu.memref_slice %arg3[%dma_start3A_4, %dma_start3A_5] : memref<10000x128xf32, #tpu.memory_space<hbm>> -> memref<10000x128xf32, #tpu.memory_space<hbm>>
    tpu.enqueue_indirect_dma source(%dma_start3A_6 : memref<10000x128xf32, #tpu.memory_space<hbm>>) target(%arg8 : memref<128x128xf32, #tpu.memory_space<vmem>>) offsets(%dma_start3A_3 : memref<128xi32, #tpu.memory_space<vmem>>) semaphore(%arg12 : memref<!tpu.dma_semaphore, #tpu.memory_space<semaphore_mem>>)
    %dma_start3A_7 = arith.constant 1 : i32
    %dma_start3A_8 = arith.constant 0 : i32
    %dma_start3A_9 = arith.constant 0 : i32
    %dma_start3A_10 = tpu.memref_slice %arg2[%add3A, %dma_start3A_7, %dma_start3A_8, %dma_start3A_9] : memref<32x80x2x128xi32, #tpu.memory_space<hbm>> -> memref<1x1x2x128xi32, #tpu.memory_space<hbm>>
    %dma_start3A_11 = tpu.memref_squeeze %dma_start3A_10 : memref<1x1x2x128xi32, #tpu.memory_space<hbm>> -> memref<2x128xi32, #tpu.memory_space<hbm>>
    %dma_start3A_12 = arith.constant 0 : i32
    %dma_start3A_13 = arith.constant 0 : i32
    %dma_start3A_14 = tpu.memref_slice %arg2[%add3A, %dma_start3A_7, %dma_start3A_12, %dma_start3A_13] : memref<32x80x2x128xi32, #tpu.memory_space<hbm>> -> memref<1x1x2x128xi32, #tpu.memory_space<hbm>>
    %dma_start3A_15 = tpu.memref_squeeze %dma_start3A_14 : memref<1x1x2x128xi32, #tpu.memory_space<hbm>> -> memref<2x128xi32, #tpu.memory_space<hbm>>
    tpu.enqueue_dma source(%dma_start3A_15 : memref<2x128xi32, #tpu.memory_space<hbm>>) target(%arg7 : memref<2x128xi32, #tpu.memory_space<vmem>>) target_semaphore(%arg11 : memref<!tpu.dma_semaphore, #tpu.memory_space<semaphore_mem>>)
    %mul3A_16 = arith.constant 632 : i32
    %mul3A_17 = arith.muli %arg1, %mul3A_16 : i32
    %mul3A_18 = arith.constant 632 : i32
    %mul3A_19 = arith.muli %arg1, %mul3A_18 : i32
    "tpu.region"() ({
      %run_scoped3A_30 = tpu.sem_alloc : memref<!tpu.dma_semaphore, #tpu.memory_space<semaphore_mem>>
      %dma_start3A_31 = arith.constant 0 : i32
      %dma_start3A_32 = tpu.memref_slice %arg10[%mul3A_19, %dma_start3A_31] : memref<10112x128xf32, #tpu.memory_space<vmem_shared>> -> memref<632x128xf32, #tpu.memory_space<vmem_shared>>
      %dma_start3A_33 = arith.constant 0 : i32
      %dma_start3A_34 = tpu.memref_slice %arg4[%mul3A_17, %dma_start3A_33] : memref<10112x128xf32, #tpu.memory_space<hbm>> -> memref<632x128xf32, #tpu.memory_space<hbm>>
      tpu.enqueue_dma source(%dma_start3A_34 : memref<632x128xf32, #tpu.memory_space<hbm>>) target(%dma_start3A_32 : memref<632x128xf32, #tpu.memory_space<vmem_shared>>) target_semaphore(%run_scoped3A_30 : memref<!tpu.dma_semaphore, #tpu.memory_space<semaphore_mem>>)
      %dma_wait3A = arith.constant 0 : i32
      %dma_wait3A_35 = tpu.memref_slice %arg10[%mul3A_19, %dma_wait3A] : memref<10112x128xf32, #tpu.memory_space<vmem_shared>> -> memref<632x128xf32, #tpu.memory_space<vmem_shared>>
      %dma_wait3A_36 = arith.constant 0 : i32
      %dma_wait3A_37 = tpu.memref_slice %arg4[%mul3A_17, %dma_wait3A_36] : memref<10112x128xf32, #tpu.memory_space<hbm>> -> memref<632x128xf32, #tpu.memory_space<hbm>>
      tpu.wait_dma2 semaphore(%run_scoped3A_30 : memref<!tpu.dma_semaphore, #tpu.memory_space<semaphore_mem>>) src(%dma_wait3A_37 : memref<632x128xf32, #tpu.memory_space<hbm>>) dst(%dma_wait3A_35 : memref<632x128xf32, #tpu.memory_space<vmem_shared>>)
      tpu.yield
    }) : () -> ()
    %barrier3A = arith.constant 0 : index
    tpu.barrier barrier_id(%barrier3A)
    %scan3A = arith.constant 0 : i32
    %scan3A_20 = arith.constant 0 : i32
    %scan3A_21 = arith.constant 40 : i32
    %scan3A_22 = arith.addi %scan3A_20, %scan3A_21 : i32
    %scan3A_23 = arith.constant 1 : i32
    scf.for %scan3A_30 = %scan3A_20 to %scan3A_22 step %scan3A_23  : i32 {
      %mul3A_31 = arith.constant 2 : i32
      %mul3A_32 = arith.muli %mul3A_31, %scan3A_30 : i32
      %add3A_33 = arith.constant 1 : i32
      %add3A_34 = arith.addi %mul3A_32, %add3A_33 : i32
      %dma_wait3A = arith.constant 0 : i32
      %dma_wait3A_35 = arith.constant 0 : i32
      %dma_wait3A_36 = tpu.memref_slice %arg2[%add3A, %add3A_34, %dma_wait3A, %dma_wait3A_35] : memref<32x80x2x128xi32, #tpu.memory_space<hbm>> -> memref<1x1x2x128xi32, #tpu.memory_space<hbm>>
      %dma_wait3A_37 = tpu.memref_squeeze %dma_wait3A_36 : memref<1x1x2x128xi32, #tpu.memory_space<hbm>> -> memref<2x128xi32, #tpu.memory_space<hbm>>
      %dma_wait3A_38 = arith.constant 0 : i32
      %dma_wait3A_39 = arith.constant 0 : i32
      %dma_wait3A_40 = tpu.memref_slice %arg2[%add3A, %add3A_34, %dma_wait3A_38, %dma_wait3A_39] : memref<32x80x2x128xi32, #tpu.memory_space<hbm>> -> memref<1x1x2x128xi32, #tpu.memory_space<hbm>>
      %dma_wait3A_41 = tpu.memref_squeeze %dma_wait3A_40 : memref<1x1x2x128xi32, #tpu.memory_space<hbm>> -> memref<2x128xi32, #tpu.memory_space<hbm>>
      tpu.wait_dma2 semaphore(%arg11 : memref<!tpu.dma_semaphore, #tpu.memory_space<semaphore_mem>>) src(%dma_wait3A_41 : memref<2x128xi32, #tpu.memory_space<hbm>>) dst(%arg7 : memref<2x128xi32, #tpu.memory_space<vmem>>)
      %dma_start3A_42 = arith.constant 0 : i32
      %dma_start3A_43 = arith.constant 0 : i32
      %dma_start3A_44 = tpu.memref_slice %arg7[%dma_start3A_42, %dma_start3A_43] : memref<2x128xi32, #tpu.memory_space<vmem>> -> memref<1x128xi32, #tpu.memory_space<vmem>>
      %dma_start3A_45 = tpu.memref_squeeze %dma_start3A_44 : memref<1x128xi32, #tpu.memory_space<vmem>> -> memref<128xi32, #tpu.memory_space<vmem>>
      %dma_start3A_46 = arith.constant 0 : i32
      %dma_start3A_47 = arith.constant 0 : i32
      %dma_start3A_48 = tpu.memref_slice %arg3[%dma_start3A_46, %dma_start3A_47] : memref<10000x128xf32, #tpu.memory_space<hbm>> -> memref<10000x128xf32, #tpu.memory_space<hbm>>
      tpu.enqueue_indirect_dma source(%dma_start3A_48 : memref<10000x128xf32, #tpu.memory_space<hbm>>) target(%arg9 : memref<128x128xf32, #tpu.memory_space<vmem>>) offsets(%dma_start3A_45 : memref<128xi32, #tpu.memory_space<vmem>>) semaphore(%arg13 : memref<!tpu.dma_semaphore, #tpu.memory_space<semaphore_mem>>)
      %dma_wait3A_49 = arith.constant 0 : i32
      %dma_wait3A_50 = arith.constant 0 : i32
      %dma_wait3A_51 = tpu.memref_slice %arg6[%dma_wait3A_49, %dma_wait3A_50] : memref<2x128xi32, #tpu.memory_space<vmem>> -> memref<1x128xi32, #tpu.memory_space<vmem>>
      %dma_wait3A_52 = tpu.memref_squeeze %dma_wait3A_51 : memref<1x128xi32, #tpu.memory_space<vmem>> -> memref<128xi32, #tpu.memory_space<vmem>>
      %dma_wait3A_53 = arith.constant 0 : i32
      %dma_wait3A_54 = arith.constant 0 : i32
      %dma_wait3A_55 = tpu.memref_slice %arg3[%dma_wait3A_53, %dma_wait3A_54] : memref<10000x128xf32, #tpu.memory_space<hbm>> -> memref<10000x128xf32, #tpu.memory_space<hbm>>
      tpu.wait_indirect_dma semaphore(%arg12 : memref<!tpu.dma_semaphore, #tpu.memory_space<semaphore_mem>>) src(%dma_wait3A_55 : memref<10000x128xf32, #tpu.memory_space<hbm>>) dst(%arg8 : memref<128x128xf32, #tpu.memory_space<vmem>>)
      %dma_start3A_56 = arith.constant 1 : i32
      %dma_start3A_57 = arith.constant 0 : i32
      %dma_start3A_58 = tpu.memref_slice %arg6[%dma_start3A_56, %dma_start3A_57] : memref<2x128xi32, #tpu.memory_space<vmem>> -> memref<1x128xi32, #tpu.memory_space<vmem>>
      %dma_start3A_59 = tpu.memref_squeeze %dma_start3A_58 : memref<1x128xi32, #tpu.memory_space<vmem>> -> memref<128xi32, #tpu.memory_space<vmem>>
      %dma_start3A_60 = arith.constant 0 : i32
      %dma_start3A_61 = arith.constant 0 : i32
      %dma_start3A_62 = tpu.memref_slice %arg10[%dma_start3A_60, %dma_start3A_61] : memref<10112x128xf32, #tpu.memory_space<vmem_shared>> -> memref<10112x128xf32, #tpu.memory_space<vmem_shared>>
      tpu.enqueue_indirect_dma source(%arg8 : memref<128x128xf32, #tpu.memory_space<vmem>>) target(%dma_start3A_62 : memref<10112x128xf32, #tpu.memory_space<vmem_shared>>) offsets(%dma_start3A_59 : memref<128xi32, #tpu.memory_space<vmem>>) semaphore(%arg14 : memref<!tpu.dma_semaphore, #tpu.memory_space<semaphore_mem>>) {add = true}
      %dma_wait3A_63 = arith.constant 0 : i32
      %dma_wait3A_64 = arith.constant 0 : i32
      %dma_wait3A_65 = tpu.memref_slice %arg7[%dma_wait3A_63, %dma_wait3A_64] : memref<2x128xi32, #tpu.memory_space<vmem>> -> memref<1x128xi32, #tpu.memory_space<vmem>>
      %dma_wait3A_66 = tpu.memref_squeeze %dma_wait3A_65 : memref<1x128xi32, #tpu.memory_space<vmem>> -> memref<128xi32, #tpu.memory_space<vmem>>
      %dma_wait3A_67 = arith.constant 0 : i32
      %dma_wait3A_68 = arith.constant 0 : i32
      %dma_wait3A_69 = tpu.memref_slice %arg3[%dma_wait3A_67, %dma_wait3A_68] : memref<10000x128xf32, #tpu.memory_space<hbm>> -> memref<10000x128xf32, #tpu.memory_space<hbm>>
      tpu.wait_indirect_dma semaphore(%arg13 : memref<!tpu.dma_semaphore, #tpu.memory_space<semaphore_mem>>) src(%dma_wait3A_69 : memref<10000x128xf32, #tpu.memory_space<hbm>>) dst(%arg9 : memref<128x128xf32, #tpu.memory_space<vmem>>)
      %dma_start3A_70 = arith.constant 1 : i32
      %dma_start3A_71 = arith.constant 0 : i32
      %dma_start3A_72 = tpu.memref_slice %arg7[%dma_start3A_70, %dma_start3A_71] : memref<2x128xi32, #tpu.memory_space<vmem>> -> memref<1x128xi32, #tpu.memory_space<vmem>>
      %dma_start3A_73 = tpu.memref_squeeze %dma_start3A_72 : memref<1x128xi32, #tpu.memory_space<vmem>> -> memref<128xi32, #tpu.memory_space<vmem>>
      %dma_start3A_74 = arith.constant 0 : i32
      %dma_start3A_75 = arith.constant 0 : i32
      %dma_start3A_76 = tpu.memref_slice %arg10[%dma_start3A_74, %dma_start3A_75] : memref<10112x128xf32, #tpu.memory_space<vmem_shared>> -> memref<10112x128xf32, #tpu.memory_space<vmem_shared>>
      tpu.enqueue_indirect_dma source(%arg9 : memref<128x128xf32, #tpu.memory_space<vmem>>) target(%dma_start3A_76 : memref<10112x128xf32, #tpu.memory_space<vmem_shared>>) offsets(%dma_start3A_73 : memref<128xi32, #tpu.memory_space<vmem>>) semaphore(%arg15 : memref<!tpu.dma_semaphore, #tpu.memory_space<semaphore_mem>>) {add = true}
      %dma_wait3A_77 = arith.constant 1 : i32
      %dma_wait3A_78 = arith.constant 0 : i32
      %dma_wait3A_79 = tpu.memref_slice %arg6[%dma_wait3A_77, %dma_wait3A_78] : memref<2x128xi32, #tpu.memory_space<vmem>> -> memref<1x128xi32, #tpu.memory_space<vmem>>
      %dma_wait3A_80 = tpu.memref_squeeze %dma_wait3A_79 : memref<1x128xi32, #tpu.memory_space<vmem>> -> memref<128xi32, #tpu.memory_space<vmem>>
      %dma_wait3A_81 = arith.constant 0 : i32
      %dma_wait3A_82 = arith.constant 0 : i32
      %dma_wait3A_83 = tpu.memref_slice %arg10[%dma_wait3A_81, %dma_wait3A_82] : memref<10112x128xf32, #tpu.memory_space<vmem_shared>> -> memref<10112x128xf32, #tpu.memory_space<vmem_shared>>
      tpu.wait_indirect_dma semaphore(%arg14 : memref<!tpu.dma_semaphore, #tpu.memory_space<semaphore_mem>>) src(%arg8 : memref<128x128xf32, #tpu.memory_space<vmem>>) dst(%dma_wait3A_83 : memref<10112x128xf32, #tpu.memory_space<vmem_shared>>)
      %add3A_84 = arith.constant 1 : i32
      %add3A_85 = arith.addi %scan3A_30, %add3A_84 : i32
      %lt3A = arith.constant 40 : i32
      %lt3A_86 = arith.cmpi slt, %add3A_85, %lt3A : i32
      %convert_element_type3A = arith.extui %lt3A_86 : i1 to i32
      %cond3A = arith.constant 0 : i32
      %cond3A_87 = arith.cmpi ne, %convert_element_type3A, %cond3A : i32
      scf.if %cond3A_87 {
        %add3A_102 = arith.constant 2 : i32
        %add3A_103 = arith.addi %mul3A_32, %add3A_102 : i32
        "tpu.region"() ({
          %run_scoped3A_111 = tpu.sem_alloc : memref<!tpu.dma_semaphore, #tpu.memory_space<semaphore_mem>>
          %dma_start3A_112 = arith.constant 0 : i32
          %dma_start3A_113 = arith.constant 0 : i32
          %dma_start3A_114 = tpu.memref_slice %arg2[%add3A, %add3A_103, %dma_start3A_112, %dma_start3A_113] : memref<32x80x2x128xi32, #tpu.memory_space<hbm>> -> memref<1x1x2x128xi32, #tpu.memory_space<hbm>>
          %dma_start3A_115 = tpu.memref_squeeze %dma_start3A_114 : memref<1x1x2x128xi32, #tpu.memory_space<hbm>> -> memref<2x128xi32, #tpu.memory_space<hbm>>
          %dma_start3A_116 = arith.constant 0 : i32
          %dma_start3A_117 = arith.constant 0 : i32
          %dma_start3A_118 = tpu.memref_slice %arg2[%add3A, %add3A_103, %dma_start3A_116, %dma_start3A_117] : memref<32x80x2x128xi32, #tpu.memory_space<hbm>> -> memref<1x1x2x128xi32, #tpu.memory_space<hbm>>
          %dma_start3A_119 = tpu.memref_squeeze %dma_start3A_118 : memref<1x1x2x128xi32, #tpu.memory_space<hbm>> -> memref<2x128xi32, #tpu.memory_space<hbm>>
          tpu.enqueue_dma source(%dma_start3A_119 : memref<2x128xi32, #tpu.memory_space<hbm>>) target(%arg6 : memref<2x128xi32, #tpu.memory_space<vmem>>) target_semaphore(%run_scoped3A_111 : memref<!tpu.dma_semaphore, #tpu.memory_space<semaphore_mem>>)
          %dma_wait3A_120 = arith.constant 0 : i32
          %dma_wait3A_121 = arith.constant 0 : i32
          %dma_wait3A_122 = tpu.memref_slice %arg2[%add3A, %add3A_103, %dma_wait3A_120, %dma_wait3A_121] : memref<32x80x2x128xi32, #tpu.memory_space<hbm>> -> memref<1x1x2x128xi32, #tpu.memory_space<hbm>>
          %dma_wait3A_123 = tpu.memref_squeeze %dma_wait3A_122 : memref<1x1x2x128xi32, #tpu.memory_space<hbm>> -> memref<2x128xi32, #tpu.memory_space<hbm>>
          %dma_wait3A_124 = arith.constant 0 : i32
          %dma_wait3A_125 = arith.constant 0 : i32
          %dma_wait3A_126 = tpu.memref_slice %arg2[%add3A, %add3A_103, %dma_wait3A_124, %dma_wait3A_125] : memref<32x80x2x128xi32, #tpu.memory_space<hbm>> -> memref<1x1x2x128xi32, #tpu.memory_space<hbm>>
          %dma_wait3A_127 = tpu.memref_squeeze %dma_wait3A_126 : memref<1x1x2x128xi32, #tpu.memory_space<hbm>> -> memref<2x128xi32, #tpu.memory_space<hbm>>
          tpu.wait_dma2 semaphore(%run_scoped3A_111 : memref<!tpu.dma_semaphore, #tpu.memory_space<semaphore_mem>>) src(%dma_wait3A_127 : memref<2x128xi32, #tpu.memory_space<hbm>>) dst(%arg6 : memref<2x128xi32, #tpu.memory_space<vmem>>)
          tpu.yield
        }) : () -> ()
        %dma_start3A_104 = arith.constant 0 : i32
        %dma_start3A_105 = arith.constant 0 : i32
        %dma_start3A_106 = tpu.memref_slice %arg6[%dma_start3A_104, %dma_start3A_105] : memref<2x128xi32, #tpu.memory_space<vmem>> -> memref<1x128xi32, #tpu.memory_space<vmem>>
        %dma_start3A_107 = tpu.memref_squeeze %dma_start3A_106 : memref<1x128xi32, #tpu.memory_space<vmem>> -> memref<128xi32, #tpu.memory_space<vmem>>
        %dma_start3A_108 = arith.constant 0 : i32
        %dma_start3A_109 = arith.constant 0 : i32
        %dma_start3A_110 = tpu.memref_slice %arg3[%dma_start3A_108, %dma_start3A_109] : memref<10000x128xf32, #tpu.memory_space<hbm>> -> memref<10000x128xf32, #tpu.memory_space<hbm>>
        tpu.enqueue_indirect_dma source(%dma_start3A_110 : memref<10000x128xf32, #tpu.memory_space<hbm>>) target(%arg8 : memref<128x128xf32, #tpu.memory_space<vmem>>) offsets(%dma_start3A_107 : memref<128xi32, #tpu.memory_space<vmem>>) semaphore(%arg12 : memref<!tpu.dma_semaphore, #tpu.memory_space<semaphore_mem>>)
      } else {
      }
      %dma_wait3A_88 = arith.constant 1 : i32
      %dma_wait3A_89 = arith.constant 0 : i32
      %dma_wait3A_90 = tpu.memref_slice %arg7[%dma_wait3A_88, %dma_wait3A_89] : memref<2x128xi32, #tpu.memory_space<vmem>> -> memref<1x128xi32, #tpu.memory_space<vmem>>
      %dma_wait3A_91 = tpu.memref_squeeze %dma_wait3A_90 : memref<1x128xi32, #tpu.memory_space<vmem>> -> memref<128xi32, #tpu.memory_space<vmem>>
      %dma_wait3A_92 = arith.constant 0 : i32
      %dma_wait3A_93 = arith.constant 0 : i32
      %dma_wait3A_94 = tpu.memref_slice %arg10[%dma_wait3A_92, %dma_wait3A_93] : memref<10112x128xf32, #tpu.memory_space<vmem_shared>> -> memref<10112x128xf32, #tpu.memory_space<vmem_shared>>
      tpu.wait_indirect_dma semaphore(%arg15 : memref<!tpu.dma_semaphore, #tpu.memory_space<semaphore_mem>>) src(%arg9 : memref<128x128xf32, #tpu.memory_space<vmem>>) dst(%dma_wait3A_94 : memref<10112x128xf32, #tpu.memory_space<vmem_shared>>)
      %add3A_95 = arith.constant 1 : i32
      %add3A_96 = arith.addi %scan3A_30, %add3A_95 : i32
      %lt3A_97 = arith.constant 40 : i32
      %lt3A_98 = arith.cmpi slt, %add3A_96, %lt3A_97 : i32
      %convert_element_type3A_99 = arith.extui %lt3A_98 : i1 to i32
      %cond3A_100 = arith.constant 0 : i32
      %cond3A_101 = arith.cmpi ne, %convert_element_type3A_99, %cond3A_100 : i32
      scf.if %cond3A_101 {
        %add3A_102 = arith.constant 3 : i32
        %add3A_103 = arith.addi %mul3A_32, %add3A_102 : i32
        %dma_start3A_104 = arith.constant 0 : i32
        %dma_start3A_105 = arith.constant 0 : i32
        %dma_start3A_106 = tpu.memref_slice %arg2[%add3A, %add3A_103, %dma_start3A_104, %dma_start3A_105] : memref<32x80x2x128xi32, #tpu.memory_space<hbm>> -> memref<1x1x2x128xi32, #tpu.memory_space<hbm>>
        %dma_start3A_107 = tpu.memref_squeeze %dma_start3A_106 : memref<1x1x2x128xi32, #tpu.memory_space<hbm>> -> memref<2x128xi32, #tpu.memory_space<hbm>>
        %dma_start3A_108 = arith.constant 0 : i32
        %dma_start3A_109 = arith.constant 0 : i32
        %dma_start3A_110 = tpu.memref_slice %arg2[%add3A, %add3A_103, %dma_start3A_108, %dma_start3A_109] : memref<32x80x2x128xi32, #tpu.memory_space<hbm>> -> memref<1x1x2x128xi32, #tpu.memory_space<hbm>>
        %dma_start3A_111 = tpu.memref_squeeze %dma_start3A_110 : memref<1x1x2x128xi32, #tpu.memory_space<hbm>> -> memref<2x128xi32, #tpu.memory_space<hbm>>
        tpu.enqueue_dma source(%dma_start3A_111 : memref<2x128xi32, #tpu.memory_space<hbm>>) target(%arg7 : memref<2x128xi32, #tpu.memory_space<vmem>>) target_semaphore(%arg11 : memref<!tpu.dma_semaphore, #tpu.memory_space<semaphore_mem>>)
      } else {
      }
    }
    %scan3A_24 = arith.constant 40 : i32
    %barrier3A_25 = arith.constant 0 : index
    tpu.barrier barrier_id(%barrier3A_25)
    %mul3A_26 = arith.constant 632 : i32
    %mul3A_27 = arith.muli %arg1, %mul3A_26 : i32
    %mul3A_28 = arith.constant 632 : i32
    %mul3A_29 = arith.muli %arg1, %mul3A_28 : i32
    "tpu.region"() ({
      %run_scoped3A_30 = tpu.sem_alloc : memref<!tpu.dma_semaphore, #tpu.memory_space<semaphore_mem>>
      %dma_start3A_31 = arith.constant 0 : i32
      %dma_start3A_32 = tpu.memref_slice %arg5[%arg0, %mul3A_29, %dma_start3A_31] : memref<2x10112x128xf32, #tpu.memory_space<hbm>> -> memref<1x632x128xf32, #tpu.memory_space<hbm>>
      %dma_start3A_33 = tpu.memref_squeeze %dma_start3A_32 : memref<1x632x128xf32, #tpu.memory_space<hbm>> -> memref<632x128xf32, #tpu.memory_space<hbm>>
      %dma_start3A_34 = arith.constant 0 : i32
      %dma_start3A_35 = tpu.memref_slice %arg10[%mul3A_27, %dma_start3A_34] : memref<10112x128xf32, #tpu.memory_space<vmem_shared>> -> memref<632x128xf32, #tpu.memory_space<vmem_shared>>
      tpu.enqueue_dma source(%dma_start3A_35 : memref<632x128xf32, #tpu.memory_space<vmem_shared>>) target(%dma_start3A_33 : memref<632x128xf32, #tpu.memory_space<hbm>>) target_semaphore(%run_scoped3A_30 : memref<!tpu.dma_semaphore, #tpu.memory_space<semaphore_mem>>)
      %dma_wait3A = arith.constant 0 : i32
      %dma_wait3A_36 = tpu.memref_slice %arg5[%arg0, %mul3A_29, %dma_wait3A] : memref<2x10112x128xf32, #tpu.memory_space<hbm>> -> memref<1x632x128xf32, #tpu.memory_space<hbm>>
      %dma_wait3A_37 = tpu.memref_squeeze %dma_wait3A_36 : memref<1x632x128xf32, #tpu.memory_space<hbm>> -> memref<632x128xf32, #tpu.memory_space<hbm>>
      %dma_wait3A_38 = arith.constant 0 : i32
      %dma_wait3A_39 = tpu.memref_slice %arg10[%mul3A_27, %dma_wait3A_38] : memref<10112x128xf32, #tpu.memory_space<vmem_shared>> -> memref<632x128xf32, #tpu.memory_space<vmem_shared>>
      tpu.wait_dma2 semaphore(%run_scoped3A_30 : memref<!tpu.dma_semaphore, #tpu.memory_space<semaphore_mem>>) src(%dma_wait3A_39 : memref<632x128xf32, #tpu.memory_space<vmem_shared>>) dst(%dma_wait3A_37 : memref<632x128xf32, #tpu.memory_space<hbm>>)
      tpu.yield
    }) : () -> ()
    return
  }
}

#map = affine_map<(d0, d1) -> (0, 0, 0, 0)>
#map1 = affine_map<(d0, d1) -> (0, 0)>
#map2 = affine_map<(d0, d1) -> (0, 0, 0)>
module attributes {stable_mosaic.version = 14 : i64} {
  func.func @_gs_body(%arg0: i32, %arg1: i32, %arg2: memref<32x80x2x128xi32, #tpu.memory_space<hbm>>, %arg3: memref<10000x128xf32, #tpu.memory_space<hbm>>, %arg4: memref<10112x128xf32, #tpu.memory_space<hbm>>, %arg5: memref<2x10112x128xf32, #tpu.memory_space<hbm>>, %arg6: memref<2x128xi32, #tpu.memory_space<vmem>>, %arg7: memref<2x128xi32, #tpu.memory_space<vmem>>, %arg8: memref<128x128xf32, #tpu.memory_space<vmem>>, %arg9: memref<128x128xf32, #tpu.memory_space<vmem>>, %arg10: memref<10112x128xf32, #tpu.memory_space<vmem_shared>>, %arg11: memref<!tpu.dma_semaphore, #tpu.memory_space<semaphore_mem>>, %arg12: memref<!tpu.dma_semaphore, #tpu.memory_space<semaphore_mem>>, %arg13: memref<!tpu.dma_semaphore, #tpu.memory_space<semaphore_mem>>, %arg14: memref<!tpu.dma_semaphore, #tpu.memory_space<semaphore_mem>>, %arg15: memref<!tpu.dma_semaphore, #tpu.memory_space<semaphore_mem>>) attributes {dimension_semantics = [#tpu.dimension_semantics<core_parallel>, #tpu.dimension_semantics<subcore_parallel>], iteration_bounds = array<i64: 2, 16>, scalar_prefetch = 0 : i64, scratch_operands = 10 : i64, tpu.core_type = #tpu.core_type<sc_vector_subcore>, window_params = [{transform_indices = #map}, {transform_indices = #map1}, {transform_indices = #map1}, {transform_indices = #map2}]} {
    %mul3A = arith.constant 2 : i32
    %mul3A_0 = arith.muli %arg1, %mul3A : i32
    %add3A = arith.addi %mul3A_0, %arg0 : i32
    %run_scoped3A = arith.constant 0 : i32
    "tpu.region"() ({
      %run_scoped3A_30 = tpu.sem_alloc : memref<!tpu.dma_semaphore, #tpu.memory_space<semaphore_mem>>
      %dma_start3A_31 = arith.constant 0 : i32
      %dma_start3A_32 = arith.constant 0 : i32
      %dma_start3A_33 = tpu.memref_slice %arg2[%add3A, %run_scoped3A, %dma_start3A_31, %dma_start3A_32] : memref<32x80x2x128xi32, #tpu.memory_space<hbm>> -> memref<1x1x2x128xi32, #tpu.memory_space<hbm>>
      %dma_start3A_34 = tpu.memref_squeeze %dma_start3A_33 : memref<1x1x2x128xi32, #tpu.memory_space<hbm>> -> memref<2x128xi32, #tpu.memory_space<hbm>>
      %dma_start3A_35 = arith.constant 0 : i32
      %dma_start3A_36 = arith.constant 0 : i32
      %dma_start3A_37 = tpu.memref_slice %arg2[%add3A, %run_scoped3A, %dma_start3A_35, %dma_start3A_36] : memref<32x80x2x128xi32, #tpu.memory_space<hbm>> -> memref<1x1x2x128xi32, #tpu.memory_space<hbm>>
      %dma_start3A_38 = tpu.memref_squeeze %dma_start3A_37 : memref<1x1x2x128xi32, #tpu.memory_space<hbm>> -> memref<2x128xi32, #tpu.memory_space<hbm>>
      tpu.enqueue_dma source(%dma_start3A_38 : memref<2x128xi32, #tpu.memory_space<hbm>>) target(%arg6 : memref<2x128xi32, #tpu.memory_space<vmem>>) target_semaphore(%run_scoped3A_30 : memref<!tpu.dma_semaphore, #tpu.memory_space<semaphore_mem>>)
      %dma_wait3A = arith.constant 0 : i32
      %dma_wait3A_39 = arith.constant 0 : i32
      %dma_wait3A_40 = tpu.memref_slice %arg2[%add3A, %run_scoped3A, %dma_wait3A, %dma_wait3A_39] : memref<32x80x2x128xi32, #tpu.memory_space<hbm>> -> memref<1x1x2x128xi32, #tpu.memory_space<hbm>>
      %dma_wait3A_41 = tpu.memref_squeeze %dma_wait3A_40 : memref<1x1x2x128xi32, #tpu.memory_space<hbm>> -> memref<2x128xi32, #tpu.memory_space<hbm>>
      %dma_wait3A_42 = arith.constant 0 : i32
      %dma_wait3A_43 = arith.constant 0 : i32
      %dma_wait3A_44 = tpu.memref_slice %arg2[%add3A, %run_scoped3A, %dma_wait3A_42, %dma_wait3A_43] : memref<32x80x2x128xi32, #tpu.memory_space<hbm>> -> memref<1x1x2x128xi32, #tpu.memory_space<hbm>>
      %dma_wait3A_45 = tpu.memref_squeeze %dma_wait3A_44 : memref<1x1x2x128xi32, #tpu.memory_space<hbm>> -> memref<2x128xi32, #tpu.memory_space<hbm>>
      tpu.wait_dma2 semaphore(%run_scoped3A_30 : memref<!tpu.dma_semaphore, #tpu.memory_space<semaphore_mem>>) src(%dma_wait3A_45 : memref<2x128xi32, #tpu.memory_space<hbm>>) dst(%arg6 : memref<2x128xi32, #tpu.memory_space<vmem>>)
      tpu.yield
    }) : () -> ()
    %dma_start3A = arith.constant 0 : i32
    %dma_start3A_1 = arith.constant 0 : i32
    %dma_start3A_2 = tpu.memref_slice %arg6[%dma_start3A, %dma_start3A_1] : memref<2x128xi32, #tpu.memory_space<vmem>> -> memref<1x128xi32, #tpu.memory_space<vmem>>
    %dma_start3A_3 = tpu.memref_squeeze %dma_start3A_2 : memref<1x128xi32, #tpu.memory_space<vmem>> -> memref<128xi32, #tpu.memory_space<vmem>>
    %dma_start3A_4 = arith.constant 0 : i32
    %dma_start3A_5 = arith.constant 0 : i32
    %dma_start3A_6 = tpu.memref_slice %arg3[%dma_start3A_4, %dma_start3A_5] : memref<10000x128xf32, #tpu.memory_space<hbm>> -> memref<10000x128xf32, #tpu.memory_space<hbm>>
    tpu.enqueue_indirect_dma source(%dma_start3A_6 : memref<10000x128xf32, #tpu.memory_space<hbm>>) target(%arg8 : memref<128x128xf32, #tpu.memory_space<vmem>>) offsets(%dma_start3A_3 : memref<128xi32, #tpu.memory_space<vmem>>) semaphore(%arg12 : memref<!tpu.dma_semaphore, #tpu.memory_space<semaphore_mem>>)
    %dma_start3A_7 = arith.constant 1 : i32
    %dma_start3A_8 = arith.constant 0 : i32
    %dma_start3A_9 = arith.constant 0 : i32
    %dma_start3A_10 = tpu.memref_slice %arg2[%add3A, %dma_start3A_7, %dma_start3A_8, %dma_start3A_9] : memref<32x80x2x128xi32, #tpu.memory_space<hbm>> -> memref<1x1x2x128xi32, #tpu.memory_space<hbm>>
    %dma_start3A_11 = tpu.memref_squeeze %dma_start3A_10 : memref<1x1x2x128xi32, #tpu.memory_space<hbm>> -> memref<2x128xi32, #tpu.memory_space<hbm>>
    %dma_start3A_12 = arith.constant 0 : i32
    %dma_start3A_13 = arith.constant 0 : i32
    %dma_start3A_14 = tpu.memref_slice %arg2[%add3A, %dma_start3A_7, %dma_start3A_12, %dma_start3A_13] : memref<32x80x2x128xi32, #tpu.memory_space<hbm>> -> memref<1x1x2x128xi32, #tpu.memory_space<hbm>>
    %dma_start3A_15 = tpu.memref_squeeze %dma_start3A_14 : memref<1x1x2x128xi32, #tpu.memory_space<hbm>> -> memref<2x128xi32, #tpu.memory_space<hbm>>
    tpu.enqueue_dma source(%dma_start3A_15 : memref<2x128xi32, #tpu.memory_space<hbm>>) target(%arg7 : memref<2x128xi32, #tpu.memory_space<vmem>>) target_semaphore(%arg11 : memref<!tpu.dma_semaphore, #tpu.memory_space<semaphore_mem>>)
    %mul3A_16 = arith.constant 632 : i32
    %mul3A_17 = arith.muli %arg1, %mul3A_16 : i32
    %mul3A_18 = arith.constant 632 : i32
    %mul3A_19 = arith.muli %arg1, %mul3A_18 : i32
    "tpu.region"() ({
      %run_scoped3A_30 = tpu.sem_alloc : memref<!tpu.dma_semaphore, #tpu.memory_space<semaphore_mem>>
      %dma_start3A_31 = arith.constant 0 : i32
      %dma_start3A_32 = tpu.memref_slice %arg10[%mul3A_19, %dma_start3A_31] : memref<10112x128xf32, #tpu.memory_space<vmem_shared>> -> memref<632x128xf32, #tpu.memory_space<vmem_shared>>
      %dma_start3A_33 = arith.constant 0 : i32
      %dma_start3A_34 = tpu.memref_slice %arg4[%mul3A_17, %dma_start3A_33] : memref<10112x128xf32, #tpu.memory_space<hbm>> -> memref<632x128xf32, #tpu.memory_space<hbm>>
      tpu.enqueue_dma source(%dma_start3A_34 : memref<632x128xf32, #tpu.memory_space<hbm>>) target(%dma_start3A_32 : memref<632x128xf32, #tpu.memory_space<vmem_shared>>) target_semaphore(%run_scoped3A_30 : memref<!tpu.dma_semaphore, #tpu.memory_space<semaphore_mem>>)
      %dma_wait3A = arith.constant 0 : i32
      %dma_wait3A_35 = tpu.memref_slice %arg10[%mul3A_19, %dma_wait3A] : memref<10112x128xf32, #tpu.memory_space<vmem_shared>> -> memref<632x128xf32, #tpu.memory_space<vmem_shared>>
      %dma_wait3A_36 = arith.constant 0 : i32
      %dma_wait3A_37 = tpu.memref_slice %arg4[%mul3A_17, %dma_wait3A_36] : memref<10112x128xf32, #tpu.memory_space<hbm>> -> memref<632x128xf32, #tpu.memory_space<hbm>>
      tpu.wait_dma2 semaphore(%run_scoped3A_30 : memref<!tpu.dma_semaphore, #tpu.memory_space<semaphore_mem>>) src(%dma_wait3A_37 : memref<632x128xf32, #tpu.memory_space<hbm>>) dst(%dma_wait3A_35 : memref<632x128xf32, #tpu.memory_space<vmem_shared>>)
      tpu.yield
    }) : () -> ()
    %barrier3A = arith.constant 0 : index
    tpu.barrier barrier_id(%barrier3A)
    %scan3A = arith.constant 0 : i32
    %scan3A_20 = arith.constant 0 : i32
    %scan3A_21 = arith.constant 40 : i32
    %scan3A_22 = arith.addi %scan3A_20, %scan3A_21 : i32
    %scan3A_23 = arith.constant 1 : i32
    scf.for %scan3A_30 = %scan3A_20 to %scan3A_22 step %scan3A_23  : i32 {
      %mul3A_31 = arith.constant 2 : i32
      %mul3A_32 = arith.muli %mul3A_31, %scan3A_30 : i32
      %add3A_33 = arith.constant 1 : i32
      %add3A_34 = arith.addi %mul3A_32, %add3A_33 : i32
      %dma_wait3A = arith.constant 0 : i32
      %dma_wait3A_35 = arith.constant 0 : i32
      %dma_wait3A_36 = tpu.memref_slice %arg2[%add3A, %add3A_34, %dma_wait3A, %dma_wait3A_35] : memref<32x80x2x128xi32, #tpu.memory_space<hbm>> -> memref<1x1x2x128xi32, #tpu.memory_space<hbm>>
      %dma_wait3A_37 = tpu.memref_squeeze %dma_wait3A_36 : memref<1x1x2x128xi32, #tpu.memory_space<hbm>> -> memref<2x128xi32, #tpu.memory_space<hbm>>
      %dma_wait3A_38 = arith.constant 0 : i32
      %dma_wait3A_39 = arith.constant 0 : i32
      %dma_wait3A_40 = tpu.memref_slice %arg2[%add3A, %add3A_34, %dma_wait3A_38, %dma_wait3A_39] : memref<32x80x2x128xi32, #tpu.memory_space<hbm>> -> memref<1x1x2x128xi32, #tpu.memory_space<hbm>>
      %dma_wait3A_41 = tpu.memref_squeeze %dma_wait3A_40 : memref<1x1x2x128xi32, #tpu.memory_space<hbm>> -> memref<2x128xi32, #tpu.memory_space<hbm>>
      tpu.wait_dma2 semaphore(%arg11 : memref<!tpu.dma_semaphore, #tpu.memory_space<semaphore_mem>>) src(%dma_wait3A_41 : memref<2x128xi32, #tpu.memory_space<hbm>>) dst(%arg7 : memref<2x128xi32, #tpu.memory_space<vmem>>)
      %dma_start3A_42 = arith.constant 0 : i32
      %dma_start3A_43 = arith.constant 0 : i32
      %dma_start3A_44 = tpu.memref_slice %arg7[%dma_start3A_42, %dma_start3A_43] : memref<2x128xi32, #tpu.memory_space<vmem>> -> memref<1x128xi32, #tpu.memory_space<vmem>>
      %dma_start3A_45 = tpu.memref_squeeze %dma_start3A_44 : memref<1x128xi32, #tpu.memory_space<vmem>> -> memref<128xi32, #tpu.memory_space<vmem>>
      %dma_start3A_46 = arith.constant 0 : i32
      %dma_start3A_47 = arith.constant 0 : i32
      %dma_start3A_48 = tpu.memref_slice %arg3[%dma_start3A_46, %dma_start3A_47] : memref<10000x128xf32, #tpu.memory_space<hbm>> -> memref<10000x128xf32, #tpu.memory_space<hbm>>
      tpu.enqueue_indirect_dma source(%dma_start3A_48 : memref<10000x128xf32, #tpu.memory_space<hbm>>) target(%arg9 : memref<128x128xf32, #tpu.memory_space<vmem>>) offsets(%dma_start3A_45 : memref<128xi32, #tpu.memory_space<vmem>>) semaphore(%arg13 : memref<!tpu.dma_semaphore, #tpu.memory_space<semaphore_mem>>)
      %dma_wait3A_49 = arith.constant 0 : i32
      %dma_wait3A_50 = arith.constant 0 : i32
      %dma_wait3A_51 = tpu.memref_slice %arg6[%dma_wait3A_49, %dma_wait3A_50] : memref<2x128xi32, #tpu.memory_space<vmem>> -> memref<1x128xi32, #tpu.memory_space<vmem>>
      %dma_wait3A_52 = tpu.memref_squeeze %dma_wait3A_51 : memref<1x128xi32, #tpu.memory_space<vmem>> -> memref<128xi32, #tpu.memory_space<vmem>>
      %dma_wait3A_53 = arith.constant 0 : i32
      %dma_wait3A_54 = arith.constant 0 : i32
      %dma_wait3A_55 = tpu.memref_slice %arg3[%dma_wait3A_53, %dma_wait3A_54] : memref<10000x128xf32, #tpu.memory_space<hbm>> -> memref<10000x128xf32, #tpu.memory_space<hbm>>
      tpu.wait_indirect_dma semaphore(%arg12 : memref<!tpu.dma_semaphore, #tpu.memory_space<semaphore_mem>>) src(%dma_wait3A_55 : memref<10000x128xf32, #tpu.memory_space<hbm>>) dst(%arg8 : memref<128x128xf32, #tpu.memory_space<vmem>>)
      %dma_start3A_56 = arith.constant 1 : i32
      %dma_start3A_57 = arith.constant 0 : i32
      %dma_start3A_58 = tpu.memref_slice %arg6[%dma_start3A_56, %dma_start3A_57] : memref<2x128xi32, #tpu.memory_space<vmem>> -> memref<1x128xi32, #tpu.memory_space<vmem>>
      %dma_start3A_59 = tpu.memref_squeeze %dma_start3A_58 : memref<1x128xi32, #tpu.memory_space<vmem>> -> memref<128xi32, #tpu.memory_space<vmem>>
      %dma_start3A_60 = arith.constant 0 : i32
      %dma_start3A_61 = arith.constant 0 : i32
      %dma_start3A_62 = tpu.memref_slice %arg10[%dma_start3A_60, %dma_start3A_61] : memref<10112x128xf32, #tpu.memory_space<vmem_shared>> -> memref<10112x128xf32, #tpu.memory_space<vmem_shared>>
      tpu.enqueue_indirect_dma source(%arg8 : memref<128x128xf32, #tpu.memory_space<vmem>>) target(%dma_start3A_62 : memref<10112x128xf32, #tpu.memory_space<vmem_shared>>) offsets(%dma_start3A_59 : memref<128xi32, #tpu.memory_space<vmem>>) semaphore(%arg14 : memref<!tpu.dma_semaphore, #tpu.memory_space<semaphore_mem>>) {add = true}
      %dma_wait3A_63 = arith.constant 0 : i32
      %dma_wait3A_64 = arith.constant 0 : i32
      %dma_wait3A_65 = tpu.memref_slice %arg7[%dma_wait3A_63, %dma_wait3A_64] : memref<2x128xi32, #tpu.memory_space<vmem>> -> memref<1x128xi32, #tpu.memory_space<vmem>>
      %dma_wait3A_66 = tpu.memref_squeeze %dma_wait3A_65 : memref<1x128xi32, #tpu.memory_space<vmem>> -> memref<128xi32, #tpu.memory_space<vmem>>
      %dma_wait3A_67 = arith.constant 0 : i32
      %dma_wait3A_68 = arith.constant 0 : i32
      %dma_wait3A_69 = tpu.memref_slice %arg3[%dma_wait3A_67, %dma_wait3A_68] : memref<10000x128xf32, #tpu.memory_space<hbm>> -> memref<10000x128xf32, #tpu.memory_space<hbm>>
      tpu.wait_indirect_dma semaphore(%arg13 : memref<!tpu.dma_semaphore, #tpu.memory_space<semaphore_mem>>) src(%dma_wait3A_69 : memref<10000x128xf32, #tpu.memory_space<hbm>>) dst(%arg9 : memref<128x128xf32, #tpu.memory_space<vmem>>)
      %dma_start3A_70 = arith.constant 1 : i32
      %dma_start3A_71 = arith.constant 0 : i32
      %dma_start3A_72 = tpu.memref_slice %arg7[%dma_start3A_70, %dma_start3A_71] : memref<2x128xi32, #tpu.memory_space<vmem>> -> memref<1x128xi32, #tpu.memory_space<vmem>>
      %dma_start3A_73 = tpu.memref_squeeze %dma_start3A_72 : memref<1x128xi32, #tpu.memory_space<vmem>> -> memref<128xi32, #tpu.memory_space<vmem>>
      %dma_start3A_74 = arith.constant 0 : i32
      %dma_start3A_75 = arith.constant 0 : i32
      %dma_start3A_76 = tpu.memref_slice %arg10[%dma_start3A_74, %dma_start3A_75] : memref<10112x128xf32, #tpu.memory_space<vmem_shared>> -> memref<10112x128xf32, #tpu.memory_space<vmem_shared>>
      tpu.enqueue_indirect_dma source(%arg9 : memref<128x128xf32, #tpu.memory_space<vmem>>) target(%dma_start3A_76 : memref<10112x128xf32, #tpu.memory_space<vmem_shared>>) offsets(%dma_start3A_73 : memref<128xi32, #tpu.memory_space<vmem>>) semaphore(%arg15 : memref<!tpu.dma_semaphore, #tpu.memory_space<semaphore_mem>>) {add = true}
      %dma_wait3A_77 = arith.constant 1 : i32
      %dma_wait3A_78 = arith.constant 0 : i32
      %dma_wait3A_79 = tpu.memref_slice %arg6[%dma_wait3A_77, %dma_wait3A_78] : memref<2x128xi32, #tpu.memory_space<vmem>> -> memref<1x128xi32, #tpu.memory_space<vmem>>
      %dma_wait3A_80 = tpu.memref_squeeze %dma_wait3A_79 : memref<1x128xi32, #tpu.memory_space<vmem>> -> memref<128xi32, #tpu.memory_space<vmem>>
      %dma_wait3A_81 = arith.constant 0 : i32
      %dma_wait3A_82 = arith.constant 0 : i32
      %dma_wait3A_83 = tpu.memref_slice %arg10[%dma_wait3A_81, %dma_wait3A_82] : memref<10112x128xf32, #tpu.memory_space<vmem_shared>> -> memref<10112x128xf32, #tpu.memory_space<vmem_shared>>
      tpu.wait_indirect_dma semaphore(%arg14 : memref<!tpu.dma_semaphore, #tpu.memory_space<semaphore_mem>>) src(%arg8 : memref<128x128xf32, #tpu.memory_space<vmem>>) dst(%dma_wait3A_83 : memref<10112x128xf32, #tpu.memory_space<vmem_shared>>)
      %add3A_84 = arith.constant 1 : i32
      %add3A_85 = arith.addi %scan3A_30, %add3A_84 : i32
      %lt3A = arith.constant 40 : i32
      %lt3A_86 = arith.cmpi slt, %add3A_85, %lt3A : i32
      %convert_element_type3A = arith.extui %lt3A_86 : i1 to i32
      %cond3A = arith.constant 0 : i32
      %cond3A_87 = arith.cmpi ne, %convert_element_type3A, %cond3A : i32
      scf.if %cond3A_87 {
        %add3A_102 = arith.constant 2 : i32
        %add3A_103 = arith.addi %mul3A_32, %add3A_102 : i32
        "tpu.region"() ({
          %run_scoped3A_111 = tpu.sem_alloc : memref<!tpu.dma_semaphore, #tpu.memory_space<semaphore_mem>>
          %dma_start3A_112 = arith.constant 0 : i32
          %dma_start3A_113 = arith.constant 0 : i32
          %dma_start3A_114 = tpu.memref_slice %arg2[%add3A, %add3A_103, %dma_start3A_112, %dma_start3A_113] : memref<32x80x2x128xi32, #tpu.memory_space<hbm>> -> memref<1x1x2x128xi32, #tpu.memory_space<hbm>>
          %dma_start3A_115 = tpu.memref_squeeze %dma_start3A_114 : memref<1x1x2x128xi32, #tpu.memory_space<hbm>> -> memref<2x128xi32, #tpu.memory_space<hbm>>
          %dma_start3A_116 = arith.constant 0 : i32
          %dma_start3A_117 = arith.constant 0 : i32
          %dma_start3A_118 = tpu.memref_slice %arg2[%add3A, %add3A_103, %dma_start3A_116, %dma_start3A_117] : memref<32x80x2x128xi32, #tpu.memory_space<hbm>> -> memref<1x1x2x128xi32, #tpu.memory_space<hbm>>
          %dma_start3A_119 = tpu.memref_squeeze %dma_start3A_118 : memref<1x1x2x128xi32, #tpu.memory_space<hbm>> -> memref<2x128xi32, #tpu.memory_space<hbm>>
          tpu.enqueue_dma source(%dma_start3A_119 : memref<2x128xi32, #tpu.memory_space<hbm>>) target(%arg6 : memref<2x128xi32, #tpu.memory_space<vmem>>) target_semaphore(%run_scoped3A_111 : memref<!tpu.dma_semaphore, #tpu.memory_space<semaphore_mem>>)
          %dma_wait3A_120 = arith.constant 0 : i32
          %dma_wait3A_121 = arith.constant 0 : i32
          %dma_wait3A_122 = tpu.memref_slice %arg2[%add3A, %add3A_103, %dma_wait3A_120, %dma_wait3A_121] : memref<32x80x2x128xi32, #tpu.memory_space<hbm>> -> memref<1x1x2x128xi32, #tpu.memory_space<hbm>>
          %dma_wait3A_123 = tpu.memref_squeeze %dma_wait3A_122 : memref<1x1x2x128xi32, #tpu.memory_space<hbm>> -> memref<2x128xi32, #tpu.memory_space<hbm>>
          %dma_wait3A_124 = arith.constant 0 : i32
          %dma_wait3A_125 = arith.constant 0 : i32
          %dma_wait3A_126 = tpu.memref_slice %arg2[%add3A, %add3A_103, %dma_wait3A_124, %dma_wait3A_125] : memref<32x80x2x128xi32, #tpu.memory_space<hbm>> -> memref<1x1x2x128xi32, #tpu.memory_space<hbm>>
          %dma_wait3A_127 = tpu.memref_squeeze %dma_wait3A_126 : memref<1x1x2x128xi32, #tpu.memory_space<hbm>> -> memref<2x128xi32, #tpu.memory_space<hbm>>
          tpu.wait_dma2 semaphore(%run_scoped3A_111 : memref<!tpu.dma_semaphore, #tpu.memory_space<semaphore_mem>>) src(%dma_wait3A_127 : memref<2x128xi32, #tpu.memory_space<hbm>>) dst(%arg6 : memref<2x128xi32, #tpu.memory_space<vmem>>)
          tpu.yield
        }) : () -> ()
        %dma_start3A_104 = arith.constant 0 : i32
        %dma_start3A_105 = arith.constant 0 : i32
        %dma_start3A_106 = tpu.memref_slice %arg6[%dma_start3A_104, %dma_start3A_105] : memref<2x128xi32, #tpu.memory_space<vmem>> -> memref<1x128xi32, #tpu.memory_space<vmem>>
        %dma_start3A_107 = tpu.memref_squeeze %dma_start3A_106 : memref<1x128xi32, #tpu.memory_space<vmem>> -> memref<128xi32, #tpu.memory_space<vmem>>
        %dma_start3A_108 = arith.constant 0 : i32
        %dma_start3A_109 = arith.constant 0 : i32
        %dma_start3A_110 = tpu.memref_slice %arg3[%dma_start3A_108, %dma_start3A_109] : memref<10000x128xf32, #tpu.memory_space<hbm>> -> memref<10000x128xf32, #tpu.memory_space<hbm>>
        tpu.enqueue_indirect_dma source(%dma_start3A_110 : memref<10000x128xf32, #tpu.memory_space<hbm>>) target(%arg8 : memref<128x128xf32, #tpu.memory_space<vmem>>) offsets(%dma_start3A_107 : memref<128xi32, #tpu.memory_space<vmem>>) semaphore(%arg12 : memref<!tpu.dma_semaphore, #tpu.memory_space<semaphore_mem>>)
      } else {
      }
      %dma_wait3A_88 = arith.constant 1 : i32
      %dma_wait3A_89 = arith.constant 0 : i32
      %dma_wait3A_90 = tpu.memref_slice %arg7[%dma_wait3A_88, %dma_wait3A_89] : memref<2x128xi32, #tpu.memory_space<vmem>> -> memref<1x128xi32, #tpu.memory_space<vmem>>
      %dma_wait3A_91 = tpu.memref_squeeze %dma_wait3A_90 : memref<1x128xi32, #tpu.memory_space<vmem>> -> memref<128xi32, #tpu.memory_space<vmem>>
      %dma_wait3A_92 = arith.constant 0 : i32
      %dma_wait3A_93 = arith.constant 0 : i32
      %dma_wait3A_94 = tpu.memref_slice %arg10[%dma_wait3A_92, %dma_wait3A_93] : memref<10112x128xf32, #tpu.memory_space<vmem_shared>> -> memref<10112x128xf32, #tpu.memory_space<vmem_shared>>
      tpu.wait_indirect_dma semaphore(%arg15 : memref<!tpu.dma_semaphore, #tpu.memory_space<semaphore_mem>>) src(%arg9 : memref<128x128xf32, #tpu.memory_space<vmem>>) dst(%dma_wait3A_94 : memref<10112x128xf32, #tpu.memory_space<vmem_shared>>)
      %add3A_95 = arith.constant 1 : i32
      %add3A_96 = arith.addi %scan3A_30, %add3A_95 : i32
      %lt3A_97 = arith.constant 40 : i32
      %lt3A_98 = arith.cmpi slt, %add3A_96, %lt3A_97 : i32
      %convert_element_type3A_99 = arith.extui %lt3A_98 : i1 to i32
      %cond3A_100 = arith.constant 0 : i32
      %cond3A_101 = arith.cmpi ne, %convert_element_type3A_99, %cond3A_100 : i32
      scf.if %cond3A_101 {
        %add3A_102 = arith.constant 3 : i32
        %add3A_103 = arith.addi %mul3A_32, %add3A_102 : i32
        %dma_start3A_104 = arith.constant 0 : i32
        %dma_start3A_105 = arith.constant 0 : i32
        %dma_start3A_106 = tpu.memref_slice %arg2[%add3A, %add3A_103, %dma_start3A_104, %dma_start3A_105] : memref<32x80x2x128xi32, #tpu.memory_space<hbm>> -> memref<1x1x2x128xi32, #tpu.memory_space<hbm>>
        %dma_start3A_107 = tpu.memref_squeeze %dma_start3A_106 : memref<1x1x2x128xi32, #tpu.memory_space<hbm>> -> memref<2x128xi32, #tpu.memory_space<hbm>>
        %dma_start3A_108 = arith.constant 0 : i32
        %dma_start3A_109 = arith.constant 0 : i32
        %dma_start3A_110 = tpu.memref_slice %arg2[%add3A, %add3A_103, %dma_start3A_108, %dma_start3A_109] : memref<32x80x2x128xi32, #tpu.memory_space<hbm>> -> memref<1x1x2x128xi32, #tpu.memory_space<hbm>>
        %dma_start3A_111 = tpu.memref_squeeze %dma_start3A_110 : memref<1x1x2x128xi32, #tpu.memory_space<hbm>> -> memref<2x128xi32, #tpu.memory_space<hbm>>
        tpu.enqueue_dma source(%dma_start3A_111 : memref<2x128xi32, #tpu.memory_space<hbm>>) target(%arg7 : memref<2x128xi32, #tpu.memory_space<vmem>>) target_semaphore(%arg11 : memref<!tpu.dma_semaphore, #tpu.memory_space<semaphore_mem>>)
      } else {
      }
    }
    %scan3A_24 = arith.constant 40 : i32
    %barrier3A_25 = arith.constant 0 : index
    tpu.barrier barrier_id(%barrier3A_25)
    %mul3A_26 = arith.constant 632 : i32
    %mul3A_27 = arith.muli %arg1, %mul3A_26 : i32
    %mul3A_28 = arith.constant 632 : i32
    %mul3A_29 = arith.muli %arg1, %mul3A_28 : i32
    "tpu.region"() ({
      %run_scoped3A_30 = tpu.sem_alloc : memref<!tpu.dma_semaphore, #tpu.memory_space<semaphore_mem>>
      %dma_start3A_31 = arith.constant 0 : i32
      %dma_start3A_32 = tpu.memref_slice %arg5[%arg0, %mul3A_29, %dma_start3A_31] : memref<2x10112x128xf32, #tpu.memory_space<hbm>> -> memref<1x632x128xf32, #tpu.memory_space<hbm>>
      %dma_start3A_33 = tpu.memref_squeeze %dma_start3A_32 : memref<1x632x128xf32, #tpu.memory_space<hbm>> -> memref<632x128xf32, #tpu.memory_space<hbm>>
      %dma_start3A_34 = arith.constant 0 : i32
      %dma_start3A_35 = tpu.memref_slice %arg10[%mul3A_27, %dma_start3A_34] : memref<10112x128xf32, #tpu.memory_space<vmem_shared>> -> memref<632x128xf32, #tpu.memory_space<vmem_shared>>
      tpu.enqueue_dma source(%dma_start3A_35 : memref<632x128xf32, #tpu.memory_space<vmem_shared>>) target(%dma_start3A_33 : memref<632x128xf32, #tpu.memory_space<hbm>>) target_semaphore(%run_scoped3A_30 : memref<!tpu.dma_semaphore, #tpu.memory_space<semaphore_mem>>)
      %dma_wait3A = arith.constant 0 : i32
      %dma_wait3A_36 = tpu.memref_slice %arg5[%arg0, %mul3A_29, %dma_wait3A] : memref<2x10112x128xf32, #tpu.memory_space<hbm>> -> memref<1x632x128xf32, #tpu.memory_space<hbm>>
      %dma_wait3A_37 = tpu.memref_squeeze %dma_wait3A_36 : memref<1x632x128xf32, #tpu.memory_space<hbm>> -> memref<632x128xf32, #tpu.memory_space<hbm>>
      %dma_wait3A_38 = arith.constant 0 : i32
      %dma_wait3A_39 = tpu.memref_slice %arg10[%mul3A_27, %dma_wait3A_38] : memref<10112x128xf32, #tpu.memory_space<vmem_shared>> -> memref<632x128xf32, #tpu.memory_space<vmem_shared>>
      tpu.wait_dma2 semaphore(%run_scoped3A_30 : memref<!tpu.dma_semaphore, #tpu.memory_space<semaphore_mem>>) src(%dma_wait3A_39 : memref<632x128xf32, #tpu.memory_space<vmem_shared>>) dst(%dma_wait3A_37 : memref<632x128xf32, #tpu.memory_space<hbm>>)
      tpu.yield
    }) : () -> ()
    return
  }
}

module attributes {stable_mosaic.version = 14 : i64} {
  func.func @_tc_head_body(%arg0: memref<2x10112x128xf32, #tpu.memory_space<vmem>>, %arg1: memref<10000x128xf32, #tpu.memory_space<vmem>>, %arg2: memref<128x128xf32, #tpu.memory_space<vmem>>, %arg3: memref<10000x128xf32, #tpu.memory_space<vmem>>, %arg4: memref<10000x1xf32, #tpu.memory_space<vmem>>) attributes {dimension_semantics = [], scalar_prefetch = 0 : i64, scratch_operands = 0 : i64, tpu.core_type = #tpu.core_type<tc>} {
    %get3A = arith.constant 0 : index
    %get3A_0 = arith.constant 0 : index
    %get3A_1 = arith.constant 0 : index
    %get3A_2 = vector.load %arg0[%get3A, %get3A_0, %get3A_1] : memref<2x10112x128xf32, #tpu.memory_space<vmem>>, vector<2x10112x128xf32>
    %slice3A = vector.extract_strided_slice %get3A_2 {offsets = [0, 0, 0], sizes = [1, 10000, 128], strides = [1, 1, 1]} : vector<2x10112x128xf32> to vector<1x10000x128xf32>
    %squeeze3A = vector.shape_cast %slice3A : vector<1x10000x128xf32> to vector<10000x128xf32>
    %slice3A_3 = vector.extract_strided_slice %get3A_2 {offsets = [1, 0, 0], sizes = [1, 10000, 128], strides = [1, 1, 1]} : vector<2x10112x128xf32> to vector<1x10000x128xf32>
    %squeeze3A_4 = vector.shape_cast %slice3A_3 : vector<1x10000x128xf32> to vector<10000x128xf32>
    %add3A = arith.addf %squeeze3A, %squeeze3A_4 : vector<10000x128xf32>
    %reduce_sum3A = arith.constant dense<0.000000e+00> : vector<10000xf32>
    %reduce_sum3A_5 = vector.multi_reduction <add>, %add3A, %reduce_sum3A [1] : vector<10000x128xf32> to vector<10000xf32>
    %broadcast_in_dim3A = vector.shape_cast %reduce_sum3A_5 : vector<10000xf32> to vector<10000x1xf32>
    %div3A = arith.constant 1.280000e+02 : f32
    %div3A_6 = vector.broadcast %div3A : f32 to vector<10000x1xf32>
    %div3A_7 = arith.divf %broadcast_in_dim3A, %div3A_6 : vector<10000x1xf32>
    %add3A_8 = arith.constant 1.000000e+00 : f32
    %add3A_9 = vector.broadcast %add3A_8 : f32 to vector<10000x1xf32>
    %add3A_10 = arith.addf %div3A_7, %add3A_9 : vector<10000x1xf32>
    %rsqrt3A = math.rsqrt %add3A_10 : vector<10000x1xf32>
    %get3A_11 = arith.constant 0 : index
    %get3A_12 = arith.constant 0 : index
    %get3A_13 = vector.load %arg1[%get3A_11, %get3A_12] : memref<10000x128xf32, #tpu.memory_space<vmem>>, vector<10000x128xf32>
    %get3A_14 = arith.constant 0 : index
    %get3A_15 = arith.constant 0 : index
    %get3A_16 = vector.load %arg2[%get3A_14, %get3A_15] : memref<128x128xf32, #tpu.memory_space<vmem>>, vector<128x128xf32>
    %dot_general3A = arith.constant dense<0.000000e+00> : vector<10000x128xf32>
    %dot_general3A_17 = tpu.matmul %get3A_13, %get3A_16, %dot_general3A {dimension_numbers = #tpu.dot_dimension_numbers<[1], [0], [0], [1], [0, 0, 1, 1], [], []>, transpose_lhs_hint = false} : vector<10000x128xf32>, vector<128x128xf32>, vector<10000x128xf32> -> vector<10000x128xf32>
    %mul3A = vector.broadcast %rsqrt3A : vector<10000x1xf32> to vector<10000x128xf32>
    %mul3A_18 = arith.mulf %mul3A, %dot_general3A_17 : vector<10000x128xf32>
    %swap3A = arith.constant 0 : index
    %swap3A_19 = arith.constant 0 : index
    %swap3A_20 = vector.load %arg3[%swap3A, %swap3A_19] : memref<10000x128xf32, #tpu.memory_space<vmem>>, vector<10000x128xf32>
    tpu.vector_store %arg3[%swap3A, %swap3A_19], %mul3A_18 {strides = array<i32>} : memref<10000x128xf32, #tpu.memory_space<vmem>>, vector<10000x128xf32>,
    %swap3A_21 = arith.constant 0 : index
    %swap3A_22 = arith.constant 0 : index
    %swap3A_23 = vector.load %arg4[%swap3A_21, %swap3A_22] : memref<10000x1xf32, #tpu.memory_space<vmem>>, vector<10000x1xf32>
    tpu.vector_store %arg4[%swap3A_21, %swap3A_22], %rsqrt3A {strides = array<i32>} : memref<10000x1xf32, #tpu.memory_space<vmem>>, vector<10000x1xf32>,
    return
  }
}

module attributes {stable_mosaic.version = 14 : i64} {
  func.func @_tc_mid_body(%arg0: memref<2x10112x128xf32, #tpu.memory_space<vmem>>, %arg1: memref<10000x128xf32, #tpu.memory_space<vmem>>, %arg2: memref<10000x1xf32, #tpu.memory_space<vmem>>, %arg3: memref<1x128xf32, #tpu.memory_space<vmem>>, %arg4: memref<1x128xf32, #tpu.memory_space<vmem>>, %arg5: memref<1x128xf32, #tpu.memory_space<vmem>>, %arg6: memref<128x128xf32, #tpu.memory_space<vmem>>, %arg7: memref<10000x128xf32, #tpu.memory_space<vmem>>) attributes {dimension_semantics = [], scalar_prefetch = 0 : i64, scratch_operands = 0 : i64, tpu.core_type = #tpu.core_type<tc>} {
    %get3A = arith.constant 0 : index
    %get3A_0 = arith.constant 0 : index
    %get3A_1 = vector.load %arg2[%get3A, %get3A_0] : memref<10000x1xf32, #tpu.memory_space<vmem>>, vector<10000x1xf32>
    %get3A_2 = arith.constant 0 : index
    %get3A_3 = arith.constant 0 : index
    %get3A_4 = arith.constant 0 : index
    %get3A_5 = vector.load %arg0[%get3A_2, %get3A_3, %get3A_4] : memref<2x10112x128xf32, #tpu.memory_space<vmem>>, vector<2x10112x128xf32>
    %get3A_6 = arith.constant 0 : index
    %get3A_7 = arith.constant 0 : index
    %get3A_8 = vector.load %arg1[%get3A_6, %get3A_7] : memref<10000x128xf32, #tpu.memory_space<vmem>>, vector<10000x128xf32>
    %get3A_9 = arith.constant 0 : index
    %get3A_10 = arith.constant 0 : index
    %get3A_11 = vector.load %arg3[%get3A_9, %get3A_10] : memref<1x128xf32, #tpu.memory_space<vmem>>, vector<1x128xf32>
    %get3A_12 = arith.constant 0 : index
    %get3A_13 = arith.constant 0 : index
    %get3A_14 = vector.load %arg4[%get3A_12, %get3A_13] : memref<1x128xf32, #tpu.memory_space<vmem>>, vector<1x128xf32>
    %get3A_15 = arith.constant 0 : index
    %get3A_16 = arith.constant 0 : index
    %get3A_17 = vector.load %arg5[%get3A_15, %get3A_16] : memref<1x128xf32, #tpu.memory_space<vmem>>, vector<1x128xf32>
    %slice3A = vector.extract_strided_slice %get3A_5 {offsets = [0, 0, 0], sizes = [1, 10000, 128], strides = [1, 1, 1]} : vector<2x10112x128xf32> to vector<1x10000x128xf32>
    %squeeze3A = vector.shape_cast %slice3A : vector<1x10000x128xf32> to vector<10000x128xf32>
    %slice3A_18 = vector.extract_strided_slice %get3A_5 {offsets = [1, 0, 0], sizes = [1, 10000, 128], strides = [1, 1, 1]} : vector<2x10112x128xf32> to vector<1x10000x128xf32>
    %squeeze3A_19 = vector.shape_cast %slice3A_18 : vector<1x10000x128xf32> to vector<10000x128xf32>
    %add3A = arith.addf %squeeze3A, %squeeze3A_19 : vector<10000x128xf32>
    %add3A_20 = arith.addf %add3A, %get3A_8 : vector<10000x128xf32>
    %mul3A = vector.broadcast %get3A_1 : vector<10000x1xf32> to vector<10000x128xf32>
    %mul3A_21 = arith.mulf %mul3A, %add3A_20 : vector<10000x128xf32>
    %add3A_22 = vector.broadcast %get3A_11 : vector<1x128xf32> to vector<10000x128xf32>
    %add3A_23 = arith.addf %mul3A_21, %add3A_22 : vector<10000x128xf32>
    %max3A = arith.constant 0.000000e+00 : f32
    %max3A_24 = vector.broadcast %max3A : f32 to vector<10000x128xf32>
    %max3A_25 = arith.maximumf %add3A_23, %max3A_24 : vector<10000x128xf32>
    %reduce_sum3A = arith.constant dense<0.000000e+00> : vector<128xf32>
    %reduce_sum3A_26 = vector.multi_reduction <add>, %max3A_25, %reduce_sum3A [0] : vector<10000x128xf32> to vector<128xf32>
    %broadcast_in_dim3A = vector.shape_cast %reduce_sum3A_26 : vector<128xf32> to vector<1x128xf32>
    %div3A = arith.constant 1.000000e+04 : f32
    %div3A_27 = vector.broadcast %div3A : f32 to vector<1x128xf32>
    %div3A_28 = arith.divf %broadcast_in_dim3A, %div3A_27 : vector<1x128xf32>
    %sub3A = vector.broadcast %div3A_28 : vector<1x128xf32> to vector<10000x128xf32>
    %sub3A_29 = arith.subf %max3A_25, %sub3A : vector<10000x128xf32>
    %mul3A_30 = arith.mulf %sub3A_29, %sub3A_29 : vector<10000x128xf32>
    %reduce_sum3A_31 = arith.constant dense<0.000000e+00> : vector<128xf32>
    %reduce_sum3A_32 = vector.multi_reduction <add>, %mul3A_30, %reduce_sum3A_31 [0] : vector<10000x128xf32> to vector<128xf32>
    %broadcast_in_dim3A_33 = vector.shape_cast %reduce_sum3A_32 : vector<128xf32> to vector<1x128xf32>
    %div3A_34 = arith.constant 1.000000e+04 : f32
    %div3A_35 = vector.broadcast %div3A_34 : f32 to vector<1x128xf32>
    %div3A_36 = arith.divf %broadcast_in_dim3A_33, %div3A_35 : vector<1x128xf32>
    %mul3A_37 = vector.broadcast %get3A_14 : vector<1x128xf32> to vector<10000x128xf32>
    %mul3A_38 = arith.mulf %mul3A_37, %sub3A_29 : vector<10000x128xf32>
    %add3A_39 = arith.constant 9.99999974E-6 : f32
    %add3A_40 = vector.broadcast %add3A_39 : f32 to vector<1x128xf32>
    %add3A_41 = arith.addf %div3A_36, %add3A_40 : vector<1x128xf32>
    %rsqrt3A = math.rsqrt %add3A_41 : vector<1x128xf32>
    %mul3A_42 = vector.broadcast %rsqrt3A : vector<1x128xf32> to vector<10000x128xf32>
    %mul3A_43 = arith.mulf %mul3A_38, %mul3A_42 : vector<10000x128xf32>
    %add3A_44 = vector.broadcast %get3A_17 : vector<1x128xf32> to vector<10000x128xf32>
    %add3A_45 = arith.addf %mul3A_43, %add3A_44 : vector<10000x128xf32>
    %get3A_46 = arith.constant 0 : index
    %get3A_47 = arith.constant 0 : index
    %get3A_48 = vector.load %arg6[%get3A_46, %get3A_47] : memref<128x128xf32, #tpu.memory_space<vmem>>, vector<128x128xf32>
    %dot_general3A = arith.constant dense<0.000000e+00> : vector<10000x128xf32>
    %dot_general3A_49 = tpu.matmul %add3A_45, %get3A_48, %dot_general3A {dimension_numbers = #tpu.dot_dimension_numbers<[1], [0], [0], [1], [0, 0, 1, 1], [], []>, transpose_lhs_hint = false} : vector<10000x128xf32>, vector<128x128xf32>, vector<10000x128xf32> -> vector<10000x128xf32>
    %mul3A_50 = vector.broadcast %get3A_1 : vector<10000x1xf32> to vector<10000x128xf32>
    %mul3A_51 = arith.mulf %mul3A_50, %dot_general3A_49 : vector<10000x128xf32>
    %swap3A = arith.constant 0 : index
    %swap3A_52 = arith.constant 0 : index
    %swap3A_53 = vector.load %arg7[%swap3A, %swap3A_52] : memref<10000x128xf32, #tpu.memory_space<vmem>>, vector<10000x128xf32>
    tpu.vector_store %arg7[%swap3A, %swap3A_52], %mul3A_51 {strides = array<i32>} : memref<10000x128xf32, #tpu.memory_space<vmem>>, vector<10000x128xf32>,
    return
  }
}

module attributes {stable_mosaic.version = 14 : i64} {
  func.func @_tc_tail_body(%arg0: memref<2x10112x128xf32, #tpu.memory_space<vmem>>, %arg1: memref<10000x128xf32, #tpu.memory_space<vmem>>, %arg2: memref<10000x1xf32, #tpu.memory_space<vmem>>, %arg3: memref<1x128xf32, #tpu.memory_space<vmem>>, %arg4: memref<1x128xf32, #tpu.memory_space<vmem>>, %arg5: memref<1x128xf32, #tpu.memory_space<vmem>>, %arg6: memref<10000x128xf32, #tpu.memory_space<vmem>>) attributes {dimension_semantics = [], scalar_prefetch = 0 : i64, scratch_operands = 0 : i64, tpu.core_type = #tpu.core_type<tc>} {
    %get3A = arith.constant 0 : index
    %get3A_0 = arith.constant 0 : index
    %get3A_1 = arith.constant 0 : index
    %get3A_2 = vector.load %arg0[%get3A, %get3A_0, %get3A_1] : memref<2x10112x128xf32, #tpu.memory_space<vmem>>, vector<2x10112x128xf32>
    %get3A_3 = arith.constant 0 : index
    %get3A_4 = arith.constant 0 : index
    %get3A_5 = vector.load %arg1[%get3A_3, %get3A_4] : memref<10000x128xf32, #tpu.memory_space<vmem>>, vector<10000x128xf32>
    %get3A_6 = arith.constant 0 : index
    %get3A_7 = arith.constant 0 : index
    %get3A_8 = vector.load %arg2[%get3A_6, %get3A_7] : memref<10000x1xf32, #tpu.memory_space<vmem>>, vector<10000x1xf32>
    %get3A_9 = arith.constant 0 : index
    %get3A_10 = arith.constant 0 : index
    %get3A_11 = vector.load %arg3[%get3A_9, %get3A_10] : memref<1x128xf32, #tpu.memory_space<vmem>>, vector<1x128xf32>
    %get3A_12 = arith.constant 0 : index
    %get3A_13 = arith.constant 0 : index
    %get3A_14 = vector.load %arg4[%get3A_12, %get3A_13] : memref<1x128xf32, #tpu.memory_space<vmem>>, vector<1x128xf32>
    %get3A_15 = arith.constant 0 : index
    %get3A_16 = arith.constant 0 : index
    %get3A_17 = vector.load %arg5[%get3A_15, %get3A_16] : memref<1x128xf32, #tpu.memory_space<vmem>>, vector<1x128xf32>
    %slice3A = vector.extract_strided_slice %get3A_2 {offsets = [0, 0, 0], sizes = [1, 10000, 128], strides = [1, 1, 1]} : vector<2x10112x128xf32> to vector<1x10000x128xf32>
    %squeeze3A = vector.shape_cast %slice3A : vector<1x10000x128xf32> to vector<10000x128xf32>
    %slice3A_18 = vector.extract_strided_slice %get3A_2 {offsets = [1, 0, 0], sizes = [1, 10000, 128], strides = [1, 1, 1]} : vector<2x10112x128xf32> to vector<1x10000x128xf32>
    %squeeze3A_19 = vector.shape_cast %slice3A_18 : vector<1x10000x128xf32> to vector<10000x128xf32>
    %add3A = arith.addf %squeeze3A, %squeeze3A_19 : vector<10000x128xf32>
    %add3A_20 = arith.addf %add3A, %get3A_5 : vector<10000x128xf32>
    %mul3A = vector.broadcast %get3A_8 : vector<10000x1xf32> to vector<10000x128xf32>
    %mul3A_21 = arith.mulf %mul3A, %add3A_20 : vector<10000x128xf32>
    %add3A_22 = vector.broadcast %get3A_11 : vector<1x128xf32> to vector<10000x128xf32>
    %add3A_23 = arith.addf %mul3A_21, %add3A_22 : vector<10000x128xf32>
    %max3A = arith.constant 0.000000e+00 : f32
    %max3A_24 = vector.broadcast %max3A : f32 to vector<10000x128xf32>
    %max3A_25 = arith.maximumf %add3A_23, %max3A_24 : vector<10000x128xf32>
    %reduce_sum3A = arith.constant dense<0.000000e+00> : vector<128xf32>
    %reduce_sum3A_26 = vector.multi_reduction <add>, %max3A_25, %reduce_sum3A [0] : vector<10000x128xf32> to vector<128xf32>
    %broadcast_in_dim3A = vector.shape_cast %reduce_sum3A_26 : vector<128xf32> to vector<1x128xf32>
    %div3A = arith.constant 1.000000e+04 : f32
    %div3A_27 = vector.broadcast %div3A : f32 to vector<1x128xf32>
    %div3A_28 = arith.divf %broadcast_in_dim3A, %div3A_27 : vector<1x128xf32>
    %sub3A = vector.broadcast %div3A_28 : vector<1x128xf32> to vector<10000x128xf32>
    %sub3A_29 = arith.subf %max3A_25, %sub3A : vector<10000x128xf32>
    %mul3A_30 = arith.mulf %sub3A_29, %sub3A_29 : vector<10000x128xf32>
    %reduce_sum3A_31 = arith.constant dense<0.000000e+00> : vector<128xf32>
    %reduce_sum3A_32 = vector.multi_reduction <add>, %mul3A_30, %reduce_sum3A_31 [0] : vector<10000x128xf32> to vector<128xf32>
    %broadcast_in_dim3A_33 = vector.shape_cast %reduce_sum3A_32 : vector<128xf32> to vector<1x128xf32>
    %div3A_34 = arith.constant 1.000000e+04 : f32
    %div3A_35 = vector.broadcast %div3A_34 : f32 to vector<1x128xf32>
    %div3A_36 = arith.divf %broadcast_in_dim3A_33, %div3A_35 : vector<1x128xf32>
    %mul3A_37 = vector.broadcast %get3A_14 : vector<1x128xf32> to vector<10000x128xf32>
    %mul3A_38 = arith.mulf %mul3A_37, %sub3A_29 : vector<10000x128xf32>
    %add3A_39 = arith.constant 9.99999974E-6 : f32
    %add3A_40 = vector.broadcast %add3A_39 : f32 to vector<1x128xf32>
    %add3A_41 = arith.addf %div3A_36, %add3A_40 : vector<1x128xf32>
    %rsqrt3A = math.rsqrt %add3A_41 : vector<1x128xf32>
    %mul3A_42 = vector.broadcast %rsqrt3A : vector<1x128xf32> to vector<10000x128xf32>
    %mul3A_43 = arith.mulf %mul3A_38, %mul3A_42 : vector<10000x128xf32>
    %add3A_44 = vector.broadcast %get3A_17 : vector<1x128xf32> to vector<10000x128xf32>
    %add3A_45 = arith.addf %mul3A_43, %add3A_44 : vector<10000x128xf32>
    %swap3A = arith.constant 0 : index
    %swap3A_46 = arith.constant 0 : index
    %swap3A_47 = vector.load %arg6[%swap3A, %swap3A_46] : memref<10000x128xf32, #tpu.memory_space<vmem>>, vector<10000x128xf32>
    tpu.vector_store %arg6[%swap3A, %swap3A_46], %add3A_45 {strides = array<i32>} : memref<10000x128xf32, #tpu.memory_space<vmem>>, vector<10000x128xf32>,
    return
  }
}

</mosaic_0001>

<sc_bundles>
// kernel: kernel.10.cloned.1.call-start
scs
__scs_entry_jumppad:
0x0: {  	(pc) =	sbr.rel $0x88, $3  }
0x1: {  	(tag) =	ssettag $0x0;
	lr =	simm.s32 $0x1  }
0x2: {  	[smem:$0x3F93] =	sst lr;
	_ =	strace $0xD0000000  }
0x3: {  	_ = 	snop  }
0x4: {  	_ = 	snop  }
0x5: {  	_ = 	snop  }
0x6: {  	_ = 	snop  }
0x7: {  	_ = 	snop  }
__scs_overlays_trampoline_lowered:
0x8: {  	[smem:$0x3FA2] =	sst s0  }
0x9: {  	[smem:$0x3FA3] =	sst s1  }
0xa: {  	[smem:$0x3FA4] =	sst s2  }
0xb: {  	[smem:$0x3FA5] =	sst s3  }
0xc: {  	[smem:$0x3FA6] =	sst s4  }
0xd: {  	[smem:$0x3FA7] =	sst s5  }
0xe: {  	[smem:$0x3FA8] =	sst s6  }
0xf: {  	[smem:$0x3FA9] =	sst s7  }
0x10: {  	[smem:$0x3FAA] =	sst s8  }
0x11: {  	[smem:$0x3FAB] =	sst s9;
	s0 =	simm.s32 @!p0 $0x0  }
0x12: {  	s1 =	sld [smem:$0x3F91];
	s0 =	simm.s32 @p0 $0x1  }
0x13: {  	[smem:$0x3FAC] =	sst s0;
	s0 =	simm.s32 @!p1 $0x0  }
0x14: {  	s2 =	sld [smem:$0x3F90];
	s0 =	simm.s32 @p1 $0x1  }
0x15: {  	[smem:$0x3FAD] =	sst s0;
	s0 =	simm.s32 @!p2 $0x0  }
0x16: {  	s3 =	sld [smem:$0x3FDB];
	s0 =	simm.s32 @p2 $0x1  }
0x17: {  	s4 =	simm.s32 $0x1BF5;
	[smem:$0x3FAF] =	sst s0  }
0x18: {  	s0 =	sld [smem:$0x3F92];
	_ =	swait.ge [sflag:s4], $0x0  }
0x19: {  	s7 =	sld [smem:$0x3F93]  }
0x1a: {  	s8 =	sadd.s32 $0xFFFFE003, lr  }
0x1b: {  	s9 =	sadd.s32 $0xFFFFFEF7, lr;
	s5 =	simm.s32 $0xFFFFFFFF;
	p2 =	slt.u32 s8, $0xFFFFF086  }
0x1c: {  	p1 =	slt.u32 s9, $0xF7A;
	s5 =	simm.s32 @!p2 $0x0  }
0x1d: {  	s5 =	simm.s32 @p1 $0x1;
	p0 =	seq.s32 s7, s2  }
0x1e: {  	s7 =	smul.u32 @!p0 $0xF7A, s2;
	p2 =	seq.s32 @!p0 s5, $0x0  }
0x1f: {  	s9 =	smul.u32 $0xF7A, s1;
	s8 =	simm.s32 @!p0 $0x1BF5;
	p2 =	por !p2, p0  }
0x20: {  	[sflag:s8] =	ssyncset.s32 @!p0 $0xFFFFF086;
	s6 =	sadd.s32 @!p0 s3, s7;
	s7 =	simm.s32 @!p0 $0x108  }
0x21: {  	s3 =	sadd.s32 s3, s9;
	s6 =	sadd.s32 @!p0 $0x88, s6;
	s7 =	simm.s32 @p2 $0x1082  }
0x22: {  	[simem:s7], [sflag:s8] =	dma.local @!p0 [hbm:s6], $0xF7A  }
0x23: {  	s9 =	sor.u32 $0xD0000000, s2;
	s6 =	simm.s32 $0x108;
	_ =	swait.ge @!p0 [sflag:s8], $0x0  }
0x24: {  	s3 =	sadd.s32 $0x88, s3;
	s6 =	simm.s32 @!p1 $0x1082;
	[sflag:s4] =	ssyncset.s32 $0xFFFFF086  }
0x25: {  	[simem:s6], [sflag:s4] =	dma.local [hbm:s3], $0xF7A  }
0x26: {  	[smem:$0x3F93] =	sst s1;
	(tag) =	ssettag s2;
	_ =	strace s9  }
0x27: {  	s1 =	sld [smem:$0x3FA3]  }
0x28: {  	s2 =	sld [smem:$0x3FA4]  }
0x29: {  	s4 =	sld [smem:$0x3FA6]  }
0x2a: {  	p0 =	seq.s32 s5, $0x0;
	s5 =	sld [smem:$0x3FA7]  }
0x2b: {  	s6 =	sld [smem:$0x3FA8]  }
0x2c: {  	s7 =	sld [smem:$0x3FA9]  }
0x2d: {  	s3 =	simm.s32 $0x108;
	s8 =	sld [smem:$0x3FAA]  }
0x2e: {  	s3 =	simm.s32 @!p0 $0x1082;
	s9 =	sld [smem:$0x3FAB]  }
0x2f: {  	lr =	sadd.s32 s0, s3;
	s0 =	sld [smem:$0x3FA2]  }
0x30: {  	s3 =	sld [smem:$0x3FA5]  }
0x31: {  	[smem:$0x3FAE] =	sst s10  }
0x32: {  	s10 =	sld [smem:$0x3FAC];
	_ =	sdelay $0x3  }
0x33: {  	p0 =	seq.s32 s10, $0x1;
	s10 =	sld [smem:$0x3FAE];
	_ =	sdelay $0x3  }
0x34: {  	[smem:$0x3FAE] =	sst s10  }
0x35: {  	s10 =	sld [smem:$0x3FAD];
	_ =	sdelay $0x3  }
0x36: {  	p1 =	seq.s32 s10, $0x1;
	s10 =	sld [smem:$0x3FAE];
	_ =	sdelay $0x3  }
0x37: {  	[smem:$0x3FAE] =	sst s10  }
0x38: {  	s10 =	sld [smem:$0x3FAF]  }
0x39: {  	_ = 	snop;
	(pc) =	sbr.ind lr, $3  }
0x3a: {  	_ = 	snop  }
0x3b: {  	_ = 	snop  }
0x3c: {  	p2 =	seq.s32 s10, $0x1;
	s10 =	sld [smem:$0x3FAE]  }
0x3d: {  	_ =	shalt  }
0x3e: {  	_ =	shalt  }
0x3f: {  	_ =	shalt  }
0x40: {  	_ =	shalt  }
0x41: {  	_ =	shalt  }
0x42: {  	_ =	shalt  }
0x43: {  	_ =	shalt  }
0x44: {  	_ =	shalt  }
0x45: {  	_ =	shalt  }
0x46: {  	_ =	shalt  }
0x47: {  	_ =	shalt  }
0x48: {  	_ =	shalt  }
0x49: {  	_ =	shalt  }
0x4a: {  	_ =	shalt  }
0x4b: {  	_ =	shalt  }
0x4c: {  	_ =	shalt  }
0x4d: {  	_ =	shalt  }
0x4e: {  	_ =	shalt  }
0x4f: {  	_ =	shalt  }
0x50: {  	_ =	shalt  }
0x51: {  	_ =	shalt  }
0x52: {  	_ =	shalt  }
0x53: {  	_ =	shalt  }
0x54: {  	_ =	shalt  }
0x55: {  	_ =	shalt  }
0x56: {  	_ =	shalt  }
0x57: {  	_ =	shalt  }
0x58: {  	_ =	shalt  }
0x59: {  	_ =	shalt  }
0x5a: {  	_ =	shalt  }
0x5b: {  	_ =	shalt  }
0x5c: {  	_ =	shalt  }
0x5d: {  	_ =	shalt  }
0x5e: {  	_ =	shalt  }
0x5f: {  	_ =	shalt  }
0x60: {  	_ =	shalt  }
0x61: {  	_ =	shalt  }
0x62: {  	_ =	shalt  }
0x63: {  	_ =	shalt  }
0x64: {  	_ =	shalt  }
0x65: {  	_ =	shalt  }
0x66: {  	_ =	shalt  }
0x67: {  	_ =	shalt  }
0x68: {  	_ =	shalt  }
0x69: {  	_ =	shalt  }
0x6a: {  	_ =	shalt  }
0x6b: {  	_ =	shalt  }
0x6c: {  	_ =	shalt  }
0x6d: {  	_ =	shalt  }
0x6e: {  	_ =	shalt  }
0x6f: {  	_ =	shalt  }
0x70: {  	_ =	shalt  }
0x71: {  	_ =	shalt  }
0x72: {  	_ =	shalt  }
0x73: {  	_ =	shalt  }
0x74: {  	_ =	shalt  }
0x75: {  	_ =	shalt  }
0x76: {  	_ =	shalt  }
0x77: {  	_ =	shalt  }
0x78: {  	_ =	shalt  }
0x79: {  	_ =	shalt  }
0x7a: {  	_ =	shalt  }
0x7b: {  	_ =	shalt  }
0x7c: {  	_ =	shalt  }
0x7d: {  	_ =	shalt  }
0x7e: {  	_ =	shalt  }
0x7f: {  	_ =	shalt  }
0x80: {  	_ =	shalt  }
0x81: {  	_ =	shalt  }
0x82: {  	_ =	shalt  }
0x83: {  	_ =	shalt  }
0x84: {  	_ =	shalt  }
0x85: {  	_ =	shalt  }
0x86: {  	_ =	shalt  }
0x87: {  	_ =	shalt  }
.Lfunc_end0:
.L_simem_size_0:
called_computation_lowered:
.L_overlay_start_0:
0x88: {  	s2 =	sld [smem:$0x3FD9]  }
0x89: {  	s3 =	sld [smem:$0x3FFE];
	_ =	sdelay $0x1  }
0x8a: {  	s1 =	srdreg.scid  }
0x8b: {  	s0 =	sand.u32 $0x1, s1  }
0x8c: {  	s17 =	sshll.u32 s0, $0xA;
	s2 =	sadd.s32 s3, s2  }
0x8d: {  	s2 =	sadd.s32 s2, s17  }
0x8e: {  	[smem:$0x3FBA] =	sst s2  }
0x8f: {  	_ = 	snop  }
0x90: {  	s2 =	sld [smem:$0x3FD0];
	(tm) =	ssettm $0x1  }
0x91: {  	s18 =	sld [smem:$0x3FFB];
	_ =	sdelay $0x3  }
0x92: {  	_ =	strace s18  }
0x93: {  	s3 =	sld [smem:$0x3FFC];
	_ =	sdelay $0x3  }
0x94: {  	_ =	strace s3  }
0x95: {  	s3 =	sld [smem:$0x3FFD];
	_ =	sdelay $0x3  }
0x96: {  	_ =	strace s3  }
0x97: {  	_ =	strace $0x8FFFFFFF  }
0x98: {  	s19 =	sld [smem:$0x3FDB];
	_ =	sdelay $0x1  }
0x99: {  	s4 =	simm.s32 $_scs_section_size  }
0x9a: {  	s5 =	simm.s32 $_size__tile_overlayer_lowered;
	s6 =	simm.s32 $_tile_overlayer_lowered  }
0x9b: {  	s22 =	simm.s32 $0x1BFF;
	s21 =	sshll.u32 s6, $0x1;
	s3 =	sadd.s32 s4, s19  }
0x9c: {  	s7 =	simm.s32 $0x0;
	s20 =	sshll.u32 s5, $0x1;
	s5 =	sadd.s32 s21, s3  }
0x9d: {  	[timem:s7], [sflag:s22] =	dma.local [hbm:s5], s20  }
0x9e: {  	_ =	swait.ge [sflag:s22], s20  }
0x9f: {  	s4 =	ssub.s32 $0x0, s20;
	[sflag:s22] =	ssyncset.done $0x0  }
0xa0: {  	[sflag:s22] =	ssyncadd.s32 s4;
	_ =	sdelay $0x1  }
0xa1: {  	s23 =	simm.s32 $0x1B8B  }
0xa2: {  	_ =	swait.ge [sflag:s23], $0x1  }
0xa3: {  	[sflag:s23] =	ssyncset.done $0x0  }
0xa4: {  	s25 =	simm.s32 $0x1B8E;
	s24 =	sld [smem:$0x3FFE];
	[sflag:s23] =	ssyncadd.s32 $0xFFFFFFFF  }
0xa5: {  	s26 =	simm.s32 $execute0_lowered;
	[smem:$0x3FD2] =	sst s25  }
0xa6: {  	s5 =	sshll.u32 s26, $0x1;
	_ =	strace $0x80000046;
	[dreg:$0x1] =	wrdreg $0xFFFFFFFF  }
0xa7: {  	s28 =	simm.s32 $_size_execute0_lowered;
	s3 =	sadd.s32 s3, s5;
	[dreg:$0x0] =	wrdreg $0x0  }
0xa8: {  	s5 =	sshll.u32 s28, $0x1;
	[dreg:$0x2] =	wrdreg s3  }
0xa9: {  	[dreg:$0x3] =	wrdreg s5  }
0xaa: {  	[dreg:$0x4] =	wrdreg $0xC0  }
0xab: {  	_ =	task [dreg:s7], $0x5FFFF  }
0xac: {  	[dreg:$0x1] =	wrdreg $0xFFFFFFFF  }
0xad: {  	[dreg:$0x0] =	wrdreg $0x60  }
0xae: {  	[dreg:$0x2] =	wrdreg s2  }
0xaf: {  	[dreg:$0x3] =	wrdreg s24  }
0xb0: {  	[dreg:$0x4] =	wrdreg $0x42000  }
0xb1: {  	[dreg:$0x5] =	wrdreg $0x9  }
0xb2: {  	_ =	task.clear_ibuf [dreg:s7], $0x6FFFF;
	_ =	strace $0x90000046  }
0xb3: {  	s29 =	simm.s32 $0x9;
	_ =	strace $0x80000048  }
0xb4: {  	_ =	swait.ge [sflag:s29], $0x1  }
0xb5: {  	[sflag:s29] =	ssyncadd.s32 $0xFFFFFFFF  }
0xb6: {  	_ =	strace $0x90000048  }
0xb7: {  	_ =	sfence  }
0xb8: {  	s30 =	sld [smem:$0x0];
	_ =	sdelay $0x2  }
0xb9: {  	s31 =	sshll.u32 s1, $0xD;
	s1 =	sshrl.u32 s1, $0x2  }
0xba: {  	s3 =	sand.u32 $0x4000, s31;
	s1 =	sadd.s32 s1, s30  }
0xbb: {  	s0 =	sor.u32 s3, s0;
	s1 =	sshll.u32 s1, $0x11  }
0xbc: {  	s0 =	sor.u32 s1, s0  }
0xbd: {  	s0 =	sadd.s32 $0x8F2B, s0  }
0xbe: {  	[sflag:s0] =	ssyncadd.remote.s32 $0x1  }
0xbf: {  	_ =	sfence.sel $0xFFFF  }
0xc0: {  	[dreg:$0x0] =	wrdreg $0xFFFFFFFF;
	(pc) =	sbr.abs _section_cstart, $3  }
0xc1: {  	[dreg:$0x1] =	wrdreg $0xFFFFFFFF  }
0xc2: {  	_ =	task.clear_ibuf [dreg:s7], $0x2FFFF;
	_ =	strace $0x9FFFFFFF  }
0xc3: {  	(tm) =	ssettm $0x7FFFFFFF  }
tec
execute0_lowered:
.L_overlay_start_1:
0x0: {  	(tag) =	ssettag $0x1  }
0x1: {  	s0 =	rddreg [dreg:$0x0]  }
0x2: {  	s1 =	rddreg [dreg:$0x1]  }
0x3: {  	s2 =	rddreg [dreg:$0x2]  }
0x4: {  	s20 =	stileid.u32;
	s4 =	srdreg.scid  }
0x5: {  	s3 =	simm.s32 $0x0;
	s28 =	simm.s32 $0x5;
	s29 =	simm.s32 $0x6  }
0x6: {  	s30 =	simm.s32 $0x7;
	s31 =	simm.s32 $0x8;
	s5 =	smul.u32 $0x13C00, s20  }
0x7: {  	s4 =	sand.u32 $0x1, s4;
	[smem:$0x7FF] =	sst s3;
	s10 =	smul.u32 $0x4F000, s20  }
0x8: {  	s7 =	sshll.u32 s20, $0x1;
	s8 =	sadd.s32 $0x4400, s1;
	s11 =	smul.u32 $0x5000, s20  }
0x9: {  	s26 =	sshll.u32 s20, $0x6;
	s20 =	simm.s32 $0x9;
	s6 =	smul.u32 $0x13C000, s4  }
0xa: {  	s7 =	sor.u32 s4, s7;
	s16 =	ssub.s32 $0x2, s4;
	s4 =	smul.u32 $0x2800, s4  }
0xb: {  	_ =	strace $0x80000047;
	[dreg:$0x4] =	wrdreg s8;
	s7 =	smul.u32 $0x2800, s7  }
0xc: {  	s18 =	sshrl.u32 s16, $0x1;
	s10 =	sshrl.u32 s10, $0x2;
	s6 =	sadd.s32 s5, s6  }
0xd: {  	s5 =	sshrl.u32 s5, $0x3;
	s12 =	ssub.s32 s16, s18;
	s4 =	sadd.s32 s4, s11  }
0xe: {  	s22 =	sadd.s32 s10, s2;
	s16 =	simm.s32 $0x80;
	s18 =	simm.s32 $0x180  }
0xf: {  	s6 =	sshrl.u32 s6, $0x3;
	s9 =	sadd.s32 s5, s1;
	s17 =	sshrl.u32 s7, $0x3  }
0x10: {  	s13 =	sor.u32 $0x380, s4;
	s11 =	smax.u32 s12, $0x1;
	s23 =	sor.u32 $0x300, s4  }
0x11: {  	s24 =	sor.u32 $0x280, s4;
	s4 =	sor.u32 $0x200, s4;
	s22 =	sshrl.u32 s22, $0x3  }
0x12: {  	s1 =	sadd.s32 s6, s1;
	s5 =	sadd.s32 s0, s17;
	s9 =	sadd.s32 $0x4C00, s9  }
0x13: {  	s21 =	sshrl.u32 s13, $0x3;
	s14 =	sshrl.u32 s24, $0x3;
	s25 =	sshrl.u32 s4, $0x3  }
0x14: {  	s17 =	simm.s32 $0x100;
	s24 =	simm.s32 $0x2;
	s19 =	sadd.s32 $0x10, s5  }
0x15: {  	s7 =	sadd.s32 $0x20, s5;
	s8 =	sadd.s32 $0x30, s5;
	s10 =	sadd.s32 $0x2C400, s1  }
0x16: {  	s12 =	sadd.s32 s21, s0;
	s1 =	sshrl.u32 s23, $0x3;
	s14 =	sadd.s32 s14, s0  }
0x17: {  	s15 =	sadd.s32 s25, s0;
	s21 =	sor.u32 $0x1C09, s26;
	s23 =	simm.s32 $0x1  }
0x18: {  	s25 =	simm.s32 $0x3;
	s26 =	simm.s32 $0x4;
	[dreg:$0x5] =	wrdreg s19  }
0x19: {  	s13 =	sadd.s32 s1, s0;
	s19 =	simm.s32 $0x200;
	s0 =	simm.s32 $0x0  }
.LBB2_1:
0x1a: {  	[tilespmem:s3], [sflag:$0x1] =	stream.linear.gather [hbm4b:s5+s3], $0x80, $0x38;
	[tilespmem:$0x17E00] =	vst v63  }
0x1b: {  	s1 =	rddreg [dreg:$0x5]  }
0x1c: {  	[tilespmem:s16], [sflag:$0x2] =	stream.linear.gather [hbm4b:s1+s3], $0x80, $0x38;
	[tilespmem:$0x17E00] =	vst v63  }
0x1d: {  	_ = 	snop  }
0x1e: {  	[tilespmem:s17], [sflag:$0x3] =	stream.linear.gather [hbm4b:s7+s3], $0x80, $0x38;
	[tilespmem:$0x17E00] =	vst v63  }
0x1f: {  	_ = 	snop  }
0x20: {  	[tilespmem:s18], [sflag:$0x4] =	stream.linear.gather [hbm4b:s8+s3], $0x80, $0x38;
	[tilespmem:$0x17E00] =	vst v63  }
0x21: {  	s4 =	rddreg [dreg:$0x4]  }
0x22: {  	[tilespmem:s19], [sflag:$0x9] =	stream.linear.gather [hbm4b:s4+s3], $0x4000, $0x38;
	[tilespmem:$0x17E00] =	vst v63  }
0x23: {  	_ =	swait.ge [sflag:s20], $0x4000  }
0x24: {  	[sflag:s20] =	ssyncset.done $0x0  }
0x25: {  	[sflag:s20] =	ssyncadd.s32 $0xFFFFC000  }
0x26: {  	[spmem:s22], [sflag:s21] =	dma.local [hbm:s9], $0x2780  }
0x27: {  	_ =	swait.ge [sflag:s20], $0x2780  }
0x28: {  	[sflag:s20] =	ssyncset.done $0x0  }
0x29: {  	[sflag:s20] =	ssyncadd.s32 $0xFFFFD880  }
0x2a: {  	[bflag:$0x0] =	sbarrier.arrive $0xFFFF  }
0x2b: {  	_ =	swait.ge [sflag:s23], $0x80  }
0x2c: {  	[sflag:s23] =	ssyncset.done $0x0  }
0x2d: {  	[sflag:s23] =	ssyncadd.s32 $0xFFFFFF80  }
0x2e: {  	[spmem:s2] =	stream.indirect.scatter.add.f32 [tilespmem:s19], [sflag:$0x5], $0x80, s3, s16, $0xb8;
	[tilespmem:$0x17E00] =	vst v63  }
0x2f: {  	_ =	swait.ge [sflag:s24], $0x80  }
0x30: {  	[sflag:s24] =	ssyncset.done $0x0  }
0x31: {  	[sflag:s24] =	ssyncadd.s32 $0xFFFFFF80  }
0x32: {  	[spmem:s2] =	stream.indirect.scatter.add.f32 [tilespmem:s19], [sflag:$0x6], $0x80, s16, s16, $0xb8;
	[tilespmem:$0x17E00] =	vst v63  }
0x33: {  	_ =	swait.ge [sflag:s25], $0x80  }
0x34: {  	[sflag:s25] =	ssyncset.done $0x0  }
0x35: {  	[sflag:s25] =	ssyncadd.s32 $0xFFFFFF80  }
0x36: {  	[spmem:s2] =	stream.indirect.scatter.add.f32 [tilespmem:s19], [sflag:$0x7], $0x80, s17, s16, $0xb8;
	[tilespmem:$0x17E00] =	vst v63  }
0x37: {  	_ =	swait.ge [sflag:s26], $0x80  }
0x38: {  	[sflag:s26] =	ssyncset.done $0x0  }
0x39: {  	[sflag:s26] =	ssyncadd.s32 $0xFFFFFF80  }
0x3a: {  	[spmem:s2] =	stream.indirect.scatter.add.f32 [tilespmem:s19], [sflag:$0x8], $0x80, s18, s16, $0xb8;
	[tilespmem:$0x17E00] =	vst v63  }
0x3b: {  	_ =	swait.ge [sflag:s28], $0x4000  }
0x3c: {  	[sflag:s28] =	ssyncset.done $0x0  }
0x3d: {  	s6 =	sadd.s32 $0x0, s15;
	[sflag:s28] =	ssyncadd.s32 $0xFFFFC000  }
0x3e: {  	[tilespmem:s3], [sflag:$0x1] =	stream.linear.gather [hbm4b:s6+s3], $0x80, $0x38;
	[tilespmem:$0x17E00] =	vst v63  }
0x3f: {  	_ =	swait.ge [sflag:s29], $0x4000  }
0x40: {  	[sflag:s29] =	ssyncset.done $0x0  }
0x41: {  	s4 =	sadd.s32 $0x0, s14;
	[sflag:s29] =	ssyncadd.s32 $0xFFFFC000  }
0x42: {  	[tilespmem:s16], [sflag:$0x2] =	stream.linear.gather [hbm4b:s4+s3], $0x80, $0x38;
	[tilespmem:$0x17E00] =	vst v63  }
0x43: {  	_ =	swait.ge [sflag:s30], $0x4000  }
0x44: {  	[sflag:s30] =	ssyncset.done $0x0  }
0x45: {  	s6 =	sadd.s32 $0x0, s13;
	[sflag:s30] =	ssyncadd.s32 $0xFFFFC000  }
0x46: {  	[tilespmem:s17], [sflag:$0x3] =	stream.linear.gather [hbm4b:s6+s3], $0x80, $0x38;
	[tilespmem:$0x17E00] =	vst v63  }
0x47: {  	_ =	swait.ge [sflag:s31], $0x4000  }
0x48: {  	[sflag:s31] =	ssyncset.done $0x0  }
0x49: {  	s1 =	simm.s32 $0x40;
	s4 =	sadd.s32 $0x0, s12;
	[sflag:s31] =	ssyncadd.s32 $0xFFFFC000  }
.LBB2_2:
0x4a: {  	[tilespmem:s18], [sflag:$0x4] =	stream.linear.gather [hbm4b:s4+s3], $0x80, $0x38;
	[tilespmem:$0x17E00] =	vst v63  }
0x4b: {  	s4 =	smov.u32 s1  }
0x4c: {  	p0 =	sne.s32 s1, $0x480;
	s1 =	sadd.s32 $0x40, s1;
	_ =	swait.ge [sflag:s23], $0x80  }
0x4d: {  	[sflag:s23] =	ssyncset.done $0x0  }
0x4e: {  	[sflag:s23] =	ssyncadd.s32 $0xFFFFFF80  }
0x4f: {  	[spmem:s2] =	stream.indirect.scatter.add.f32 [tilespmem:s19], [sflag:$0x5], $0x80, s3, s16, $0xb8;
	[tilespmem:$0x17E00] =	vst v63  }
0x50: {  	_ =	swait.ge [sflag:s24], $0x80  }
0x51: {  	[sflag:s24] =	ssyncset.done $0x0  }
0x52: {  	[sflag:s24] =	ssyncadd.s32 $0xFFFFFF80  }
0x53: {  	[spmem:s2] =	stream.indirect.scatter.add.f32 [tilespmem:s19], [sflag:$0x6], $0x80, s16, s16, $0xb8;
	[tilespmem:$0x17E00] =	vst v63  }
0x54: {  	_ =	swait.ge [sflag:s25], $0x80  }
0x55: {  	[sflag:s25] =	ssyncset.done $0x0  }
0x56: {  	[sflag:s25] =	ssyncadd.s32 $0xFFFFFF80  }
0x57: {  	[spmem:s2] =	stream.indirect.scatter.add.f32 [tilespmem:s19], [sflag:$0x7], $0x80, s17, s16, $0xb8;
	[tilespmem:$0x17E00] =	vst v63  }
0x58: {  	_ =	swait.ge [sflag:s26], $0x80  }
0x59: {  	[sflag:s26] =	ssyncset.done $0x0  }
0x5a: {  	[sflag:s26] =	ssyncadd.s32 $0xFFFFFF80  }
0x5b: {  	[spmem:s2] =	stream.indirect.scatter.add.f32 [tilespmem:s19], [sflag:$0x8], $0x80, s18, s16, $0xb8;
	[tilespmem:$0x17E00] =	vst v63  }
0x5c: {  	_ =	swait.ge [sflag:s28], $0x4000  }
0x5d: {  	[sflag:s28] =	ssyncset.done $0x0  }
0x5e: {  	s6 =	sadd.s32 s4, s15;
	[sflag:s28] =	ssyncadd.s32 $0xFFFFC000  }
0x5f: {  	[tilespmem:s3], [sflag:$0x1] =	stream.linear.gather [hbm4b:s6+s3], $0x80, $0x38;
	[tilespmem:$0x17E00] =	vst v63  }
0x60: {  	_ =	swait.ge [sflag:s29], $0x4000  }
0x61: {  	[sflag:s29] =	ssyncset.done $0x0  }
0x62: {  	s6 =	sadd.s32 s4, s14;
	[sflag:s29] =	ssyncadd.s32 $0xFFFFC000  }
0x63: {  	[tilespmem:s16], [sflag:$0x2] =	stream.linear.gather [hbm4b:s6+s3], $0x80, $0x38;
	[tilespmem:$0x17E00] =	vst v63  }
0x64: {  	_ =	swait.ge [sflag:s30], $0x4000  }
0x65: {  	[sflag:s30] =	ssyncset.done $0x0  }
.Ltmp0:
0x66: {  	s6 =	sadd.s32 s4, s13;
	[sflag:s30] =	ssyncadd.s32 $0xFFFFC000;
	(pc) =	sbr.rel @p0 .LBB2_2-.Ltmp0, $4  }
0x67: {  	[tilespmem:s17], [sflag:$0x3] =	stream.linear.gather [hbm4b:s6+s3], $0x80, $0x38;
	[tilespmem:$0x17E00] =	vst v63  }
0x68: {  	_ =	swait.ge [sflag:s31], $0x4000  }
0x69: {  	[sflag:s31] =	ssyncset.done $0x0  }
0x6a: {  	s4 =	sadd.s32 s4, s12;
	[sflag:s31] =	ssyncadd.s32 $0xFFFFC000  }
0x6b: {  	[tilespmem:s18], [sflag:$0x4] =	stream.linear.gather [hbm4b:s4+s3], $0x80, $0x38;
	[tilespmem:$0x17E00] =	vst v63  }
0x6c: {  	_ =	swait.ge [sflag:s23], $0x80  }
0x6d: {  	[sflag:s23] =	ssyncset.done $0x0  }
0x6e: {  	[sflag:s23] =	ssyncadd.s32 $0xFFFFFF80  }
0x6f: {  	[spmem:s2] =	stream.indirect.scatter.add.f32 [tilespmem:s19], [sflag:$0x5], $0x80, s3, s16, $0xb8;
	[tilespmem:$0x17E00] =	vst v63  }
0x70: {  	_ =	swait.ge [sflag:s24], $0x80  }
0x71: {  	[sflag:s24] =	ssyncset.done $0x0  }
0x72: {  	[sflag:s24] =	ssyncadd.s32 $0xFFFFFF80  }
0x73: {  	[spmem:s2] =	stream.indirect.scatter.add.f32 [tilespmem:s19], [sflag:$0x6], $0x80, s16, s16, $0xb8;
	[tilespmem:$0x17E00] =	vst v63  }
0x74: {  	_ =	swait.ge [sflag:s25], $0x80  }
0x75: {  	[sflag:s25] =	ssyncset.done $0x0  }
0x76: {  	[sflag:s25] =	ssyncadd.s32 $0xFFFFFF80  }
0x77: {  	[spmem:s2] =	stream.indirect.scatter.add.f32 [tilespmem:s19], [sflag:$0x7], $0x80, s17, s16, $0xb8;
	[tilespmem:$0x17E00] =	vst v63  }
0x78: {  	_ =	swait.ge [sflag:s26], $0x80  }
0x79: {  	[sflag:s26] =	ssyncset.done $0x0  }
0x7a: {  	[sflag:s26] =	ssyncadd.s32 $0xFFFFFF80  }
0x7b: {  	[spmem:s2] =	stream.indirect.scatter.add.f32 [tilespmem:s19], [sflag:$0x8], $0x80, s18, s16, $0xb8;
	[tilespmem:$0x17E00] =	vst v63  }
0x7c: {  	_ =	swait.ge [sflag:s28], $0x4000  }
0x7d: {  	[sflag:s28] =	ssyncset.done $0x0  }
0x7e: {  	[sflag:s28] =	ssyncadd.s32 $0xFFFFC000  }
0x7f: {  	_ =	swait.ge [sflag:s29], $0x4000  }
0x80: {  	[sflag:s29] =	ssyncset.done $0x0  }
0x81: {  	[sflag:s29] =	ssyncadd.s32 $0xFFFFC000  }
0x82: {  	_ =	swait.ge [sflag:s30], $0x4000  }
0x83: {  	[sflag:s30] =	ssyncset.done $0x0  }
0x84: {  	[sflag:s30] =	ssyncadd.s32 $0xFFFFC000  }
0x85: {  	_ =	swait.ge [sflag:s31], $0x4000  }
0x86: {  	s0 =	sadd.s32 $0x1, s0;
	[sflag:s31] =	ssyncset.done $0x0  }
0x87: {  	p0 =	sne.s32 s0, s11;
	[sflag:s31] =	ssyncadd.s32 $0xFFFFC000  }
.Ltmp1:
0x88: {  	[bflag:$0x0] =	sbarrier.arrive $0xFFFF;
	(pc) =	sbr.rel @p0 .LBB2_1-.Ltmp1, $4  }
0x89: {  	[hbm:s10], [sflag:s21] =	dma.local [spmem:s22], $0x2780  }
0x8a: {  	_ =	swait.ge [sflag:s20], $0x2780  }
0x8b: {  	[sflag:s20] =	ssyncset.done $0x0  }
0x8c: {  	[sflag:s20] =	ssyncadd.s32 $0xFFFFD880  }
0x8d: {  	_ =	sfence.sel $0x180000  }
0x8e: {  	[bflag:$0x0] =	sbarrier.arrive $0xFFFF  }
0x8f: {  	_ =	strace $0x90000047  }
0x90: {  	s0 =	stileid.u32;
	[bflag:$0x2] =	sbarrier.arrive $0xFFFF  }
0x91: {  	p0 =	sne.s32 s0, $0x0;
	s0 =	rddreg [dreg:$0x3]  }
0x92: {  	s0 =	sadd.s32 @!p0 $0x100000, s0  }
0x93: {  	[sflag:s0] =	ssyncadd.tile.s32 @!p0 $0x1;
	_ =	shalt  }
.Lfunc_end2:
_tile_overlayer_lowered:
.L_overlay_start_2:
0x94: {  	(tag) =	ssettag $0x2  }
0x95: {  	s0 =	rddreg [dreg:$0x0];
	s2 =	stileid.u32  }
0x96: {  	s1 =	rddreg [dreg:$0x1];
	p0 =	sne.s32 s2, $0x0  }
0x97: {  	s3 =	rddreg [dreg:$0x2];
	[bflag:$0x3] =	sbarrier.arrive $0xFFFF;
	s2 =	simm.s32 @!p0 $0x1C09  }
0x98: {  	[timem:s3], [sflag:s2] =	dma.local @!p0 [hbm:s0], s1  }
0x99: {  	s0 =	simm.s32 @!p0 $0x9  }
0x9a: {  	_ =	swait.ge @!p0 [sflag:s0], s1  }
0x9b: {  	s1 =	ssub.s32 @!p0 $0x0, s1;
	[sflag:s0] =	ssyncset.done @!p0 $0x0  }
0x9c: {  	[sflag:s0] =	ssyncadd.s32 @!p0 s1  }
0x9d: {  	[bflag:$0x3] =	sbarrier.arrive $0xFFFF  }
0x9e: {  	_ =	shalt  }

// kernel: kernel.13.cloned.1.call-start
scs
__scs_entry_jumppad:
0x0: {  	(pc) =	sbr.rel $0x88, $3  }
0x1: {  	(tag) =	ssettag $0x0;
	lr =	simm.s32 $0x1  }
0x2: {  	[smem:$0x3F93] =	sst lr;
	_ =	strace $0xD0000000  }
0x3: {  	_ = 	snop  }
0x4: {  	_ = 	snop  }
0x5: {  	_ = 	snop  }
0x6: {  	_ = 	snop  }
0x7: {  	_ = 	snop  }
__scs_overlays_trampoline_lowered:
0x8: {  	[smem:$0x3FA2] =	sst s0  }
0x9: {  	[smem:$0x3FA3] =	sst s1  }
0xa: {  	[smem:$0x3FA4] =	sst s2  }
0xb: {  	[smem:$0x3FA5] =	sst s3  }
0xc: {  	[smem:$0x3FA6] =	sst s4  }
0xd: {  	[smem:$0x3FA7] =	sst s5  }
0xe: {  	[smem:$0x3FA8] =	sst s6  }
0xf: {  	[smem:$0x3FA9] =	sst s7  }
0x10: {  	[smem:$0x3FAA] =	sst s8  }
0x11: {  	[smem:$0x3FAB] =	sst s9;
	s0 =	simm.s32 @!p0 $0x0  }
0x12: {  	s1 =	sld [smem:$0x3F91];
	s0 =	simm.s32 @p0 $0x1  }
0x13: {  	[smem:$0x3FAC] =	sst s0;
	s0 =	simm.s32 @!p1 $0x0  }
0x14: {  	s2 =	sld [smem:$0x3F90];
	s0 =	simm.s32 @p1 $0x1  }
0x15: {  	[smem:$0x3FAD] =	sst s0;
	s0 =	simm.s32 @!p2 $0x0  }
0x16: {  	s3 =	sld [smem:$0x3FDB];
	s0 =	simm.s32 @p2 $0x1  }
0x17: {  	s4 =	simm.s32 $0x1BF5;
	[smem:$0x3FAF] =	sst s0  }
0x18: {  	s0 =	sld [smem:$0x3F92];
	_ =	swait.ge [sflag:s4], $0x0  }
0x19: {  	s7 =	sld [smem:$0x3F93]  }
0x1a: {  	s8 =	sadd.s32 $0xFFFFE003, lr  }
0x1b: {  	s9 =	sadd.s32 $0xFFFFFEF7, lr;
	s5 =	simm.s32 $0xFFFFFFFF;
	p2 =	slt.u32 s8, $0xFFFFF086  }
0x1c: {  	p1 =	slt.u32 s9, $0xF7A;
	s5 =	simm.s32 @!p2 $0x0  }
0x1d: {  	s5 =	simm.s32 @p1 $0x1;
	p0 =	seq.s32 s7, s2  }
0x1e: {  	s7 =	smul.u32 @!p0 $0xF7A, s2;
	p2 =	seq.s32 @!p0 s5, $0x0  }
0x1f: {  	s9 =	smul.u32 $0xF7A, s1;
	s8 =	simm.s32 @!p0 $0x1BF5;
	p2 =	por !p2, p0  }
0x20: {  	[sflag:s8] =	ssyncset.s32 @!p0 $0xFFFFF086;
	s6 =	sadd.s32 @!p0 s3, s7;
	s7 =	simm.s32 @!p0 $0x108  }
0x21: {  	s3 =	sadd.s32 s3, s9;
	s6 =	sadd.s32 @!p0 $0x88, s6;
	s7 =	simm.s32 @p2 $0x1082  }
0x22: {  	[simem:s7], [sflag:s8] =	dma.local @!p0 [hbm:s6], $0xF7A  }
0x23: {  	s9 =	sor.u32 $0xD0000000, s2;
	s6 =	simm.s32 $0x108;
	_ =	swait.ge @!p0 [sflag:s8], $0x0  }
0x24: {  	s3 =	sadd.s32 $0x88, s3;
	s6 =	simm.s32 @!p1 $0x1082;
	[sflag:s4] =	ssyncset.s32 $0xFFFFF086  }
0x25: {  	[simem:s6], [sflag:s4] =	dma.local [hbm:s3], $0xF7A  }
0x26: {  	[smem:$0x3F93] =	sst s1;
	(tag) =	ssettag s2;
	_ =	strace s9  }
0x27: {  	s1 =	sld [smem:$0x3FA3]  }
0x28: {  	s2 =	sld [smem:$0x3FA4]  }
0x29: {  	s4 =	sld [smem:$0x3FA6]  }
0x2a: {  	p0 =	seq.s32 s5, $0x0;
	s5 =	sld [smem:$0x3FA7]  }
0x2b: {  	s6 =	sld [smem:$0x3FA8]  }
0x2c: {  	s7 =	sld [smem:$0x3FA9]  }
0x2d: {  	s3 =	simm.s32 $0x108;
	s8 =	sld [smem:$0x3FAA]  }
0x2e: {  	s3 =	simm.s32 @!p0 $0x1082;
	s9 =	sld [smem:$0x3FAB]  }
0x2f: {  	lr =	sadd.s32 s0, s3;
	s0 =	sld [smem:$0x3FA2]  }
0x30: {  	s3 =	sld [smem:$0x3FA5]  }
0x31: {  	[smem:$0x3FAE] =	sst s10  }
0x32: {  	s10 =	sld [smem:$0x3FAC];
	_ =	sdelay $0x3  }
0x33: {  	p0 =	seq.s32 s10, $0x1;
	s10 =	sld [smem:$0x3FAE];
	_ =	sdelay $0x3  }
0x34: {  	[smem:$0x3FAE] =	sst s10  }
0x35: {  	s10 =	sld [smem:$0x3FAD];
	_ =	sdelay $0x3  }
0x36: {  	p1 =	seq.s32 s10, $0x1;
	s10 =	sld [smem:$0x3FAE];
	_ =	sdelay $0x3  }
0x37: {  	[smem:$0x3FAE] =	sst s10  }
0x38: {  	s10 =	sld [smem:$0x3FAF]  }
0x39: {  	_ = 	snop;
	(pc) =	sbr.ind lr, $3  }
0x3a: {  	_ = 	snop  }
0x3b: {  	_ = 	snop  }
0x3c: {  	p2 =	seq.s32 s10, $0x1;
	s10 =	sld [smem:$0x3FAE]  }
0x3d: {  	_ =	shalt  }
0x3e: {  	_ =	shalt  }
0x3f: {  	_ =	shalt  }
0x40: {  	_ =	shalt  }
0x41: {  	_ =	shalt  }
0x42: {  	_ =	shalt  }
0x43: {  	_ =	shalt  }
0x44: {  	_ =	shalt  }
0x45: {  	_ =	shalt  }
0x46: {  	_ =	shalt  }
0x47: {  	_ =	shalt  }
0x48: {  	_ =	shalt  }
0x49: {  	_ =	shalt  }
0x4a: {  	_ =	shalt  }
0x4b: {  	_ =	shalt  }
0x4c: {  	_ =	shalt  }
0x4d: {  	_ =	shalt  }
0x4e: {  	_ =	shalt  }
0x4f: {  	_ =	shalt  }
0x50: {  	_ =	shalt  }
0x51: {  	_ =	shalt  }
0x52: {  	_ =	shalt  }
0x53: {  	_ =	shalt  }
0x54: {  	_ =	shalt  }
0x55: {  	_ =	shalt  }
0x56: {  	_ =	shalt  }
0x57: {  	_ =	shalt  }
0x58: {  	_ =	shalt  }
0x59: {  	_ =	shalt  }
0x5a: {  	_ =	shalt  }
0x5b: {  	_ =	shalt  }
0x5c: {  	_ =	shalt  }
0x5d: {  	_ =	shalt  }
0x5e: {  	_ =	shalt  }
0x5f: {  	_ =	shalt  }
0x60: {  	_ =	shalt  }
0x61: {  	_ =	shalt  }
0x62: {  	_ =	shalt  }
0x63: {  	_ =	shalt  }
0x64: {  	_ =	shalt  }
0x65: {  	_ =	shalt  }
0x66: {  	_ =	shalt  }
0x67: {  	_ =	shalt  }
0x68: {  	_ =	shalt  }
0x69: {  	_ =	shalt  }
0x6a: {  	_ =	shalt  }
0x6b: {  	_ =	shalt  }
0x6c: {  	_ =	shalt  }
0x6d: {  	_ =	shalt  }
0x6e: {  	_ =	shalt  }
0x6f: {  	_ =	shalt  }
0x70: {  	_ =	shalt  }
0x71: {  	_ =	shalt  }
0x72: {  	_ =	shalt  }
0x73: {  	_ =	shalt  }
0x74: {  	_ =	shalt  }
0x75: {  	_ =	shalt  }
0x76: {  	_ =	shalt  }
0x77: {  	_ =	shalt  }
0x78: {  	_ =	shalt  }
0x79: {  	_ =	shalt  }
0x7a: {  	_ =	shalt  }
0x7b: {  	_ =	shalt  }
0x7c: {  	_ =	shalt  }
0x7d: {  	_ =	shalt  }
0x7e: {  	_ =	shalt  }
0x7f: {  	_ =	shalt  }
0x80: {  	_ =	shalt  }
0x81: {  	_ =	shalt  }
0x82: {  	_ =	shalt  }
0x83: {  	_ =	shalt  }
0x84: {  	_ =	shalt  }
0x85: {  	_ =	shalt  }
0x86: {  	_ =	shalt  }
0x87: {  	_ =	shalt  }
.Lfunc_end0:
.L_simem_size_0:
called_computation.1_lowered:
.L_overlay_start_0:
0x88: {  	s2 =	sld [smem:$0x3FD9]  }
0x89: {  	s3 =	sld [smem:$0x3FFE];
	_ =	sdelay $0x1  }
0x8a: {  	s1 =	srdreg.scid  }
0x8b: {  	s0 =	sand.u32 $0x1, s1  }
0x8c: {  	s17 =	sshll.u32 s0, $0xA;
	s2 =	sadd.s32 s3, s2  }
0x8d: {  	s2 =	sadd.s32 s2, s17  }
0x8e: {  	[smem:$0x3FBA] =	sst s2  }
0x8f: {  	_ = 	snop  }
0x90: {  	s2 =	sld [smem:$0x3FD0];
	(tm) =	ssettm $0x1  }
0x91: {  	s18 =	sld [smem:$0x3FFB];
	_ =	sdelay $0x3  }
0x92: {  	_ =	strace s18  }
0x93: {  	s3 =	sld [smem:$0x3FFC];
	_ =	sdelay $0x3  }
0x94: {  	_ =	strace s3  }
0x95: {  	s3 =	sld [smem:$0x3FFD];
	_ =	sdelay $0x3  }
0x96: {  	_ =	strace s3  }
0x97: {  	_ =	strace $0x8FFFFFFF  }
0x98: {  	s19 =	sld [smem:$0x3FDB];
	_ =	sdelay $0x1  }
0x99: {  	s4 =	simm.s32 $_scs_section_size  }
0x9a: {  	s5 =	simm.s32 $_size__tile_overlayer_lowered;
	s6 =	simm.s32 $_tile_overlayer_lowered  }
0x9b: {  	s22 =	simm.s32 $0x1BFF;
	s21 =	sshll.u32 s6, $0x1;
	s3 =	sadd.s32 s4, s19  }
0x9c: {  	s7 =	simm.s32 $0x0;
	s20 =	sshll.u32 s5, $0x1;
	s5 =	sadd.s32 s21, s3  }
0x9d: {  	[timem:s7], [sflag:s22] =	dma.local [hbm:s5], s20  }
0x9e: {  	_ =	swait.ge [sflag:s22], s20  }
0x9f: {  	s4 =	ssub.s32 $0x0, s20;
	[sflag:s22] =	ssyncset.done $0x0  }
0xa0: {  	[sflag:s22] =	ssyncadd.s32 s4;
	_ =	sdelay $0x1  }
0xa1: {  	s23 =	simm.s32 $0x1B8B  }
0xa2: {  	_ =	swait.ge [sflag:s23], $0x1  }
0xa3: {  	[sflag:s23] =	ssyncset.done $0x0  }
0xa4: {  	s25 =	simm.s32 $0x1B8E;
	s24 =	sld [smem:$0x3FFE];
	[sflag:s23] =	ssyncadd.s32 $0xFFFFFFFF  }
0xa5: {  	s26 =	simm.s32 $execute0_lowered;
	[smem:$0x3FD2] =	sst s25  }
0xa6: {  	s5 =	sshll.u32 s26, $0x1;
	_ =	strace $0x80000049;
	[dreg:$0x1] =	wrdreg $0xFFFFFFFF  }
0xa7: {  	s28 =	simm.s32 $_size_execute0_lowered;
	s3 =	sadd.s32 s3, s5;
	[dreg:$0x0] =	wrdreg $0x0  }
0xa8: {  	s5 =	sshll.u32 s28, $0x1;
	[dreg:$0x2] =	wrdreg s3  }
0xa9: {  	[dreg:$0x3] =	wrdreg s5  }
0xaa: {  	[dreg:$0x4] =	wrdreg $0xC0  }
0xab: {  	_ =	task [dreg:s7], $0x5FFFF  }
0xac: {  	[dreg:$0x1] =	wrdreg $0xFFFFFFFF  }
0xad: {  	[dreg:$0x0] =	wrdreg $0x60  }
0xae: {  	[dreg:$0x2] =	wrdreg s24  }
0xaf: {  	[dreg:$0x3] =	wrdreg s2  }
0xb0: {  	[dreg:$0x4] =	wrdreg $0x82000  }
0xb1: {  	[dreg:$0x5] =	wrdreg $0x9  }
0xb2: {  	_ =	task.clear_ibuf [dreg:s7], $0x6FFFF;
	_ =	strace $0x90000049  }
0xb3: {  	s29 =	simm.s32 $0x9;
	_ =	strace $0x8000004B  }
0xb4: {  	_ =	swait.ge [sflag:s29], $0x1  }
0xb5: {  	[sflag:s29] =	ssyncadd.s32 $0xFFFFFFFF  }
0xb6: {  	_ =	strace $0x9000004B  }
0xb7: {  	_ =	sfence  }
0xb8: {  	s30 =	sld [smem:$0x0];
	_ =	sdelay $0x2  }
0xb9: {  	s31 =	sshll.u32 s1, $0xD;
	s1 =	sshrl.u32 s1, $0x2  }
0xba: {  	s3 =	sand.u32 $0x4000, s31;
	s1 =	sadd.s32 s1, s30  }
0xbb: {  	s0 =	sor.u32 s3, s0;
	s1 =	sshll.u32 s1, $0x11  }
0xbc: {  	s0 =	sor.u32 s1, s0  }
0xbd: {  	s0 =	sadd.s32 $0x8F2B, s0  }
0xbe: {  	[sflag:s0] =	ssyncadd.remote.s32 $0x1  }
0xbf: {  	_ =	sfence.sel $0xFFFF  }
0xc0: {  	[dreg:$0x0] =	wrdreg $0xFFFFFFFF;
	(pc) =	sbr.abs _section_cstart, $3  }
0xc1: {  	[dreg:$0x1] =	wrdreg $0xFFFFFFFF  }
0xc2: {  	_ =	task.clear_ibuf [dreg:s7], $0x2FFFF;
	_ =	strace $0x9FFFFFFF  }
0xc3: {  	(tm) =	ssettm $0x7FFFFFFF  }
tec
execute0_lowered:
.L_overlay_start_1:
0x0: {  	(tag) =	ssettag $0x1  }
0x1: {  	s5 =	rddreg [dreg:$0x0]  }
0x2: {  	s2 =	rddreg [dreg:$0x1]  }
0x3: {  	s3 =	rddreg [dreg:$0x2]  }
0x4: {  	s0 =	rddreg [dreg:$0x3]  }
0x5: {  	s1 =	stileid.u32;
	s6 =	srdreg.scid  }
0x6: {  	s4 =	simm.s32 $0x0;
	s15 =	simm.s32 $0x100;
	s18 =	simm.s32 $0x1  }
0x7: {  	s19 =	simm.s32 $0x4200;
	s7 =	smul.u32 $0x13C00, s1;
	s6 =	sand.u32 $0x1, s6  }
0x8: {  	[smem:$0x7FF] =	sst s4;
	s9 =	sshll.u32 s1, $0x1;
	s22 =	smul.u32 $0x4F000, s1  }
0x9: {  	s11 =	sadd.s32 $0x7B400, s5;
	s24 =	smul.u32 $0xA000, s1;
	s16 =	sshll.u32 s1, $0x6  }
0xa: {  	s8 =	smul.u32 $0x13C000, s6;
	_ =	strace $0x8000004A;
	s9 =	sor.u32 s6, s9  }
0xb: {  	s23 =	ssub.s32 $0x2, s6;
	s14 =	smul.u32 $0x5000, s6;
	s16 =	sor.u32 $0x1C06, s16  }
0xc: {  	s10 =	sshrl.u32 s7, $0x3;
	s20 =	smul.u32 $0x5000, s9;
	s13 =	sshrl.u32 s23, $0x1  }
0xd: {  	s25 =	sshrl.u32 s22, $0x2;
	s22 =	simm.s32 $0x180;
	s7 =	sadd.s32 s7, s8  }
0xe: {  	s21 =	sadd.s32 s10, s5;
	s13 =	ssub.s32 s23, s13;
	s17 =	sadd.s32 s25, s3  }
0xf: {  	s26 =	sadd.s32 s14, s24;
	s14 =	simm.s32 $0x200;
	s23 =	simm.s32 $0x4  }
0x10: {  	s24 =	simm.s32 $0x5;
	s25 =	simm.s32 $0x0;
	s7 =	sshrl.u32 s7, $0x3  }
0x11: {  	s8 =	sshrl.u32 s20, $0x3;
	s28 =	sor.u32 $0x300, s26;
	s29 =	sor.u32 $0x200, s26  }
0x12: {  	s9 =	smax.u32 s13, $0x1;
	s13 =	simm.s32 $0x80;
	s17 =	sshrl.u32 s17, $0x3  }
0x13: {  	s20 =	simm.s32 $0x2;
	s12 =	sadd.s32 s7, s5;
	s5 =	sadd.s32 s11, s8  }
0x14: {  	s7 =	sadd.s32 $0x4C00, s21;
	s30 =	sshrl.u32 s28, $0x3;
	s31 =	sshrl.u32 s29, $0x3  }
0x15: {  	s21 =	simm.s32 $0x3;
	s6 =	sadd.s32 $0x20, s5;
	s8 =	sadd.s32 $0x2C400, s12  }
0x16: {  	s10 =	sadd.s32 s30, s11;
	s11 =	sadd.s32 s31, s11;
	s12 =	simm.s32 $0x6  }
.LBB2_1:
0x17: {  	[tilespmem:s4], [sflag:$0x6] =	stream.linear.gather [hbm4b:s5+s4], $0x100, $0x38;
	[tilespmem:$0x1BE00] =	vst v63  }
0x18: {  	_ =	swait.ge [sflag:s12], $0x100  }
0x19: {  	[sflag:s12] =	ssyncset.done $0x0  }
0x1a: {  	[sflag:s12] =	ssyncadd.s32 $0xFFFFFF00  }
0x1b: {  	[tilespmem:s14], [sflag:$0x2] =	stream.indirect.gather [hbm4b:s2+s13], $0x80, s4, s13, $0xb8;
	[tilespmem:$0x1BE00] =	vst v63  }
0x1c: {  	_ = 	snop  }
0x1d: {  	[tilespmem:s15], [sflag:$0x1] =	stream.linear.gather [hbm4b:s6+s4], $0x100, $0x38;
	[tilespmem:$0x1BE00] =	vst v63  }
0x1e: {  	[spmem:s17], [sflag:s16] =	dma.local [hbm:s7], $0x2780  }
0x1f: {  	_ =	swait.ge [sflag:s12], $0x2780  }
0x20: {  	[sflag:s12] =	ssyncset.done $0x0  }
0x21: {  	[sflag:s12] =	ssyncadd.s32 $0xFFFFD880  }
0x22: {  	[bflag:$0x0] =	sbarrier.arrive $0xFFFF  }
0x23: {  	_ =	swait.ge [sflag:s18], $0x100  }
0x24: {  	[sflag:s18] =	ssyncset.done $0x0  }
0x25: {  	[sflag:s18] =	ssyncadd.s32 $0xFFFFFF00  }
0x26: {  	[tilespmem:s19], [sflag:$0x3] =	stream.indirect.gather [hbm4b:s2+s13], $0x80, s15, s13, $0xb8;
	[tilespmem:$0x1BE00] =	vst v63  }
0x27: {  	_ =	swait.ge [sflag:s20], $0x4000  }
0x28: {  	[sflag:s20] =	ssyncset.done $0x0  }
0x29: {  	[sflag:s20] =	ssyncadd.s32 $0xFFFFC000  }
0x2a: {  	[spmem:s3] =	stream.indirect.scatter.add.f32 [tilespmem:s14], [sflag:$0x4], $0x80, s13, s13, $0xb8;
	[tilespmem:$0x1BE00] =	vst v63  }
0x2b: {  	_ =	swait.ge [sflag:s21], $0x4000  }
0x2c: {  	[sflag:s21] =	ssyncset.done $0x0  }
0x2d: {  	[sflag:s21] =	ssyncadd.s32 $0xFFFFC000  }
0x2e: {  	[spmem:s3] =	stream.indirect.scatter.add.f32 [tilespmem:s19], [sflag:$0x5], $0x80, s22, s13, $0xb8;
	[tilespmem:$0x1BE00] =	vst v63  }
0x2f: {  	_ =	swait.ge [sflag:s23], $0x4000  }
0x30: {  	[sflag:s23] =	ssyncset.done $0x0  }
0x31: {  	s26 =	sadd.s32 $0x0, s11;
	[sflag:s23] =	ssyncadd.s32 $0xFFFFC000  }
0x32: {  	[tilespmem:s4], [sflag:$0x6] =	stream.linear.gather [hbm4b:s26+s4], $0x100, $0x38;
	[tilespmem:$0x1BE00] =	vst v63  }
0x33: {  	_ =	swait.ge [sflag:s12], $0x100  }
0x34: {  	[sflag:s12] =	ssyncset.done $0x0  }
0x35: {  	[sflag:s12] =	ssyncadd.s32 $0xFFFFFF00  }
0x36: {  	[tilespmem:s14], [sflag:$0x2] =	stream.indirect.gather [hbm4b:s2+s13], $0x80, s4, s13, $0xb8;
	[tilespmem:$0x1BE00] =	vst v63  }
0x37: {  	_ =	swait.ge [sflag:s24], $0x4000  }
0x38: {  	[sflag:s24] =	ssyncset.done $0x0  }
0x39: {  	s28 =	sadd.s32 $0x0, s10;
	s26 =	simm.s32 $0x40;
	[sflag:s24] =	ssyncadd.s32 $0xFFFFC000  }
.LBB2_2:
0x3a: {  	[tilespmem:s15], [sflag:$0x1] =	stream.linear.gather [hbm4b:s28+s4], $0x100, $0x38;
	[tilespmem:$0x1BE00] =	vst v63  }
0x3b: {  	s28 =	smov.u32 s26  }
0x3c: {  	p0 =	sne.s32 s26, $0x980;
	s26 =	sadd.s32 $0x40, s26;
	_ =	swait.ge [sflag:s18], $0x100  }
0x3d: {  	[sflag:s18] =	ssyncset.done $0x0  }
0x3e: {  	[sflag:s18] =	ssyncadd.s32 $0xFFFFFF00  }
0x3f: {  	[tilespmem:s19], [sflag:$0x3] =	stream.indirect.gather [hbm4b:s2+s13], $0x80, s15, s13, $0xb8;
	[tilespmem:$0x1BE00] =	vst v63  }
0x40: {  	_ =	swait.ge [sflag:s20], $0x4000  }
0x41: {  	[sflag:s20] =	ssyncset.done $0x0  }
0x42: {  	[sflag:s20] =	ssyncadd.s32 $0xFFFFC000  }
0x43: {  	[spmem:s3] =	stream.indirect.scatter.add.f32 [tilespmem:s14], [sflag:$0x4], $0x80, s13, s13, $0xb8;
	[tilespmem:$0x1BE00] =	vst v63  }
0x44: {  	_ =	swait.ge [sflag:s21], $0x4000  }
0x45: {  	[sflag:s21] =	ssyncset.done $0x0  }
0x46: {  	[sflag:s21] =	ssyncadd.s32 $0xFFFFC000  }
0x47: {  	[spmem:s3] =	stream.indirect.scatter.add.f32 [tilespmem:s19], [sflag:$0x5], $0x80, s22, s13, $0xb8;
	[tilespmem:$0x1BE00] =	vst v63  }
0x48: {  	_ =	swait.ge [sflag:s23], $0x4000  }
0x49: {  	[sflag:s23] =	ssyncset.done $0x0  }
0x4a: {  	s29 =	sadd.s32 s28, s11;
	[sflag:s23] =	ssyncadd.s32 $0xFFFFC000  }
0x4b: {  	[tilespmem:s4], [sflag:$0x6] =	stream.linear.gather [hbm4b:s29+s4], $0x100, $0x38;
	[tilespmem:$0x1BE00] =	vst v63  }
0x4c: {  	_ =	swait.ge [sflag:s12], $0x100  }
0x4d: {  	[sflag:s12] =	ssyncset.done $0x0  }
.Ltmp0:
0x4e: {  	[sflag:s12] =	ssyncadd.s32 $0xFFFFFF00;
	(pc) =	sbr.rel @p0 .LBB2_2-.Ltmp0, $4  }
0x4f: {  	[tilespmem:s14], [sflag:$0x2] =	stream.indirect.gather [hbm4b:s2+s13], $0x80, s4, s13, $0xb8;
	[tilespmem:$0x1BE00] =	vst v63  }
0x50: {  	_ =	swait.ge [sflag:s24], $0x4000  }
0x51: {  	[sflag:s24] =	ssyncset.done $0x0  }
0x52: {  	s28 =	sadd.s32 s28, s10;
	[sflag:s24] =	ssyncadd.s32 $0xFFFFC000  }
0x53: {  	[tilespmem:s15], [sflag:$0x1] =	stream.linear.gather [hbm4b:s28+s4], $0x100, $0x38;
	[tilespmem:$0x1BE00] =	vst v63  }
0x54: {  	_ =	swait.ge [sflag:s18], $0x100  }
0x55: {  	[sflag:s18] =	ssyncset.done $0x0  }
0x56: {  	[sflag:s18] =	ssyncadd.s32 $0xFFFFFF00  }
0x57: {  	[tilespmem:s19], [sflag:$0x3] =	stream.indirect.gather [hbm4b:s2+s13], $0x80, s15, s13, $0xb8;
	[tilespmem:$0x1BE00] =	vst v63  }
0x58: {  	_ =	swait.ge [sflag:s20], $0x4000  }
0x59: {  	[sflag:s20] =	ssyncset.done $0x0  }
0x5a: {  	[sflag:s20] =	ssyncadd.s32 $0xFFFFC000  }
0x5b: {  	[spmem:s3] =	stream.indirect.scatter.add.f32 [tilespmem:s14], [sflag:$0x4], $0x80, s13, s13, $0xb8;
	[tilespmem:$0x1BE00] =	vst v63  }
0x5c: {  	_ =	swait.ge [sflag:s21], $0x4000  }
0x5d: {  	[sflag:s21] =	ssyncset.done $0x0  }
0x5e: {  	[sflag:s21] =	ssyncadd.s32 $0xFFFFC000  }
0x5f: {  	[spmem:s3] =	stream.indirect.scatter.add.f32 [tilespmem:s19], [sflag:$0x5], $0x80, s22, s13, $0xb8;
	[tilespmem:$0x1BE00] =	vst v63  }
0x60: {  	_ =	swait.ge [sflag:s23], $0x4000  }
0x61: {  	[sflag:s23] =	ssyncset.done $0x0  }
0x62: {  	[sflag:s23] =	ssyncadd.s32 $0xFFFFC000  }
0x63: {  	_ =	swait.ge [sflag:s24], $0x4000  }
0x64: {  	s25 =	sadd.s32 $0x1, s25;
	[sflag:s24] =	ssyncset.done $0x0  }
0x65: {  	p0 =	sne.s32 s25, s9;
	[sflag:s24] =	ssyncadd.s32 $0xFFFFC000  }
.Ltmp1:
0x66: {  	[bflag:$0x0] =	sbarrier.arrive $0xFFFF;
	(pc) =	sbr.rel @p0 .LBB2_1-.Ltmp1, $4  }
0x67: {  	[hbm:s8], [sflag:s16] =	dma.local [spmem:s17], $0x2780  }
0x68: {  	_ =	swait.ge [sflag:s12], $0x2780  }
0x69: {  	[sflag:s12] =	ssyncset.done $0x0  }
0x6a: {  	[sflag:s12] =	ssyncadd.s32 $0xFFFFD880  }
0x6b: {  	_ =	sfence.sel $0x180000  }
0x6c: {  	[bflag:$0x0] =	sbarrier.arrive $0xFFFF  }
0x6d: {  	p0 =	sne.s32 s1, $0x0;
	_ =	strace $0x9000004A  }
0x6e: {  	s0 =	sadd.s32 @!p0 $0x100000, s0;
	[bflag:$0x2] =	sbarrier.arrive $0xFFFF  }
0x6f: {  	[sflag:s0] =	ssyncadd.tile.s32 @!p0 $0x1;
	_ =	shalt  }
.Lfunc_end2:
_tile_overlayer_lowered:
.L_overlay_start_2:
0x70: {  	(tag) =	ssettag $0x2  }
0x71: {  	s0 =	rddreg [dreg:$0x0];
	s2 =	stileid.u32  }
0x72: {  	s1 =	rddreg [dreg:$0x1];
	p0 =	sne.s32 s2, $0x0  }
0x73: {  	s3 =	rddreg [dreg:$0x2];
	[bflag:$0x3] =	sbarrier.arrive $0xFFFF;
	s2 =	simm.s32 @!p0 $0x1C06  }
0x74: {  	[timem:s3], [sflag:s2] =	dma.local @!p0 [hbm:s0], s1  }
0x75: {  	s0 =	simm.s32 @!p0 $0x6  }
0x76: {  	_ =	swait.ge @!p0 [sflag:s0], s1  }
0x77: {  	s1 =	ssub.s32 @!p0 $0x0, s1;
	[sflag:s0] =	ssyncset.done @!p0 $0x0  }
0x78: {  	[sflag:s0] =	ssyncadd.s32 @!p0 s1  }
0x79: {  	[bflag:$0x3] =	sbarrier.arrive $0xFFFF  }
0x7a: {  	_ =	shalt  }

// kernel: kernel.16.cloned.1.call-start
scs
__scs_entry_jumppad:
0x0: {  	(pc) =	sbr.rel $0x88, $3  }
0x1: {  	(tag) =	ssettag $0x0;
	lr =	simm.s32 $0x1  }
0x2: {  	[smem:$0x3F93] =	sst lr;
	_ =	strace $0xD0000000  }
0x3: {  	_ = 	snop  }
0x4: {  	_ = 	snop  }
0x5: {  	_ = 	snop  }
0x6: {  	_ = 	snop  }
0x7: {  	_ = 	snop  }
__scs_overlays_trampoline_lowered:
0x8: {  	[smem:$0x3FA2] =	sst s0  }
0x9: {  	[smem:$0x3FA3] =	sst s1  }
0xa: {  	[smem:$0x3FA4] =	sst s2  }
0xb: {  	[smem:$0x3FA5] =	sst s3  }
0xc: {  	[smem:$0x3FA6] =	sst s4  }
0xd: {  	[smem:$0x3FA7] =	sst s5  }
0xe: {  	[smem:$0x3FA8] =	sst s6  }
0xf: {  	[smem:$0x3FA9] =	sst s7  }
0x10: {  	[smem:$0x3FAA] =	sst s8  }
0x11: {  	[smem:$0x3FAB] =	sst s9;
	s0 =	simm.s32 @!p0 $0x0  }
0x12: {  	s1 =	sld [smem:$0x3F91];
	s0 =	simm.s32 @p0 $0x1  }
0x13: {  	[smem:$0x3FAC] =	sst s0;
	s0 =	simm.s32 @!p1 $0x0  }
0x14: {  	s2 =	sld [smem:$0x3F90];
	s0 =	simm.s32 @p1 $0x1  }
0x15: {  	[smem:$0x3FAD] =	sst s0;
	s0 =	simm.s32 @!p2 $0x0  }
0x16: {  	s3 =	sld [smem:$0x3FDB];
	s0 =	simm.s32 @p2 $0x1  }
0x17: {  	s4 =	simm.s32 $0x1BF5;
	[smem:$0x3FAF] =	sst s0  }
0x18: {  	s0 =	sld [smem:$0x3F92];
	_ =	swait.ge [sflag:s4], $0x0  }
0x19: {  	s7 =	sld [smem:$0x3F93]  }
0x1a: {  	s8 =	sadd.s32 $0xFFFFE003, lr  }
0x1b: {  	s9 =	sadd.s32 $0xFFFFFEF7, lr;
	s5 =	simm.s32 $0xFFFFFFFF;
	p2 =	slt.u32 s8, $0xFFFFF086  }
0x1c: {  	p1 =	slt.u32 s9, $0xF7A;
	s5 =	simm.s32 @!p2 $0x0  }
0x1d: {  	s5 =	simm.s32 @p1 $0x1;
	p0 =	seq.s32 s7, s2  }
0x1e: {  	s7 =	smul.u32 @!p0 $0xF7A, s2;
	p2 =	seq.s32 @!p0 s5, $0x0  }
0x1f: {  	s9 =	smul.u32 $0xF7A, s1;
	s8 =	simm.s32 @!p0 $0x1BF5;
	p2 =	por !p2, p0  }
0x20: {  	[sflag:s8] =	ssyncset.s32 @!p0 $0xFFFFF086;
	s6 =	sadd.s32 @!p0 s3, s7;
	s7 =	simm.s32 @!p0 $0x108  }
0x21: {  	s3 =	sadd.s32 s3, s9;
	s6 =	sadd.s32 @!p0 $0x88, s6;
	s7 =	simm.s32 @p2 $0x1082  }
0x22: {  	[simem:s7], [sflag:s8] =	dma.local @!p0 [hbm:s6], $0xF7A  }
0x23: {  	s9 =	sor.u32 $0xD0000000, s2;
	s6 =	simm.s32 $0x108;
	_ =	swait.ge @!p0 [sflag:s8], $0x0  }
0x24: {  	s3 =	sadd.s32 $0x88, s3;
	s6 =	simm.s32 @!p1 $0x1082;
	[sflag:s4] =	ssyncset.s32 $0xFFFFF086  }
0x25: {  	[simem:s6], [sflag:s4] =	dma.local [hbm:s3], $0xF7A  }
0x26: {  	[smem:$0x3F93] =	sst s1;
	(tag) =	ssettag s2;
	_ =	strace s9  }
0x27: {  	s1 =	sld [smem:$0x3FA3]  }
0x28: {  	s2 =	sld [smem:$0x3FA4]  }
0x29: {  	s4 =	sld [smem:$0x3FA6]  }
0x2a: {  	p0 =	seq.s32 s5, $0x0;
	s5 =	sld [smem:$0x3FA7]  }
0x2b: {  	s6 =	sld [smem:$0x3FA8]  }
0x2c: {  	s7 =	sld [smem:$0x3FA9]  }
0x2d: {  	s3 =	simm.s32 $0x108;
	s8 =	sld [smem:$0x3FAA]  }
0x2e: {  	s3 =	simm.s32 @!p0 $0x1082;
	s9 =	sld [smem:$0x3FAB]  }
0x2f: {  	lr =	sadd.s32 s0, s3;
	s0 =	sld [smem:$0x3FA2]  }
0x30: {  	s3 =	sld [smem:$0x3FA5]  }
0x31: {  	[smem:$0x3FAE] =	sst s10  }
0x32: {  	s10 =	sld [smem:$0x3FAC];
	_ =	sdelay $0x3  }
0x33: {  	p0 =	seq.s32 s10, $0x1;
	s10 =	sld [smem:$0x3FAE];
	_ =	sdelay $0x3  }
0x34: {  	[smem:$0x3FAE] =	sst s10  }
0x35: {  	s10 =	sld [smem:$0x3FAD];
	_ =	sdelay $0x3  }
0x36: {  	p1 =	seq.s32 s10, $0x1;
	s10 =	sld [smem:$0x3FAE];
	_ =	sdelay $0x3  }
0x37: {  	[smem:$0x3FAE] =	sst s10  }
0x38: {  	s10 =	sld [smem:$0x3FAF]  }
0x39: {  	_ = 	snop;
	(pc) =	sbr.ind lr, $3  }
0x3a: {  	_ = 	snop  }
0x3b: {  	_ = 	snop  }
0x3c: {  	p2 =	seq.s32 s10, $0x1;
	s10 =	sld [smem:$0x3FAE]  }
0x3d: {  	_ =	shalt  }
0x3e: {  	_ =	shalt  }
0x3f: {  	_ =	shalt  }
0x40: {  	_ =	shalt  }
0x41: {  	_ =	shalt  }
0x42: {  	_ =	shalt  }
0x43: {  	_ =	shalt  }
0x44: {  	_ =	shalt  }
0x45: {  	_ =	shalt  }
0x46: {  	_ =	shalt  }
0x47: {  	_ =	shalt  }
0x48: {  	_ =	shalt  }
0x49: {  	_ =	shalt  }
0x4a: {  	_ =	shalt  }
0x4b: {  	_ =	shalt  }
0x4c: {  	_ =	shalt  }
0x4d: {  	_ =	shalt  }
0x4e: {  	_ =	shalt  }
0x4f: {  	_ =	shalt  }
0x50: {  	_ =	shalt  }
0x51: {  	_ =	shalt  }
0x52: {  	_ =	shalt  }
0x53: {  	_ =	shalt  }
0x54: {  	_ =	shalt  }
0x55: {  	_ =	shalt  }
0x56: {  	_ =	shalt  }
0x57: {  	_ =	shalt  }
0x58: {  	_ =	shalt  }
0x59: {  	_ =	shalt  }
0x5a: {  	_ =	shalt  }
0x5b: {  	_ =	shalt  }
0x5c: {  	_ =	shalt  }
0x5d: {  	_ =	shalt  }
0x5e: {  	_ =	shalt  }
0x5f: {  	_ =	shalt  }
0x60: {  	_ =	shalt  }
0x61: {  	_ =	shalt  }
0x62: {  	_ =	shalt  }
0x63: {  	_ =	shalt  }
0x64: {  	_ =	shalt  }
0x65: {  	_ =	shalt  }
0x66: {  	_ =	shalt  }
0x67: {  	_ =	shalt  }
0x68: {  	_ =	shalt  }
0x69: {  	_ =	shalt  }
0x6a: {  	_ =	shalt  }
0x6b: {  	_ =	shalt  }
0x6c: {  	_ =	shalt  }
0x6d: {  	_ =	shalt  }
0x6e: {  	_ =	shalt  }
0x6f: {  	_ =	shalt  }
0x70: {  	_ =	shalt  }
0x71: {  	_ =	shalt  }
0x72: {  	_ =	shalt  }
0x73: {  	_ =	shalt  }
0x74: {  	_ =	shalt  }
0x75: {  	_ =	shalt  }
0x76: {  	_ =	shalt  }
0x77: {  	_ =	shalt  }
0x78: {  	_ =	shalt  }
0x79: {  	_ =	shalt  }
0x7a: {  	_ =	shalt  }
0x7b: {  	_ =	shalt  }
0x7c: {  	_ =	shalt  }
0x7d: {  	_ =	shalt  }
0x7e: {  	_ =	shalt  }
0x7f: {  	_ =	shalt  }
0x80: {  	_ =	shalt  }
0x81: {  	_ =	shalt  }
0x82: {  	_ =	shalt  }
0x83: {  	_ =	shalt  }
0x84: {  	_ =	shalt  }
0x85: {  	_ =	shalt  }
0x86: {  	_ =	shalt  }
0x87: {  	_ =	shalt  }
.Lfunc_end0:
.L_simem_size_0:
called_computation.2_lowered:
.L_overlay_start_0:
0x88: {  	s2 =	sld [smem:$0x3FD9]  }
0x89: {  	s3 =	sld [smem:$0x3FFE];
	_ =	sdelay $0x1  }
0x8a: {  	s1 =	srdreg.scid  }
0x8b: {  	s0 =	sand.u32 $0x1, s1  }
0x8c: {  	s17 =	sshll.u32 s0, $0xA;
	s2 =	sadd.s32 s3, s2  }
0x8d: {  	s2 =	sadd.s32 s2, s17  }
0x8e: {  	[smem:$0x3FBA] =	sst s2  }
0x8f: {  	_ = 	snop  }
0x90: {  	s2 =	sld [smem:$0x3FD0];
	(tm) =	ssettm $0x1  }
0x91: {  	s18 =	sld [smem:$0x3FFB];
	_ =	sdelay $0x3  }
0x92: {  	_ =	strace s18  }
0x93: {  	s3 =	sld [smem:$0x3FFC];
	_ =	sdelay $0x3  }
0x94: {  	_ =	strace s3  }
0x95: {  	s3 =	sld [smem:$0x3FFD];
	_ =	sdelay $0x3  }
0x96: {  	_ =	strace s3  }
0x97: {  	_ =	strace $0x8FFFFFFF  }
0x98: {  	s19 =	sld [smem:$0x3FDB];
	_ =	sdelay $0x1  }
0x99: {  	s4 =	simm.s32 $_scs_section_size  }
0x9a: {  	s5 =	simm.s32 $_size__tile_overlayer_lowered;
	s6 =	simm.s32 $_tile_overlayer_lowered  }
0x9b: {  	s22 =	simm.s32 $0x1BFF;
	s21 =	sshll.u32 s6, $0x1;
	s3 =	sadd.s32 s4, s19  }
0x9c: {  	s7 =	simm.s32 $0x0;
	s20 =	sshll.u32 s5, $0x1;
	s5 =	sadd.s32 s21, s3  }
0x9d: {  	[timem:s7], [sflag:s22] =	dma.local [hbm:s5], s20  }
0x9e: {  	_ =	swait.ge [sflag:s22], s20  }
0x9f: {  	s4 =	ssub.s32 $0x0, s20;
	[sflag:s22] =	ssyncset.done $0x0  }
0xa0: {  	[sflag:s22] =	ssyncadd.s32 s4;
	_ =	sdelay $0x1  }
0xa1: {  	s23 =	simm.s32 $0x1B8B  }
0xa2: {  	_ =	swait.ge [sflag:s23], $0x1  }
0xa3: {  	[sflag:s23] =	ssyncset.done $0x0  }
0xa4: {  	s25 =	simm.s32 $0x1B8E;
	s24 =	sld [smem:$0x3FFE];
	[sflag:s23] =	ssyncadd.s32 $0xFFFFFFFF  }
0xa5: {  	s26 =	simm.s32 $execute0_lowered;
	[smem:$0x3FD2] =	sst s25  }
0xa6: {  	s5 =	sshll.u32 s26, $0x1;
	_ =	strace $0x8000004C;
	[dreg:$0x1] =	wrdreg $0xFFFFFFFF  }
0xa7: {  	s28 =	simm.s32 $_size_execute0_lowered;
	s3 =	sadd.s32 s3, s5;
	[dreg:$0x0] =	wrdreg $0x0  }
0xa8: {  	s5 =	sshll.u32 s28, $0x1;
	[dreg:$0x2] =	wrdreg s3  }
0xa9: {  	[dreg:$0x3] =	wrdreg s5  }
0xaa: {  	[dreg:$0x4] =	wrdreg $0xC0  }
0xab: {  	_ =	task [dreg:s7], $0x5FFFF  }
0xac: {  	[dreg:$0x1] =	wrdreg $0xFFFFFFFF  }
0xad: {  	[dreg:$0x0] =	wrdreg $0x60  }
0xae: {  	[dreg:$0x2] =	wrdreg s24  }
0xaf: {  	[dreg:$0x3] =	wrdreg s2  }
0xb0: {  	[dreg:$0x4] =	wrdreg $0x82000  }
0xb1: {  	[dreg:$0x5] =	wrdreg $0x9  }
0xb2: {  	_ =	task.clear_ibuf [dreg:s7], $0x6FFFF;
	_ =	strace $0x9000004C  }
0xb3: {  	s29 =	simm.s32 $0x9;
	_ =	strace $0x8000004E  }
0xb4: {  	_ =	swait.ge [sflag:s29], $0x1  }
0xb5: {  	[sflag:s29] =	ssyncadd.s32 $0xFFFFFFFF  }
0xb6: {  	_ =	strace $0x9000004E  }
0xb7: {  	_ =	sfence  }
0xb8: {  	s30 =	sld [smem:$0x0];
	_ =	sdelay $0x2  }
0xb9: {  	s31 =	sshll.u32 s1, $0xD;
	s1 =	sshrl.u32 s1, $0x2  }
0xba: {  	s3 =	sand.u32 $0x4000, s31;
	s1 =	sadd.s32 s1, s30  }
0xbb: {  	s0 =	sor.u32 s3, s0;
	s1 =	sshll.u32 s1, $0x11  }
0xbc: {  	s0 =	sor.u32 s1, s0  }
0xbd: {  	s0 =	sadd.s32 $0x8F2B, s0  }
0xbe: {  	[sflag:s0] =	ssyncadd.remote.s32 $0x1  }
0xbf: {  	_ =	sfence.sel $0xFFFF  }
0xc0: {  	[dreg:$0x0] =	wrdreg $0xFFFFFFFF;
	(pc) =	sbr.abs _section_cstart, $3  }
0xc1: {  	[dreg:$0x1] =	wrdreg $0xFFFFFFFF  }
0xc2: {  	_ =	task.clear_ibuf [dreg:s7], $0x2FFFF;
	_ =	strace $0x9FFFFFFF  }
0xc3: {  	(tm) =	ssettm $0x7FFFFFFF  }
tec
execute0_lowered:
.L_overlay_start_1:
0x0: {  	(tag) =	ssettag $0x1  }
0x1: {  	s5 =	rddreg [dreg:$0x0]  }
0x2: {  	s2 =	rddreg [dreg:$0x1]  }
0x3: {  	s3 =	rddreg [dreg:$0x2]  }
0x4: {  	s0 =	rddreg [dreg:$0x3]  }
0x5: {  	s1 =	stileid.u32;
	s6 =	srdreg.scid  }
0x6: {  	s4 =	simm.s32 $0x0;
	s15 =	simm.s32 $0x100;
	s18 =	simm.s32 $0x1  }
0x7: {  	s19 =	simm.s32 $0x4200;
	s7 =	smul.u32 $0x13C00, s1;
	s6 =	sand.u32 $0x1, s6  }
0x8: {  	[smem:$0x7FF] =	sst s4;
	s9 =	sshll.u32 s1, $0x1;
	s22 =	smul.u32 $0x4F000, s1  }
0x9: {  	s11 =	sadd.s32 $0x7B400, s5;
	s24 =	smul.u32 $0xA000, s1;
	s16 =	sshll.u32 s1, $0x6  }
0xa: {  	s8 =	smul.u32 $0x13C000, s6;
	_ =	strace $0x8000004D;
	s9 =	sor.u32 s6, s9  }
0xb: {  	s23 =	ssub.s32 $0x2, s6;
	s14 =	smul.u32 $0x5000, s6;
	s16 =	sor.u32 $0x1C06, s16  }
0xc: {  	s10 =	sshrl.u32 s7, $0x3;
	s20 =	smul.u32 $0x5000, s9;
	s13 =	sshrl.u32 s23, $0x1  }
0xd: {  	s25 =	sshrl.u32 s22, $0x2;
	s22 =	simm.s32 $0x180;
	s7 =	sadd.s32 s7, s8  }
0xe: {  	s21 =	sadd.s32 s10, s5;
	s13 =	ssub.s32 s23, s13;
	s17 =	sadd.s32 s25, s3  }
0xf: {  	s26 =	sadd.s32 s14, s24;
	s14 =	simm.s32 $0x200;
	s23 =	simm.s32 $0x4  }
0x10: {  	s24 =	simm.s32 $0x5;
	s25 =	simm.s32 $0x0;
	s7 =	sshrl.u32 s7, $0x3  }
0x11: {  	s8 =	sshrl.u32 s20, $0x3;
	s28 =	sor.u32 $0x300, s26;
	s29 =	sor.u32 $0x200, s26  }
0x12: {  	s9 =	smax.u32 s13, $0x1;
	s13 =	simm.s32 $0x80;
	s17 =	sshrl.u32 s17, $0x3  }
0x13: {  	s20 =	simm.s32 $0x2;
	s12 =	sadd.s32 s7, s5;
	s5 =	sadd.s32 s11, s8  }
0x14: {  	s7 =	sadd.s32 $0x4C00, s21;
	s30 =	sshrl.u32 s28, $0x3;
	s31 =	sshrl.u32 s29, $0x3  }
0x15: {  	s21 =	simm.s32 $0x3;
	s6 =	sadd.s32 $0x20, s5;
	s8 =	sadd.s32 $0x2C400, s12  }
0x16: {  	s10 =	sadd.s32 s30, s11;
	s11 =	sadd.s32 s31, s11;
	s12 =	simm.s32 $0x6  }
.LBB2_1:
0x17: {  	[tilespmem:s4], [sflag:$0x6] =	stream.linear.gather [hbm4b:s5+s4], $0x100, $0x38;
	[tilespmem:$0x1BE00] =	vst v63  }
0x18: {  	_ =	swait.ge [sflag:s12], $0x100  }
0x19: {  	[sflag:s12] =	ssyncset.done $0x0  }
0x1a: {  	[sflag:s12] =	ssyncadd.s32 $0xFFFFFF00  }
0x1b: {  	[tilespmem:s14], [sflag:$0x2] =	stream.indirect.gather [hbm4b:s2+s13], $0x80, s4, s13, $0xb8;
	[tilespmem:$0x1BE00] =	vst v63  }
0x1c: {  	_ = 	snop  }
0x1d: {  	[tilespmem:s15], [sflag:$0x1] =	stream.linear.gather [hbm4b:s6+s4], $0x100, $0x38;
	[tilespmem:$0x1BE00] =	vst v63  }
0x1e: {  	[spmem:s17], [sflag:s16] =	dma.local [hbm:s7], $0x2780  }
0x1f: {  	_ =	swait.ge [sflag:s12], $0x2780  }
0x20: {  	[sflag:s12] =	ssyncset.done $0x0  }
0x21: {  	[sflag:s12] =	ssyncadd.s32 $0xFFFFD880  }
0x22: {  	[bflag:$0x0] =	sbarrier.arrive $0xFFFF  }
0x23: {  	_ =	swait.ge [sflag:s18], $0x100  }
0x24: {  	[sflag:s18] =	ssyncset.done $0x0  }
0x25: {  	[sflag:s18] =	ssyncadd.s32 $0xFFFFFF00  }
0x26: {  	[tilespmem:s19], [sflag:$0x3] =	stream.indirect.gather [hbm4b:s2+s13], $0x80, s15, s13, $0xb8;
	[tilespmem:$0x1BE00] =	vst v63  }
0x27: {  	_ =	swait.ge [sflag:s20], $0x4000  }
0x28: {  	[sflag:s20] =	ssyncset.done $0x0  }
0x29: {  	[sflag:s20] =	ssyncadd.s32 $0xFFFFC000  }
0x2a: {  	[spmem:s3] =	stream.indirect.scatter.add.f32 [tilespmem:s14], [sflag:$0x4], $0x80, s13, s13, $0xb8;
	[tilespmem:$0x1BE00] =	vst v63  }
0x2b: {  	_ =	swait.ge [sflag:s21], $0x4000  }
0x2c: {  	[sflag:s21] =	ssyncset.done $0x0  }
0x2d: {  	[sflag:s21] =	ssyncadd.s32 $0xFFFFC000  }
0x2e: {  	[spmem:s3] =	stream.indirect.scatter.add.f32 [tilespmem:s19], [sflag:$0x5], $0x80, s22, s13, $0xb8;
	[tilespmem:$0x1BE00] =	vst v63  }
0x2f: {  	_ =	swait.ge [sflag:s23], $0x4000  }
0x30: {  	[sflag:s23] =	ssyncset.done $0x0  }
0x31: {  	s26 =	sadd.s32 $0x0, s11;
	[sflag:s23] =	ssyncadd.s32 $0xFFFFC000  }
0x32: {  	[tilespmem:s4], [sflag:$0x6] =	stream.linear.gather [hbm4b:s26+s4], $0x100, $0x38;
	[tilespmem:$0x1BE00] =	vst v63  }
0x33: {  	_ =	swait.ge [sflag:s12], $0x100  }
0x34: {  	[sflag:s12] =	ssyncset.done $0x0  }
0x35: {  	[sflag:s12] =	ssyncadd.s32 $0xFFFFFF00  }
0x36: {  	[tilespmem:s14], [sflag:$0x2] =	stream.indirect.gather [hbm4b:s2+s13], $0x80, s4, s13, $0xb8;
	[tilespmem:$0x1BE00] =	vst v63  }
0x37: {  	_ =	swait.ge [sflag:s24], $0x4000  }
0x38: {  	[sflag:s24] =	ssyncset.done $0x0  }
0x39: {  	s28 =	sadd.s32 $0x0, s10;
	s26 =	simm.s32 $0x40;
	[sflag:s24] =	ssyncadd.s32 $0xFFFFC000  }
.LBB2_2:
0x3a: {  	[tilespmem:s15], [sflag:$0x1] =	stream.linear.gather [hbm4b:s28+s4], $0x100, $0x38;
	[tilespmem:$0x1BE00] =	vst v63  }
0x3b: {  	s28 =	smov.u32 s26  }
0x3c: {  	p0 =	sne.s32 s26, $0x980;
	s26 =	sadd.s32 $0x40, s26;
	_ =	swait.ge [sflag:s18], $0x100  }
0x3d: {  	[sflag:s18] =	ssyncset.done $0x0  }
0x3e: {  	[sflag:s18] =	ssyncadd.s32 $0xFFFFFF00  }
0x3f: {  	[tilespmem:s19], [sflag:$0x3] =	stream.indirect.gather [hbm4b:s2+s13], $0x80, s15, s13, $0xb8;
	[tilespmem:$0x1BE00] =	vst v63  }
0x40: {  	_ =	swait.ge [sflag:s20], $0x4000  }
0x41: {  	[sflag:s20] =	ssyncset.done $0x0  }
0x42: {  	[sflag:s20] =	ssyncadd.s32 $0xFFFFC000  }
0x43: {  	[spmem:s3] =	stream.indirect.scatter.add.f32 [tilespmem:s14], [sflag:$0x4], $0x80, s13, s13, $0xb8;
	[tilespmem:$0x1BE00] =	vst v63  }
0x44: {  	_ =	swait.ge [sflag:s21], $0x4000  }
0x45: {  	[sflag:s21] =	ssyncset.done $0x0  }
0x46: {  	[sflag:s21] =	ssyncadd.s32 $0xFFFFC000  }
0x47: {  	[spmem:s3] =	stream.indirect.scatter.add.f32 [tilespmem:s19], [sflag:$0x5], $0x80, s22, s13, $0xb8;
	[tilespmem:$0x1BE00] =	vst v63  }
0x48: {  	_ =	swait.ge [sflag:s23], $0x4000  }
0x49: {  	[sflag:s23] =	ssyncset.done $0x0  }
0x4a: {  	s29 =	sadd.s32 s28, s11;
	[sflag:s23] =	ssyncadd.s32 $0xFFFFC000  }
0x4b: {  	[tilespmem:s4], [sflag:$0x6] =	stream.linear.gather [hbm4b:s29+s4], $0x100, $0x38;
	[tilespmem:$0x1BE00] =	vst v63  }
0x4c: {  	_ =	swait.ge [sflag:s12], $0x100  }
0x4d: {  	[sflag:s12] =	ssyncset.done $0x0  }
.Ltmp0:
0x4e: {  	[sflag:s12] =	ssyncadd.s32 $0xFFFFFF00;
	(pc) =	sbr.rel @p0 .LBB2_2-.Ltmp0, $4  }
0x4f: {  	[tilespmem:s14], [sflag:$0x2] =	stream.indirect.gather [hbm4b:s2+s13], $0x80, s4, s13, $0xb8;
	[tilespmem:$0x1BE00] =	vst v63  }
0x50: {  	_ =	swait.ge [sflag:s24], $0x4000  }
0x51: {  	[sflag:s24] =	ssyncset.done $0x0  }
0x52: {  	s28 =	sadd.s32 s28, s10;
	[sflag:s24] =	ssyncadd.s32 $0xFFFFC000  }
0x53: {  	[tilespmem:s15], [sflag:$0x1] =	stream.linear.gather [hbm4b:s28+s4], $0x100, $0x38;
	[tilespmem:$0x1BE00] =	vst v63  }
0x54: {  	_ =	swait.ge [sflag:s18], $0x100  }
0x55: {  	[sflag:s18] =	ssyncset.done $0x0  }
0x56: {  	[sflag:s18] =	ssyncadd.s32 $0xFFFFFF00  }
0x57: {  	[tilespmem:s19], [sflag:$0x3] =	stream.indirect.gather [hbm4b:s2+s13], $0x80, s15, s13, $0xb8;
	[tilespmem:$0x1BE00] =	vst v63  }
0x58: {  	_ =	swait.ge [sflag:s20], $0x4000  }
0x59: {  	[sflag:s20] =	ssyncset.done $0x0  }
0x5a: {  	[sflag:s20] =	ssyncadd.s32 $0xFFFFC000  }
0x5b: {  	[spmem:s3] =	stream.indirect.scatter.add.f32 [tilespmem:s14], [sflag:$0x4], $0x80, s13, s13, $0xb8;
	[tilespmem:$0x1BE00] =	vst v63  }
0x5c: {  	_ =	swait.ge [sflag:s21], $0x4000  }
0x5d: {  	[sflag:s21] =	ssyncset.done $0x0  }
0x5e: {  	[sflag:s21] =	ssyncadd.s32 $0xFFFFC000  }
0x5f: {  	[spmem:s3] =	stream.indirect.scatter.add.f32 [tilespmem:s19], [sflag:$0x5], $0x80, s22, s13, $0xb8;
	[tilespmem:$0x1BE00] =	vst v63  }
0x60: {  	_ =	swait.ge [sflag:s23], $0x4000  }
0x61: {  	[sflag:s23] =	ssyncset.done $0x0  }
0x62: {  	[sflag:s23] =	ssyncadd.s32 $0xFFFFC000  }
0x63: {  	_ =	swait.ge [sflag:s24], $0x4000  }
0x64: {  	s25 =	sadd.s32 $0x1, s25;
	[sflag:s24] =	ssyncset.done $0x0  }
0x65: {  	p0 =	sne.s32 s25, s9;
	[sflag:s24] =	ssyncadd.s32 $0xFFFFC000  }
.Ltmp1:
0x66: {  	[bflag:$0x0] =	sbarrier.arrive $0xFFFF;
	(pc) =	sbr.rel @p0 .LBB2_1-.Ltmp1, $4  }
0x67: {  	[hbm:s8], [sflag:s16] =	dma.local [spmem:s17], $0x2780  }
0x68: {  	_ =	swait.ge [sflag:s12], $0x2780  }
0x69: {  	[sflag:s12] =	ssyncset.done $0x0  }
0x6a: {  	[sflag:s12] =	ssyncadd.s32 $0xFFFFD880  }
0x6b: {  	_ =	sfence.sel $0x180000  }
0x6c: {  	[bflag:$0x0] =	sbarrier.arrive $0xFFFF  }
0x6d: {  	p0 =	sne.s32 s1, $0x0;
	_ =	strace $0x9000004D  }
0x6e: {  	s0 =	sadd.s32 @!p0 $0x100000, s0;
	[bflag:$0x2] =	sbarrier.arrive $0xFFFF  }
0x6f: {  	[sflag:s0] =	ssyncadd.tile.s32 @!p0 $0x1;
	_ =	shalt  }
.Lfunc_end2:
_tile_overlayer_lowered:
.L_overlay_start_2:
0x70: {  	(tag) =	ssettag $0x2  }
0x71: {  	s0 =	rddreg [dreg:$0x0];
	s2 =	stileid.u32  }
0x72: {  	s1 =	rddreg [dreg:$0x1];
	p0 =	sne.s32 s2, $0x0  }
0x73: {  	s3 =	rddreg [dreg:$0x2];
	[bflag:$0x3] =	sbarrier.arrive $0xFFFF;
	s2 =	simm.s32 @!p0 $0x1C06  }
0x74: {  	[timem:s3], [sflag:s2] =	dma.local @!p0 [hbm:s0], s1  }
0x75: {  	s0 =	simm.s32 @!p0 $0x6  }
0x76: {  	_ =	swait.ge @!p0 [sflag:s0], s1  }
0x77: {  	s1 =	ssub.s32 @!p0 $0x0, s1;
	[sflag:s0] =	ssyncset.done @!p0 $0x0  }
0x78: {  	[sflag:s0] =	ssyncadd.s32 @!p0 s1  }
0x79: {  	[bflag:$0x3] =	sbarrier.arrive $0xFFFF  }
0x7a: {  	_ =	shalt  }

// kernel: kernel.19.cloned.1.call-start
scs
__scs_entry_jumppad:
0x0: {  	(pc) =	sbr.rel $0x88, $3  }
0x1: {  	(tag) =	ssettag $0x0;
	lr =	simm.s32 $0x1  }
0x2: {  	[smem:$0x3F93] =	sst lr;
	_ =	strace $0xD0000000  }
0x3: {  	_ = 	snop  }
0x4: {  	_ = 	snop  }
0x5: {  	_ = 	snop  }
0x6: {  	_ = 	snop  }
0x7: {  	_ = 	snop  }
__scs_overlays_trampoline_lowered:
0x8: {  	[smem:$0x3FA2] =	sst s0  }
0x9: {  	[smem:$0x3FA3] =	sst s1  }
0xa: {  	[smem:$0x3FA4] =	sst s2  }
0xb: {  	[smem:$0x3FA5] =	sst s3  }
0xc: {  	[smem:$0x3FA6] =	sst s4  }
0xd: {  	[smem:$0x3FA7] =	sst s5  }
0xe: {  	[smem:$0x3FA8] =	sst s6  }
0xf: {  	[smem:$0x3FA9] =	sst s7  }
0x10: {  	[smem:$0x3FAA] =	sst s8  }
0x11: {  	[smem:$0x3FAB] =	sst s9;
	s0 =	simm.s32 @!p0 $0x0  }
0x12: {  	s1 =	sld [smem:$0x3F91];
	s0 =	simm.s32 @p0 $0x1  }
0x13: {  	[smem:$0x3FAC] =	sst s0;
	s0 =	simm.s32 @!p1 $0x0  }
0x14: {  	s2 =	sld [smem:$0x3F90];
	s0 =	simm.s32 @p1 $0x1  }
0x15: {  	[smem:$0x3FAD] =	sst s0;
	s0 =	simm.s32 @!p2 $0x0  }
0x16: {  	s3 =	sld [smem:$0x3FDB];
	s0 =	simm.s32 @p2 $0x1  }
0x17: {  	s4 =	simm.s32 $0x1BF5;
	[smem:$0x3FAF] =	sst s0  }
0x18: {  	s0 =	sld [smem:$0x3F92];
	_ =	swait.ge [sflag:s4], $0x0  }
0x19: {  	s7 =	sld [smem:$0x3F93]  }
0x1a: {  	s8 =	sadd.s32 $0xFFFFE003, lr  }
0x1b: {  	s9 =	sadd.s32 $0xFFFFFEF7, lr;
	s5 =	simm.s32 $0xFFFFFFFF;
	p2 =	slt.u32 s8, $0xFFFFF086  }
0x1c: {  	p1 =	slt.u32 s9, $0xF7A;
	s5 =	simm.s32 @!p2 $0x0  }
0x1d: {  	s5 =	simm.s32 @p1 $0x1;
	p0 =	seq.s32 s7, s2  }
0x1e: {  	s7 =	smul.u32 @!p0 $0xF7A, s2;
	p2 =	seq.s32 @!p0 s5, $0x0  }
0x1f: {  	s9 =	smul.u32 $0xF7A, s1;
	s8 =	simm.s32 @!p0 $0x1BF5;
	p2 =	por !p2, p0  }
0x20: {  	[sflag:s8] =	ssyncset.s32 @!p0 $0xFFFFF086;
	s6 =	sadd.s32 @!p0 s3, s7;
	s7 =	simm.s32 @!p0 $0x108  }
0x21: {  	s3 =	sadd.s32 s3, s9;
	s6 =	sadd.s32 @!p0 $0x88, s6;
	s7 =	simm.s32 @p2 $0x1082  }
0x22: {  	[simem:s7], [sflag:s8] =	dma.local @!p0 [hbm:s6], $0xF7A  }
0x23: {  	s9 =	sor.u32 $0xD0000000, s2;
	s6 =	simm.s32 $0x108;
	_ =	swait.ge @!p0 [sflag:s8], $0x0  }
0x24: {  	s3 =	sadd.s32 $0x88, s3;
	s6 =	simm.s32 @!p1 $0x1082;
	[sflag:s4] =	ssyncset.s32 $0xFFFFF086  }
0x25: {  	[simem:s6], [sflag:s4] =	dma.local [hbm:s3], $0xF7A  }
0x26: {  	[smem:$0x3F93] =	sst s1;
	(tag) =	ssettag s2;
	_ =	strace s9  }
0x27: {  	s1 =	sld [smem:$0x3FA3]  }
0x28: {  	s2 =	sld [smem:$0x3FA4]  }
0x29: {  	s4 =	sld [smem:$0x3FA6]  }
0x2a: {  	p0 =	seq.s32 s5, $0x0;
	s5 =	sld [smem:$0x3FA7]  }
0x2b: {  	s6 =	sld [smem:$0x3FA8]  }
0x2c: {  	s7 =	sld [smem:$0x3FA9]  }
0x2d: {  	s3 =	simm.s32 $0x108;
	s8 =	sld [smem:$0x3FAA]  }
0x2e: {  	s3 =	simm.s32 @!p0 $0x1082;
	s9 =	sld [smem:$0x3FAB]  }
0x2f: {  	lr =	sadd.s32 s0, s3;
	s0 =	sld [smem:$0x3FA2]  }
0x30: {  	s3 =	sld [smem:$0x3FA5]  }
0x31: {  	[smem:$0x3FAE] =	sst s10  }
0x32: {  	s10 =	sld [smem:$0x3FAC];
	_ =	sdelay $0x3  }
0x33: {  	p0 =	seq.s32 s10, $0x1;
	s10 =	sld [smem:$0x3FAE];
	_ =	sdelay $0x3  }
0x34: {  	[smem:$0x3FAE] =	sst s10  }
0x35: {  	s10 =	sld [smem:$0x3FAD];
	_ =	sdelay $0x3  }
0x36: {  	p1 =	seq.s32 s10, $0x1;
	s10 =	sld [smem:$0x3FAE];
	_ =	sdelay $0x3  }
0x37: {  	[smem:$0x3FAE] =	sst s10  }
0x38: {  	s10 =	sld [smem:$0x3FAF]  }
0x39: {  	_ = 	snop;
	(pc) =	sbr.ind lr, $3  }
0x3a: {  	_ = 	snop  }
0x3b: {  	_ = 	snop  }
0x3c: {  	p2 =	seq.s32 s10, $0x1;
	s10 =	sld [smem:$0x3FAE]  }
0x3d: {  	_ =	shalt  }
0x3e: {  	_ =	shalt  }
0x3f: {  	_ =	shalt  }
0x40: {  	_ =	shalt  }
0x41: {  	_ =	shalt  }
0x42: {  	_ =	shalt  }
0x43: {  	_ =	shalt  }
0x44: {  	_ =	shalt  }
0x45: {  	_ =	shalt  }
0x46: {  	_ =	shalt  }
0x47: {  	_ =	shalt  }
0x48: {  	_ =	shalt  }
0x49: {  	_ =	shalt  }
0x4a: {  	_ =	shalt  }
0x4b: {  	_ =	shalt  }
0x4c: {  	_ =	shalt  }
0x4d: {  	_ =	shalt  }
0x4e: {  	_ =	shalt  }
0x4f: {  	_ =	shalt  }
0x50: {  	_ =	shalt  }
0x51: {  	_ =	shalt  }
0x52: {  	_ =	shalt  }
0x53: {  	_ =	shalt  }
0x54: {  	_ =	shalt  }
0x55: {  	_ =	shalt  }
0x56: {  	_ =	shalt  }
0x57: {  	_ =	shalt  }
0x58: {  	_ =	shalt  }
0x59: {  	_ =	shalt  }
0x5a: {  	_ =	shalt  }
0x5b: {  	_ =	shalt  }
0x5c: {  	_ =	shalt  }
0x5d: {  	_ =	shalt  }
0x5e: {  	_ =	shalt  }
0x5f: {  	_ =	shalt  }
0x60: {  	_ =	shalt  }
0x61: {  	_ =	shalt  }
0x62: {  	_ =	shalt  }
0x63: {  	_ =	shalt  }
0x64: {  	_ =	shalt  }
0x65: {  	_ =	shalt  }
0x66: {  	_ =	shalt  }
0x67: {  	_ =	shalt  }
0x68: {  	_ =	shalt  }
0x69: {  	_ =	shalt  }
0x6a: {  	_ =	shalt  }
0x6b: {  	_ =	shalt  }
0x6c: {  	_ =	shalt  }
0x6d: {  	_ =	shalt  }
0x6e: {  	_ =	shalt  }
0x6f: {  	_ =	shalt  }
0x70: {  	_ =	shalt  }
0x71: {  	_ =	shalt  }
0x72: {  	_ =	shalt  }
0x73: {  	_ =	shalt  }
0x74: {  	_ =	shalt  }
0x75: {  	_ =	shalt  }
0x76: {  	_ =	shalt  }
0x77: {  	_ =	shalt  }
0x78: {  	_ =	shalt  }
0x79: {  	_ =	shalt  }
0x7a: {  	_ =	shalt  }
0x7b: {  	_ =	shalt  }
0x7c: {  	_ =	shalt  }
0x7d: {  	_ =	shalt  }
0x7e: {  	_ =	shalt  }
0x7f: {  	_ =	shalt  }
0x80: {  	_ =	shalt  }
0x81: {  	_ =	shalt  }
0x82: {  	_ =	shalt  }
0x83: {  	_ =	shalt  }
0x84: {  	_ =	shalt  }
0x85: {  	_ =	shalt  }
0x86: {  	_ =	shalt  }
0x87: {  	_ =	shalt  }
.Lfunc_end0:
.L_simem_size_0:
called_computation.3_lowered:
.L_overlay_start_0:
0x88: {  	s2 =	sld [smem:$0x3FD9]  }
0x89: {  	s3 =	sld [smem:$0x3FFE];
	_ =	sdelay $0x1  }
0x8a: {  	s1 =	srdreg.scid  }
0x8b: {  	s0 =	sand.u32 $0x1, s1  }
0x8c: {  	s17 =	sshll.u32 s0, $0xA;
	s2 =	sadd.s32 s3, s2  }
0x8d: {  	s2 =	sadd.s32 s2, s17  }
0x8e: {  	[smem:$0x3FBA] =	sst s2  }
0x8f: {  	_ = 	snop  }
0x90: {  	s2 =	sld [smem:$0x3FD0];
	(tm) =	ssettm $0x1  }
0x91: {  	s18 =	sld [smem:$0x3FFB];
	_ =	sdelay $0x3  }
0x92: {  	_ =	strace s18  }
0x93: {  	s3 =	sld [smem:$0x3FFC];
	_ =	sdelay $0x3  }
0x94: {  	_ =	strace s3  }
0x95: {  	s3 =	sld [smem:$0x3FFD];
	_ =	sdelay $0x3  }
0x96: {  	_ =	strace s3  }
0x97: {  	_ =	strace $0x8FFFFFFF  }
0x98: {  	s19 =	sld [smem:$0x3FDB];
	_ =	sdelay $0x1  }
0x99: {  	s4 =	simm.s32 $_scs_section_size  }
0x9a: {  	s5 =	simm.s32 $_size__tile_overlayer_lowered;
	s6 =	simm.s32 $_tile_overlayer_lowered  }
0x9b: {  	s22 =	simm.s32 $0x1BFF;
	s21 =	sshll.u32 s6, $0x1;
	s3 =	sadd.s32 s4, s19  }
0x9c: {  	s7 =	simm.s32 $0x0;
	s20 =	sshll.u32 s5, $0x1;
	s5 =	sadd.s32 s21, s3  }
0x9d: {  	[timem:s7], [sflag:s22] =	dma.local [hbm:s5], s20  }
0x9e: {  	_ =	swait.ge [sflag:s22], s20  }
0x9f: {  	s4 =	ssub.s32 $0x0, s20;
	[sflag:s22] =	ssyncset.done $0x0  }
0xa0: {  	[sflag:s22] =	ssyncadd.s32 s4;
	_ =	sdelay $0x1  }
0xa1: {  	s23 =	simm.s32 $0x1B8B  }
0xa2: {  	_ =	swait.ge [sflag:s23], $0x1  }
0xa3: {  	[sflag:s23] =	ssyncset.done $0x0  }
0xa4: {  	s25 =	simm.s32 $0x1B8E;
	s24 =	sld [smem:$0x3FFE];
	[sflag:s23] =	ssyncadd.s32 $0xFFFFFFFF  }
0xa5: {  	s26 =	simm.s32 $execute0_lowered;
	[smem:$0x3FD2] =	sst s25  }
0xa6: {  	s5 =	sshll.u32 s26, $0x1;
	_ =	strace $0x8000004F;
	[dreg:$0x1] =	wrdreg $0xFFFFFFFF  }
0xa7: {  	s28 =	simm.s32 $_size_execute0_lowered;
	s3 =	sadd.s32 s3, s5;
	[dreg:$0x0] =	wrdreg $0x0  }
0xa8: {  	s5 =	sshll.u32 s28, $0x1;
	[dreg:$0x2] =	wrdreg s3  }
0xa9: {  	[dreg:$0x3] =	wrdreg s5  }
0xaa: {  	[dreg:$0x4] =	wrdreg $0xC0  }
0xab: {  	_ =	task [dreg:s7], $0x5FFFF  }
0xac: {  	[dreg:$0x1] =	wrdreg $0xFFFFFFFF  }
0xad: {  	[dreg:$0x0] =	wrdreg $0x60  }
0xae: {  	[dreg:$0x2] =	wrdreg s24  }
0xaf: {  	[dreg:$0x3] =	wrdreg s2  }
0xb0: {  	[dreg:$0x4] =	wrdreg $0x82000  }
0xb1: {  	[dreg:$0x5] =	wrdreg $0x9  }
0xb2: {  	_ =	task.clear_ibuf [dreg:s7], $0x6FFFF;
	_ =	strace $0x9000004F  }
0xb3: {  	s29 =	simm.s32 $0x9;
	_ =	strace $0x80000051  }
0xb4: {  	_ =	swait.ge [sflag:s29], $0x1  }
0xb5: {  	[sflag:s29] =	ssyncadd.s32 $0xFFFFFFFF  }
0xb6: {  	_ =	strace $0x90000051  }
0xb7: {  	_ =	sfence  }
0xb8: {  	s30 =	sld [smem:$0x0];
	_ =	sdelay $0x2  }
0xb9: {  	s31 =	sshll.u32 s1, $0xD;
	s1 =	sshrl.u32 s1, $0x2  }
0xba: {  	s3 =	sand.u32 $0x4000, s31;
	s1 =	sadd.s32 s1, s30  }
0xbb: {  	s0 =	sor.u32 s3, s0;
	s1 =	sshll.u32 s1, $0x11  }
0xbc: {  	s0 =	sor.u32 s1, s0  }
0xbd: {  	s0 =	sadd.s32 $0x8F2B, s0  }
0xbe: {  	[sflag:s0] =	ssyncadd.remote.s32 $0x1  }
0xbf: {  	_ =	sfence.sel $0xFFFF  }
0xc0: {  	[dreg:$0x0] =	wrdreg $0xFFFFFFFF;
	(pc) =	sbr.abs _section_cstart, $3  }
0xc1: {  	[dreg:$0x1] =	wrdreg $0xFFFFFFFF  }
0xc2: {  	_ =	task.clear_ibuf [dreg:s7], $0x2FFFF;
	_ =	strace $0x9FFFFFFF  }
0xc3: {  	(tm) =	ssettm $0x7FFFFFFF  }
tec
execute0_lowered:
.L_overlay_start_1:
0x0: {  	(tag) =	ssettag $0x1  }
0x1: {  	s5 =	rddreg [dreg:$0x0]  }
0x2: {  	s2 =	rddreg [dreg:$0x1]  }
0x3: {  	s3 =	rddreg [dreg:$0x2]  }
0x4: {  	s0 =	rddreg [dreg:$0x3]  }
0x5: {  	s1 =	stileid.u32;
	s6 =	srdreg.scid  }
0x6: {  	s4 =	simm.s32 $0x0;
	s15 =	simm.s32 $0x100;
	s18 =	simm.s32 $0x1  }
0x7: {  	s19 =	simm.s32 $0x4200;
	s7 =	smul.u32 $0x13C00, s1;
	s6 =	sand.u32 $0x1, s6  }
0x8: {  	[smem:$0x7FF] =	sst s4;
	s9 =	sshll.u32 s1, $0x1;
	s22 =	smul.u32 $0x4F000, s1  }
0x9: {  	s11 =	sadd.s32 $0x7B400, s5;
	s24 =	smul.u32 $0xA000, s1;
	s16 =	sshll.u32 s1, $0x6  }
0xa: {  	s8 =	smul.u32 $0x13C000, s6;
	_ =	strace $0x80000050;
	s9 =	sor.u32 s6, s9  }
0xb: {  	s23 =	ssub.s32 $0x2, s6;
	s14 =	smul.u32 $0x5000, s6;
	s16 =	sor.u32 $0x1C06, s16  }
0xc: {  	s10 =	sshrl.u32 s7, $0x3;
	s20 =	smul.u32 $0x5000, s9;
	s13 =	sshrl.u32 s23, $0x1  }
0xd: {  	s25 =	sshrl.u32 s22, $0x2;
	s22 =	simm.s32 $0x180;
	s7 =	sadd.s32 s7, s8  }
0xe: {  	s21 =	sadd.s32 s10, s5;
	s13 =	ssub.s32 s23, s13;
	s17 =	sadd.s32 s25, s3  }
0xf: {  	s26 =	sadd.s32 s14, s24;
	s14 =	simm.s32 $0x200;
	s23 =	simm.s32 $0x4  }
0x10: {  	s24 =	simm.s32 $0x5;
	s25 =	simm.s32 $0x0;
	s7 =	sshrl.u32 s7, $0x3  }
0x11: {  	s8 =	sshrl.u32 s20, $0x3;
	s28 =	sor.u32 $0x300, s26;
	s29 =	sor.u32 $0x200, s26  }
0x12: {  	s9 =	smax.u32 s13, $0x1;
	s13 =	simm.s32 $0x80;
	s17 =	sshrl.u32 s17, $0x3  }
0x13: {  	s20 =	simm.s32 $0x2;
	s12 =	sadd.s32 s7, s5;
	s5 =	sadd.s32 s11, s8  }
0x14: {  	s7 =	sadd.s32 $0x4C00, s21;
	s30 =	sshrl.u32 s28, $0x3;
	s31 =	sshrl.u32 s29, $0x3  }
0x15: {  	s21 =	simm.s32 $0x3;
	s6 =	sadd.s32 $0x20, s5;
	s8 =	sadd.s32 $0x2C400, s12  }
0x16: {  	s10 =	sadd.s32 s30, s11;
	s11 =	sadd.s32 s31, s11;
	s12 =	simm.s32 $0x6  }
.LBB2_1:
0x17: {  	[tilespmem:s4], [sflag:$0x6] =	stream.linear.gather [hbm4b:s5+s4], $0x100, $0x38;
	[tilespmem:$0x1BE00] =	vst v63  }
0x18: {  	_ =	swait.ge [sflag:s12], $0x100  }
0x19: {  	[sflag:s12] =	ssyncset.done $0x0  }
0x1a: {  	[sflag:s12] =	ssyncadd.s32 $0xFFFFFF00  }
0x1b: {  	[tilespmem:s14], [sflag:$0x2] =	stream.indirect.gather [hbm4b:s2+s13], $0x80, s4, s13, $0xb8;
	[tilespmem:$0x1BE00] =	vst v63  }
0x1c: {  	_ = 	snop  }
0x1d: {  	[tilespmem:s15], [sflag:$0x1] =	stream.linear.gather [hbm4b:s6+s4], $0x100, $0x38;
	[tilespmem:$0x1BE00] =	vst v63  }
0x1e: {  	[spmem:s17], [sflag:s16] =	dma.local [hbm:s7], $0x2780  }
0x1f: {  	_ =	swait.ge [sflag:s12], $0x2780  }
0x20: {  	[sflag:s12] =	ssyncset.done $0x0  }
0x21: {  	[sflag:s12] =	ssyncadd.s32 $0xFFFFD880  }
0x22: {  	[bflag:$0x0] =	sbarrier.arrive $0xFFFF  }
0x23: {  	_ =	swait.ge [sflag:s18], $0x100  }
0x24: {  	[sflag:s18] =	ssyncset.done $0x0  }
0x25: {  	[sflag:s18] =	ssyncadd.s32 $0xFFFFFF00  }
0x26: {  	[tilespmem:s19], [sflag:$0x3] =	stream.indirect.gather [hbm4b:s2+s13], $0x80, s15, s13, $0xb8;
	[tilespmem:$0x1BE00] =	vst v63  }
0x27: {  	_ =	swait.ge [sflag:s20], $0x4000  }
0x28: {  	[sflag:s20] =	ssyncset.done $0x0  }
0x29: {  	[sflag:s20] =	ssyncadd.s32 $0xFFFFC000  }
0x2a: {  	[spmem:s3] =	stream.indirect.scatter.add.f32 [tilespmem:s14], [sflag:$0x4], $0x80, s13, s13, $0xb8;
	[tilespmem:$0x1BE00] =	vst v63  }
0x2b: {  	_ =	swait.ge [sflag:s21], $0x4000  }
0x2c: {  	[sflag:s21] =	ssyncset.done $0x0  }
0x2d: {  	[sflag:s21] =	ssyncadd.s32 $0xFFFFC000  }
0x2e: {  	[spmem:s3] =	stream.indirect.scatter.add.f32 [tilespmem:s19], [sflag:$0x5], $0x80, s22, s13, $0xb8;
	[tilespmem:$0x1BE00] =	vst v63  }
0x2f: {  	_ =	swait.ge [sflag:s23], $0x4000  }
0x30: {  	[sflag:s23] =	ssyncset.done $0x0  }
0x31: {  	s26 =	sadd.s32 $0x0, s11;
	[sflag:s23] =	ssyncadd.s32 $0xFFFFC000  }
0x32: {  	[tilespmem:s4], [sflag:$0x6] =	stream.linear.gather [hbm4b:s26+s4], $0x100, $0x38;
	[tilespmem:$0x1BE00] =	vst v63  }
0x33: {  	_ =	swait.ge [sflag:s12], $0x100  }
0x34: {  	[sflag:s12] =	ssyncset.done $0x0  }
0x35: {  	[sflag:s12] =	ssyncadd.s32 $0xFFFFFF00  }
0x36: {  	[tilespmem:s14], [sflag:$0x2] =	stream.indirect.gather [hbm4b:s2+s13], $0x80, s4, s13, $0xb8;
	[tilespmem:$0x1BE00] =	vst v63  }
0x37: {  	_ =	swait.ge [sflag:s24], $0x4000  }
0x38: {  	[sflag:s24] =	ssyncset.done $0x0  }
0x39: {  	s28 =	sadd.s32 $0x0, s10;
	s26 =	simm.s32 $0x40;
	[sflag:s24] =	ssyncadd.s32 $0xFFFFC000  }
.LBB2_2:
0x3a: {  	[tilespmem:s15], [sflag:$0x1] =	stream.linear.gather [hbm4b:s28+s4], $0x100, $0x38;
	[tilespmem:$0x1BE00] =	vst v63  }
0x3b: {  	s28 =	smov.u32 s26  }
0x3c: {  	p0 =	sne.s32 s26, $0x980;
	s26 =	sadd.s32 $0x40, s26;
	_ =	swait.ge [sflag:s18], $0x100  }
0x3d: {  	[sflag:s18] =	ssyncset.done $0x0  }
0x3e: {  	[sflag:s18] =	ssyncadd.s32 $0xFFFFFF00  }
0x3f: {  	[tilespmem:s19], [sflag:$0x3] =	stream.indirect.gather [hbm4b:s2+s13], $0x80, s15, s13, $0xb8;
	[tilespmem:$0x1BE00] =	vst v63  }
0x40: {  	_ =	swait.ge [sflag:s20], $0x4000  }
0x41: {  	[sflag:s20] =	ssyncset.done $0x0  }
0x42: {  	[sflag:s20] =	ssyncadd.s32 $0xFFFFC000  }
0x43: {  	[spmem:s3] =	stream.indirect.scatter.add.f32 [tilespmem:s14], [sflag:$0x4], $0x80, s13, s13, $0xb8;
	[tilespmem:$0x1BE00] =	vst v63  }
0x44: {  	_ =	swait.ge [sflag:s21], $0x4000  }
0x45: {  	[sflag:s21] =	ssyncset.done $0x0  }
0x46: {  	[sflag:s21] =	ssyncadd.s32 $0xFFFFC000  }
0x47: {  	[spmem:s3] =	stream.indirect.scatter.add.f32 [tilespmem:s19], [sflag:$0x5], $0x80, s22, s13, $0xb8;
	[tilespmem:$0x1BE00] =	vst v63  }
0x48: {  	_ =	swait.ge [sflag:s23], $0x4000  }
0x49: {  	[sflag:s23] =	ssyncset.done $0x0  }
0x4a: {  	s29 =	sadd.s32 s28, s11;
	[sflag:s23] =	ssyncadd.s32 $0xFFFFC000  }
0x4b: {  	[tilespmem:s4], [sflag:$0x6] =	stream.linear.gather [hbm4b:s29+s4], $0x100, $0x38;
	[tilespmem:$0x1BE00] =	vst v63  }
0x4c: {  	_ =	swait.ge [sflag:s12], $0x100  }
0x4d: {  	[sflag:s12] =	ssyncset.done $0x0  }
.Ltmp0:
0x4e: {  	[sflag:s12] =	ssyncadd.s32 $0xFFFFFF00;
	(pc) =	sbr.rel @p0 .LBB2_2-.Ltmp0, $4  }
0x4f: {  	[tilespmem:s14], [sflag:$0x2] =	stream.indirect.gather [hbm4b:s2+s13], $0x80, s4, s13, $0xb8;
	[tilespmem:$0x1BE00] =	vst v63  }
0x50: {  	_ =	swait.ge [sflag:s24], $0x4000  }
0x51: {  	[sflag:s24] =	ssyncset.done $0x0  }
0x52: {  	s28 =	sadd.s32 s28, s10;
	[sflag:s24] =	ssyncadd.s32 $0xFFFFC000  }
0x53: {  	[tilespmem:s15], [sflag:$0x1] =	stream.linear.gather [hbm4b:s28+s4], $0x100, $0x38;
	[tilespmem:$0x1BE00] =	vst v63  }
0x54: {  	_ =	swait.ge [sflag:s18], $0x100  }
0x55: {  	[sflag:s18] =	ssyncset.done $0x0  }
0x56: {  	[sflag:s18] =	ssyncadd.s32 $0xFFFFFF00  }
0x57: {  	[tilespmem:s19], [sflag:$0x3] =	stream.indirect.gather [hbm4b:s2+s13], $0x80, s15, s13, $0xb8;
	[tilespmem:$0x1BE00] =	vst v63  }
0x58: {  	_ =	swait.ge [sflag:s20], $0x4000  }
0x59: {  	[sflag:s20] =	ssyncset.done $0x0  }
0x5a: {  	[sflag:s20] =	ssyncadd.s32 $0xFFFFC000  }
0x5b: {  	[spmem:s3] =	stream.indirect.scatter.add.f32 [tilespmem:s14], [sflag:$0x4], $0x80, s13, s13, $0xb8;
	[tilespmem:$0x1BE00] =	vst v63  }
0x5c: {  	_ =	swait.ge [sflag:s21], $0x4000  }
0x5d: {  	[sflag:s21] =	ssyncset.done $0x0  }
0x5e: {  	[sflag:s21] =	ssyncadd.s32 $0xFFFFC000  }
0x5f: {  	[spmem:s3] =	stream.indirect.scatter.add.f32 [tilespmem:s19], [sflag:$0x5], $0x80, s22, s13, $0xb8;
	[tilespmem:$0x1BE00] =	vst v63  }
0x60: {  	_ =	swait.ge [sflag:s23], $0x4000  }
0x61: {  	[sflag:s23] =	ssyncset.done $0x0  }
0x62: {  	[sflag:s23] =	ssyncadd.s32 $0xFFFFC000  }
0x63: {  	_ =	swait.ge [sflag:s24], $0x4000  }
0x64: {  	s25 =	sadd.s32 $0x1, s25;
	[sflag:s24] =	ssyncset.done $0x0  }
0x65: {  	p0 =	sne.s32 s25, s9;
	[sflag:s24] =	ssyncadd.s32 $0xFFFFC000  }
.Ltmp1:
0x66: {  	[bflag:$0x0] =	sbarrier.arrive $0xFFFF;
	(pc) =	sbr.rel @p0 .LBB2_1-.Ltmp1, $4  }
0x67: {  	[hbm:s8], [sflag:s16] =	dma.local [spmem:s17], $0x2780  }
0x68: {  	_ =	swait.ge [sflag:s12], $0x2780  }
0x69: {  	[sflag:s12] =	ssyncset.done $0x0  }
0x6a: {  	[sflag:s12] =	ssyncadd.s32 $0xFFFFD880  }
0x6b: {  	_ =	sfence.sel $0x180000  }
0x6c: {  	[bflag:$0x0] =	sbarrier.arrive $0xFFFF  }
0x6d: {  	p0 =	sne.s32 s1, $0x0;
	_ =	strace $0x90000050  }
0x6e: {  	s0 =	sadd.s32 @!p0 $0x100000, s0;
	[bflag:$0x2] =	sbarrier.arrive $0xFFFF  }
0x6f: {  	[sflag:s0] =	ssyncadd.tile.s32 @!p0 $0x1;
	_ =	shalt  }
.Lfunc_end2:
_tile_overlayer_lowered:
.L_overlay_start_2:
0x70: {  	(tag) =	ssettag $0x2  }
0x71: {  	s0 =	rddreg [dreg:$0x0];
	s2 =	stileid.u32  }
0x72: {  	s1 =	rddreg [dreg:$0x1];
	p0 =	sne.s32 s2, $0x0  }
0x73: {  	s3 =	rddreg [dreg:$0x2];
	[bflag:$0x3] =	sbarrier.arrive $0xFFFF;
	s2 =	simm.s32 @!p0 $0x1C06  }
0x74: {  	[timem:s3], [sflag:s2] =	dma.local @!p0 [hbm:s0], s1  }
0x75: {  	s0 =	simm.s32 @!p0 $0x6  }
0x76: {  	_ =	swait.ge @!p0 [sflag:s0], s1  }
0x77: {  	s1 =	ssub.s32 @!p0 $0x0, s1;
	[sflag:s0] =	ssyncset.done @!p0 $0x0  }
0x78: {  	[sflag:s0] =	ssyncadd.s32 @!p0 s1  }
0x79: {  	[bflag:$0x3] =	sbarrier.arrive $0xFFFF  }
0x7a: {  	_ =	shalt  }

</sc_bundles>
